<compile_context>
chip_gen: v7x
topology: tpu7x:2x2x1
jax: 0.10.2.dev20260603
libtpu: 0.0.44.dev20260713+nightly
codegen_flags: <defaults>
</compile_context>

<pallas_src>
import functools

import jax
import jax.numpy as jnp
from jax import lax
from jax.experimental import pallas as pl
from jax.experimental.pallas import tpu as pltpu
from jax.experimental.pallas import tpu_sc as plsc

N = 10000
E = 320000
D_IN = 128
D_EDGE = 16
H = 64
B = 64

NC = 2
NS = 16
NW = NC * NS
PER_W = E // NW
CH = 125
NCH = PER_W // CH
RPT = 624
TAIL = N - NS * RPT
TAIL_OFF = NS * RPT

BLK = 1000
NB = N // BLK


def _sc_mesh():
    return plsc.VectorSubcoreMesh(core_axis_name="c", subcore_axis_name="s")


_SC_PARAMS = pltpu.CompilerParams(use_tc_tiling_on_sc=False)


@functools.partial(
    pl.kernel,
    out_type=jax.ShapeDtypeStruct((NC, N, D_EDGE), jnp.float32),
    mesh=_sc_mesh(),
    compiler_params=_SC_PARAMS,
    scratch_types=[
        pltpu.VMEM((NCH, CH), jnp.int32),
        pltpu.VMEM((CH, D_EDGE), jnp.float32),
        pltpu.VMEM((CH, D_EDGE), jnp.float32),
        pltpu.VMEM((CH, D_EDGE), jnp.float32),
        pltpu.VMEM((CH, D_EDGE), jnp.float32),
        pltpu.VMEM_SHARED((N, D_EDGE), jnp.float32),
        [pltpu.SemaphoreType.DMA] * 4,
        [pltpu.SemaphoreType.DMA] * 4,
    ],
)
def _ea_kernel(ea_hbm, dst_hbm, zeros_hbm, out_hbm, dst_v, buf0, buf1, buf2,
               buf3, acc, gsem, ssem):
    c = lax.axis_index("c")
    s = lax.axis_index("s")
    wid = c * NS + s
    pltpu.sync_copy(zeros_hbm, acc.at[pl.ds(s * RPT, RPT)])

    @pl.when(s == NS - 1)
    def _tail_init():
        pltpu.sync_copy(zeros_hbm.at[pl.ds(0, TAIL)],
                        acc.at[pl.ds(TAIL_OFF, TAIL)])

    pltpu.sync_copy(dst_hbm.at[wid], dst_v)
    plsc.subcore_barrier()

    bufs = (buf0, buf1, buf2, buf3)
    for p in range(3):
        pltpu.async_copy(ea_hbm.at[wid, p], bufs[p], gsem[p])

    def body(jj, carry):
        for p in range(4):
            j = 4 * jj + p
            q = (p + 3) % 4
            pltpu.make_async_copy(ea_hbm.at[wid, j], bufs[p], gsem[p]).wait()
            pltpu.async_copy(bufs[p], acc.at[dst_v.at[j]], ssem[p], add=True)

            @pl.when((j >= 1) & (j + 3 < NCH))
            def _drain(q=q, j=j):
                pltpu.make_async_copy(bufs[q], acc.at[dst_v.at[j]],
                                      ssem[q]).wait()

            @pl.when(j + 3 < NCH)
            def _prefetch(q=q, j=j):
                pltpu.async_copy(ea_hbm.at[wid, j + 3], bufs[q], gsem[q])
        return carry

    lax.fori_loop(0, NCH // 4, body, 0)
    for p in range(4):
        pltpu.make_async_copy(bufs[p], acc.at[dst_v.at[0]], ssem[p]).wait()
    plsc.subcore_barrier()
    pltpu.sync_copy(acc.at[pl.ds(s * RPT, RPT)],
                    out_hbm.at[c, pl.ds(s * RPT, RPT)])

    @pl.when(s == NS - 1)
    def _tail_out():
        pltpu.sync_copy(acc.at[pl.ds(TAIL_OFF, TAIL)],
                        out_hbm.at[c, pl.ds(TAIL_OFF, TAIL)])


@functools.partial(
    pl.kernel,
    out_type=jax.ShapeDtypeStruct((NC, N, H), jnp.float32),
    mesh=_sc_mesh(),
    compiler_params=_SC_PARAMS,
    scratch_types=[
        pltpu.VMEM((NCH, CH), jnp.int32),
        pltpu.VMEM((NCH, CH), jnp.int32),
        pltpu.VMEM((CH, H), jnp.float32),
        pltpu.VMEM((CH, H), jnp.float32),
        pltpu.VMEM((CH, H), jnp.float32),
        pltpu.VMEM((CH, H), jnp.float32),
        pltpu.VMEM_SHARED((N, H), jnp.float32),
        [pltpu.SemaphoreType.DMA] * 4,
        [pltpu.SemaphoreType.DMA] * 4,
    ],
)
def _gather_scatter_kernel(y_hbm, src_hbm, dst_hbm, zeros_hbm, out_hbm,
                           src_v, dst_v, buf0, buf1, buf2, buf3, acc,
                           gsem, ssem):
    c = lax.axis_index("c")
    s = lax.axis_index("s")
    wid = c * NS + s
    pltpu.sync_copy(zeros_hbm, acc.at[pl.ds(s * RPT, RPT)])

    @pl.when(s == NS - 1)
    def _tail_init():
        pltpu.sync_copy(zeros_hbm.at[pl.ds(0, TAIL)],
                        acc.at[pl.ds(TAIL_OFF, TAIL)])

    pltpu.sync_copy(src_hbm.at[wid], src_v)
    pltpu.sync_copy(dst_hbm.at[wid], dst_v)
    plsc.subcore_barrier()

    bufs = (buf0, buf1, buf2, buf3)
    for p in range(3):
        pltpu.async_copy(y_hbm.at[src_v.at[p]], bufs[p], gsem[p])

    def body(jj, carry):
        for p in range(4):
            j = 4 * jj + p
            q = (p + 3) % 4
            pltpu.make_async_copy(y_hbm.at[src_v.at[j]], bufs[p],
                                  gsem[p]).wait()
            pltpu.async_copy(bufs[p], acc.at[dst_v.at[j]], ssem[p], add=True)

            @pl.when((j >= 1) & (j + 3 < NCH))
            def _drain(q=q, j=j):
                pltpu.make_async_copy(bufs[q], acc.at[dst_v.at[j]],
                                      ssem[q]).wait()

            @pl.when(j + 3 < NCH)
            def _prefetch(q=q, j=j):
                pltpu.async_copy(y_hbm.at[src_v.at[j + 3]], bufs[q], gsem[q])
        return carry

    lax.fori_loop(0, NCH // 4, body, 0)
    for p in range(4):
        pltpu.make_async_copy(bufs[p], acc.at[dst_v.at[0]], ssem[p]).wait()
    plsc.subcore_barrier()
    pltpu.sync_copy(acc.at[pl.ds(s * RPT, RPT)],
                    out_hbm.at[c, pl.ds(s * RPT, RPT)])

    @pl.when(s == NS - 1)
    def _tail_out():
        pltpu.sync_copy(acc.at[pl.ds(TAIL_OFF, TAIL)],
                        out_hbm.at[c, pl.ds(TAIL_OFF, TAIL)])


def _prep_body(x_ref, w_ref, b_ref, y1_ref, s1_ref):
    out = jnp.dot(x_ref[...], w_ref[...],
                  preferred_element_type=jnp.float32) + b_ref[...]
    y1_ref[...] = out[:, :H]
    s1_ref[...] = out[:, H:]


def _prep(x, wcat, bcat):
    return pl.pallas_call(
        _prep_body,
        grid=(NB,),
        in_specs=[
            pl.BlockSpec((BLK, D_IN), lambda i: (i, 0)),
            pl.BlockSpec((D_IN, 2 * H), lambda i: (0, 0)),
            pl.BlockSpec((1, 2 * H), lambda i: (0, 0)),
        ],
        out_specs=[
            pl.BlockSpec((BLK, H), lambda i: (i, 0)),
            pl.BlockSpec((BLK, H), lambda i: (i, 0)),
        ],
        out_shape=[
            jax.ShapeDtypeStruct((N, H), jnp.float32),
            jax.ShapeDtypeStruct((N, H), jnp.float32),
        ],
    )(x, wcat, bcat)


def _update_body(gp_ref, eap_ref, we_ref, s_ref, w_ref, b_ref, h_ref, y_ref):
    ea = eap_ref[0] + eap_ref[1]
    cterm = jnp.dot(ea, we_ref[...], preferred_element_type=jnp.float32)
    h = jnp.maximum(gp_ref[0] + gp_ref[1] + cterm + s_ref[...], 0.0)
    h_ref[...] = h
    y_ref[...] = jnp.dot(h, w_ref[...],
                         preferred_element_type=jnp.float32) + b_ref[...]


def _update(gp, eap, we, sterm, wnext, bnext):
    return pl.pallas_call(
        _update_body,
        grid=(NB,),
        in_specs=[
            pl.BlockSpec((NC, BLK, H), lambda i: (0, i, 0)),
            pl.BlockSpec((NC, BLK, D_EDGE), lambda i: (0, i, 0)),
            pl.BlockSpec((D_EDGE, H), lambda i: (0, 0)),
            pl.BlockSpec((BLK, H), lambda i: (i, 0)),
            pl.BlockSpec((H, H), lambda i: (0, 0)),
            pl.BlockSpec((1, H), lambda i: (0, 0)),
        ],
        out_specs=[
            pl.BlockSpec((BLK, H), lambda i: (i, 0)),
            pl.BlockSpec((BLK, H), lambda i: (i, 0)),
        ],
        out_shape=[
            jax.ShapeDtypeStruct((N, H), jnp.float32),
            jax.ShapeDtypeStruct((N, H), jnp.float32),
        ],
    )(gp, eap, we, sterm, wnext, bnext)


def _final_body(gp_ref, eap_ref, we_ref, s_ref, batch_ref, lig_ref, poc_ref,
                wl_ref, bl_ref, wp_ref, bp_ref, wf_ref, bf_ref, wo_ref, bo_ref,
                out_ref, acc_ref):
    i = pl.program_id(0)

    @pl.when(i == 0)
    def _init():
        acc_ref[...] = jnp.zeros_like(acc_ref)

    ea = eap_ref[0] + eap_ref[1]
    cterm = jnp.dot(ea, we_ref[...], preferred_element_type=jnp.float32)
    h3 = jnp.maximum(gp_ref[0] + gp_ref[1] + cterm + s_ref[...], 0.0)

    ids = batch_ref[0, 0, :]
    onehot = (ids[None, :] == lax.broadcasted_iota(jnp.int32, (B, BLK), 0)
              ).astype(jnp.float32)
    hcat = jnp.concatenate(
        [h3, jnp.ones((BLK, 1), jnp.float32),
         jnp.zeros((BLK, 2 * H - H - 1), jnp.float32)], axis=1)
    acc_ref[...] += jnp.dot(onehot, hcat, preferred_element_type=jnp.float32)

    @pl.when(i == NB - 1)
    def _finish():
        sums = acc_ref[:, :H]
        counts = acc_ref[:, H:H + 1]
        pooled = sums / jnp.maximum(counts, 1.0)
        lig = jnp.dot(lig_ref[...], wl_ref[...],
                      preferred_element_type=jnp.float32) + bl_ref[...]
        poc = jnp.dot(poc_ref[...], wp_ref[...],
                      preferred_element_type=jnp.float32) + bp_ref[...]
        zcat = jnp.concatenate([pooled, lig, poc], axis=1)
        z = jnp.dot(zcat, wf_ref[...],
                    preferred_element_type=jnp.float32) + bf_ref[...]
        out_ref[...] = jnp.dot(z, wo_ref[...],
                               preferred_element_type=jnp.float32) + bo_ref[...]


def _final(gp, eap, we, sterm, batch3, lig, poc, wl, bl, wp, bp, wf, bf, wo, bo):
    return pl.pallas_call(
        _final_body,
        grid=(NB,),
        in_specs=[
            pl.BlockSpec((NC, BLK, H), lambda i: (0, i, 0)),
            pl.BlockSpec((NC, BLK, D_EDGE), lambda i: (0, i, 0)),
            pl.BlockSpec((D_EDGE, H), lambda i: (0, 0)),
            pl.BlockSpec((BLK, H), lambda i: (i, 0)),
            pl.BlockSpec((1, 1, BLK), lambda i: (i, 0, 0)),
            pl.BlockSpec((B, D_IN), lambda i: (0, 0)),
            pl.BlockSpec((B, D_IN), lambda i: (0, 0)),
            pl.BlockSpec((D_IN, H), lambda i: (0, 0)),
            pl.BlockSpec((1, H), lambda i: (0, 0)),
            pl.BlockSpec((D_IN, H), lambda i: (0, 0)),
            pl.BlockSpec((1, H), lambda i: (0, 0)),
            pl.BlockSpec((3 * H, H), lambda i: (0, 0)),
            pl.BlockSpec((1, H), lambda i: (0, 0)),
            pl.BlockSpec((H, 1), lambda i: (0, 0)),
            pl.BlockSpec((1, 1), lambda i: (0, 0)),
        ],
        out_specs=pl.BlockSpec((B, 1), lambda i: (0, 0)),
        out_shape=jax.ShapeDtypeStruct((B, 1), jnp.float32),
        scratch_shapes=[pltpu.VMEM((B, 2 * H), jnp.float32)],
    )(gp, eap, we, sterm, batch3, lig, poc, wl, bl, wp, bp, wf, bf, wo, bo)


def kernel(x, edge_index, edge_attr, batch, ligand_features, pocket_features,
           return_embeddings, W_msg1, b_msg1, W_edge1, b_edge1, W_self1,
           b_self1, W_msg2, b_msg2, W_edge2, b_edge2, W_msg3, b_msg3, W_edge3,
           b_edge3, W_lig, b_lig, W_poc, b_poc, W_fus, b_fus, W_out, b_out):
    src_r = edge_index[0].reshape(NW, NCH, CH)
    dst_r = edge_index[1].reshape(NW, NCH, CH)
    ea_r = edge_attr.reshape(NW, NCH, CH, D_EDGE)
    batch3 = batch.reshape(NB, 1, BLK)
    z16 = jnp.zeros((RPT, D_EDGE), jnp.float32)
    z64 = jnp.zeros((RPT, H), jnp.float32)

    eap = _ea_kernel(ea_r, dst_r, z16)

    wcat = jnp.concatenate([W_msg1, W_self1], axis=1)
    bcat = jnp.concatenate([b_msg1 + b_edge1, b_self1]).reshape(1, 2 * H)
    y1, s1 = _prep(x, wcat, bcat)

    g1 = _gather_scatter_kernel(y1, src_r, dst_r, z64)
    h1, y2 = _update(g1, eap, W_edge1, s1, W_msg2,
                     (b_msg2 + b_edge2).reshape(1, H))
    g2 = _gather_scatter_kernel(y2, src_r, dst_r, z64)
    h2, y3 = _update(g2, eap, W_edge2, h1, W_msg3,
                     (b_msg3 + b_edge3).reshape(1, H))
    g3 = _gather_scatter_kernel(y3, src_r, dst_r, z64)
    out = _final(g3, eap, W_edge3, h2, batch3, ligand_features,
                 pocket_features, W_lig, b_lig.reshape(1, H), W_poc,
                 b_poc.reshape(1, H), W_fus, b_fus.reshape(1, H), W_out,
                 b_out.reshape(1, 1))

    gate = jnp.asarray(return_embeddings, jnp.float32)
    return out * (1.0 - gate)

# --- scband reference (transcript-rebuilt; emitter-appended) ---
"""Pipeline reference for scband-gnn-10883447128068 (READ-ONLY COPY).

The authoritative reference and input builder live on the scoring server;
editing this copy changes nothing except your own understanding.
"""

import jax, jax.numpy as jnp
import numpy as np

N = 10000
E = 320000
D_IN = 128
D_EDGE = 16
H = 64
B = 64

def _lin(key, fan_in, fan_out):
    return (jax.random.normal(key, (fan_in, fan_out), dtype=jnp.float32) / np.sqrt(fan_in)).astype(jnp.float32)

def setup_inputs(seed: int = 0):
    key = jax.random.key(seed)
    ks = jax.random.split(key, 32)
    inp = {}
    inp['x'] = jax.random.normal(ks[0], (N, D_IN), dtype=jnp.float32)
    inp['edge_index'] = jax.random.randint(ks[1], (2, E), 0, N, dtype=jnp.int32)
    inp['edge_attr'] = jax.random.normal(ks[2], (E, D_EDGE), dtype=jnp.float32)
    inp['batch'] = jnp.sort(jax.random.randint(ks[3], (N,), 0, B, dtype=jnp.int32))
    inp['ligand_features'] = jax.random.normal(ks[4], (B, D_IN), dtype=jnp.float32)
    inp['pocket_features'] = jax.random.normal(ks[5], (B, D_IN), dtype=jnp.float32)
    inp['return_embeddings'] = False
    inp['W_msg1'] = _lin(ks[6], D_IN, H); inp['b_msg1'] = jnp.zeros((H,), jnp.float32)
    inp['W_edge1'] = _lin(ks[7], D_EDGE, H); inp['b_edge1'] = jnp.zeros((H,), jnp.float32)
    inp['W_self1'] = _lin(ks[8], D_IN, H); inp['b_self1'] = jnp.zeros((H,), jnp.float32)
    inp['W_msg2'] = _lin(ks[9], H, H); inp['b_msg2'] = jnp.zeros((H,), jnp.float32)
    inp['W_edge2'] = _lin(ks[10], D_EDGE, H); inp['b_edge2'] = jnp.zeros((H,), jnp.float32)
    inp['W_msg3'] = _lin(ks[11], H, H); inp['b_msg3'] = jnp.zeros((H,), jnp.float32)
    inp['W_edge3'] = _lin(ks[12], D_EDGE, H); inp['b_edge3'] = jnp.zeros((H,), jnp.float32)
    inp['W_lig'] = _lin(ks[13], D_IN, H); inp['b_lig'] = jnp.zeros((H,), jnp.float32)
    inp['W_poc'] = _lin(ks[14], D_IN, H); inp['b_poc'] = jnp.zeros((H,), jnp.float32)
    inp['W_fus'] = _lin(ks[15], 3 * H, H); inp['b_fus'] = jnp.zeros((H,), jnp.float32)
    inp['W_out'] = _lin(ks[16], H, 1); inp['b_out'] = jnp.zeros((1,), jnp.float32)
    return inp

def reference(x, edge_index, edge_attr, batch, ligand_features, pocket_features, return_embeddings, W_msg1, b_msg1, W_edge1, b_edge1, W_self1, b_self1, W_msg2, b_msg2, W_edge2, b_edge2, W_msg3, b_msg3, W_edge3, b_edge3, W_lig, b_lig, W_poc, b_poc, W_fus, b_fus, W_out, b_out):
    # GeneralConv (heads=1, aggr='add', no attention):
    #   message = lin_msg(x_j) + lin_edge(edge_attr); out = scatter_add(msg, dst) + lin_self(x)
    #   lin_self is Identity when in_channels == out_channels (layers 2..L)
    src = edge_index[0]
    dst = edge_index[1]
    def conv(h, Wm, bm, We, be, self_term):
        msg = h[src] @ Wm + bm + edge_attr @ We + be
        agg = jax.ops.segment_sum(msg, dst, num_segments=N)
        return jax.nn.relu(agg + self_term)
    h = conv(x, W_msg1, b_msg1, W_edge1, b_edge1, x @ W_self1 + b_self1)
    h = conv(h, W_msg2, b_msg2, W_edge2, b_edge2, h)
    h = conv(h, W_msg3, b_msg3, W_edge3, b_edge3, h)
    # global_mean_pool over batch ids
    counts = jax.ops.segment_sum(jnp.ones((N,), jnp.float32), batch, num_segments=B)
    sums = jax.ops.segment_sum(h, batch, num_segments=B)
    pooled = sums / jnp.maximum(counts, 1.0)[:, None]
    lig = ligand_features @ W_lig + b_lig
    poc = pocket_features @ W_poc + b_poc
    z = jnp.concatenate([pooled, lig, poc], axis=1)
    z = z @ W_fus + b_fus
    # dropout is identity in eval mode
    gate = jnp.asarray(return_embeddings, jnp.float32)
    z = (z @ W_out + b_out) * (1.0 - gate)
    return z

if __name__ == "__main__":
    import jax
    _d = setup_inputs()
    print(jax.jit(kernel)(*tuple(_d.values())))

</pallas_src>

<mosaic_0001>
#map = affine_map<(d0, d1) -> (0, 0, 0, 0)>
#map1 = affine_map<(d0, d1) -> (0, 0, 0)>
#map2 = affine_map<(d0, d1) -> (0, 0)>
module attributes {stable_mosaic.version = 14 : i64} {
  func.func @_ea_kernel(%arg0: i32, %arg1: i32, %arg2: memref<32x80x125x16xf32, #tpu.memory_space<hbm>>, %arg3: memref<32x80x125xi32, #tpu.memory_space<hbm>>, %arg4: memref<624x16xf32, #tpu.memory_space<hbm>>, %arg5: memref<2x10000x16xf32, #tpu.memory_space<hbm>>, %arg6: memref<80x125xi32, #tpu.memory_space<vmem>>, %arg7: memref<125x16xf32, #tpu.memory_space<vmem>>, %arg8: memref<125x16xf32, #tpu.memory_space<vmem>>, %arg9: memref<125x16xf32, #tpu.memory_space<vmem>>, %arg10: memref<125x16xf32, #tpu.memory_space<vmem>>, %arg11: memref<10000x16xf32, #tpu.memory_space<vmem_shared>>, %arg12: memref<!tpu.dma_semaphore, #tpu.memory_space<semaphore_mem>>, %arg13: memref<!tpu.dma_semaphore, #tpu.memory_space<semaphore_mem>>, %arg14: memref<!tpu.dma_semaphore, #tpu.memory_space<semaphore_mem>>, %arg15: memref<!tpu.dma_semaphore, #tpu.memory_space<semaphore_mem>>, %arg16: memref<!tpu.dma_semaphore, #tpu.memory_space<semaphore_mem>>, %arg17: memref<!tpu.dma_semaphore, #tpu.memory_space<semaphore_mem>>, %arg18: memref<!tpu.dma_semaphore, #tpu.memory_space<semaphore_mem>>, %arg19: memref<!tpu.dma_semaphore, #tpu.memory_space<semaphore_mem>>) attributes {dimension_semantics = [#tpu.dimension_semantics<core_parallel>, #tpu.dimension_semantics<subcore_parallel>], iteration_bounds = array<i64: 2, 16>, scalar_prefetch = 0 : i64, scratch_operands = 14 : i64, tpu.core_type = #tpu.core_type<sc_vector_subcore>, window_params = [{transform_indices = #map}, {transform_indices = #map1}, {transform_indices = #map2}, {transform_indices = #map1}]} {
    %mul3A = arith.constant 16 : i32
    %mul3A_0 = arith.muli %arg0, %mul3A : i32
    %add3A = arith.addi %mul3A_0, %arg1 : i32
    %mul3A_1 = arith.constant 624 : i32
    %mul3A_2 = arith.muli %arg1, %mul3A_1 : i32
    "tpu.region"() ({
      %run_scoped3A = tpu.sem_alloc : memref<!tpu.dma_semaphore, #tpu.memory_space<semaphore_mem>>
      %dma_start3A_73 = arith.constant 0 : i32
      %dma_start3A_74 = tpu.memref_slice %arg11[%mul3A_2, %dma_start3A_73] : memref<10000x16xf32, #tpu.memory_space<vmem_shared>> -> memref<624x16xf32, #tpu.memory_space<vmem_shared>>
      tpu.enqueue_dma source(%arg4 : memref<624x16xf32, #tpu.memory_space<hbm>>) target(%dma_start3A_74 : memref<624x16xf32, #tpu.memory_space<vmem_shared>>) target_semaphore(%run_scoped3A : memref<!tpu.dma_semaphore, #tpu.memory_space<semaphore_mem>>)
      %dma_wait3A_75 = arith.constant 0 : i32
      %dma_wait3A_76 = tpu.memref_slice %arg11[%mul3A_2, %dma_wait3A_75] : memref<10000x16xf32, #tpu.memory_space<vmem_shared>> -> memref<624x16xf32, #tpu.memory_space<vmem_shared>>
      tpu.wait_dma2 semaphore(%run_scoped3A : memref<!tpu.dma_semaphore, #tpu.memory_space<semaphore_mem>>) src(%arg4 : memref<624x16xf32, #tpu.memory_space<hbm>>) dst(%dma_wait3A_76 : memref<624x16xf32, #tpu.memory_space<vmem_shared>>)
      tpu.yield
    }) : () -> ()
    %eq3A = arith.constant 15 : i32
    %eq3A_3 = arith.cmpi eq, %arg1, %eq3A : i32
    %convert_element_type3A = arith.extui %eq3A_3 : i1 to i32
    %cond3A = arith.constant 0 : i32
    %cond3A_4 = arith.cmpi ne, %convert_element_type3A, %cond3A : i32
    scf.if %cond3A_4 {
      "tpu.region"() ({
        %run_scoped3A = tpu.sem_alloc : memref<!tpu.dma_semaphore, #tpu.memory_space<semaphore_mem>>
        %dma_start3A_73 = arith.constant 9984 : i32
        %dma_start3A_74 = arith.constant 0 : i32
        %dma_start3A_75 = tpu.memref_slice %arg11[%dma_start3A_73, %dma_start3A_74] : memref<10000x16xf32, #tpu.memory_space<vmem_shared>> -> memref<16x16xf32, #tpu.memory_space<vmem_shared>>
        %dma_start3A_76 = arith.constant 0 : i32
        %dma_start3A_77 = arith.constant 0 : i32
        %dma_start3A_78 = tpu.memref_slice %arg4[%dma_start3A_76, %dma_start3A_77] : memref<624x16xf32, #tpu.memory_space<hbm>> -> memref<16x16xf32, #tpu.memory_space<hbm>>
        tpu.enqueue_dma source(%dma_start3A_78 : memref<16x16xf32, #tpu.memory_space<hbm>>) target(%dma_start3A_75 : memref<16x16xf32, #tpu.memory_space<vmem_shared>>) target_semaphore(%run_scoped3A : memref<!tpu.dma_semaphore, #tpu.memory_space<semaphore_mem>>)
        %dma_wait3A_79 = arith.constant 9984 : i32
        %dma_wait3A_80 = arith.constant 0 : i32
        %dma_wait3A_81 = tpu.memref_slice %arg11[%dma_wait3A_79, %dma_wait3A_80] : memref<10000x16xf32, #tpu.memory_space<vmem_shared>> -> memref<16x16xf32, #tpu.memory_space<vmem_shared>>
        %dma_wait3A_82 = arith.constant 0 : i32
        %dma_wait3A_83 = arith.constant 0 : i32
        %dma_wait3A_84 = tpu.memref_slice %arg4[%dma_wait3A_82, %dma_wait3A_83] : memref<624x16xf32, #tpu.memory_space<hbm>> -> memref<16x16xf32, #tpu.memory_space<hbm>>
        tpu.wait_dma2 semaphore(%run_scoped3A : memref<!tpu.dma_semaphore, #tpu.memory_space<semaphore_mem>>) src(%dma_wait3A_84 : memref<16x16xf32, #tpu.memory_space<hbm>>) dst(%dma_wait3A_81 : memref<16x16xf32, #tpu.memory_space<vmem_shared>>)
        tpu.yield
      }) : () -> ()
    } else {
    }
    "tpu.region"() ({
      %run_scoped3A = tpu.sem_alloc : memref<!tpu.dma_semaphore, #tpu.memory_space<semaphore_mem>>
      %dma_start3A_73 = arith.constant 0 : i32
      %dma_start3A_74 = arith.constant 0 : i32
      %dma_start3A_75 = tpu.memref_slice %arg3[%add3A, %dma_start3A_73, %dma_start3A_74] : memref<32x80x125xi32, #tpu.memory_space<hbm>> -> memref<1x80x125xi32, #tpu.memory_space<hbm>>
      %dma_start3A_76 = tpu.memref_squeeze %dma_start3A_75 : memref<1x80x125xi32, #tpu.memory_space<hbm>> -> memref<80x125xi32, #tpu.memory_space<hbm>>
      %dma_start3A_77 = arith.constant 0 : i32
      %dma_start3A_78 = arith.constant 0 : i32
      %dma_start3A_79 = tpu.memref_slice %arg3[%add3A, %dma_start3A_77, %dma_start3A_78] : memref<32x80x125xi32, #tpu.memory_space<hbm>> -> memref<1x80x125xi32, #tpu.memory_space<hbm>>
      %dma_start3A_80 = tpu.memref_squeeze %dma_start3A_79 : memref<1x80x125xi32, #tpu.memory_space<hbm>> -> memref<80x125xi32, #tpu.memory_space<hbm>>
      tpu.enqueue_dma source(%dma_start3A_80 : memref<80x125xi32, #tpu.memory_space<hbm>>) target(%arg6 : memref<80x125xi32, #tpu.memory_space<vmem>>) target_semaphore(%run_scoped3A : memref<!tpu.dma_semaphore, #tpu.memory_space<semaphore_mem>>)
      %dma_wait3A_81 = arith.constant 0 : i32
      %dma_wait3A_82 = arith.constant 0 : i32
      %dma_wait3A_83 = tpu.memref_slice %arg3[%add3A, %dma_wait3A_81, %dma_wait3A_82] : memref<32x80x125xi32, #tpu.memory_space<hbm>> -> memref<1x80x125xi32, #tpu.memory_space<hbm>>
      %dma_wait3A_84 = tpu.memref_squeeze %dma_wait3A_83 : memref<1x80x125xi32, #tpu.memory_space<hbm>> -> memref<80x125xi32, #tpu.memory_space<hbm>>
      %dma_wait3A_85 = arith.constant 0 : i32
      %dma_wait3A_86 = arith.constant 0 : i32
      %dma_wait3A_87 = tpu.memref_slice %arg3[%add3A, %dma_wait3A_85, %dma_wait3A_86] : memref<32x80x125xi32, #tpu.memory_space<hbm>> -> memref<1x80x125xi32, #tpu.memory_space<hbm>>
      %dma_wait3A_88 = tpu.memref_squeeze %dma_wait3A_87 : memref<1x80x125xi32, #tpu.memory_space<hbm>> -> memref<80x125xi32, #tpu.memory_space<hbm>>
      tpu.wait_dma2 semaphore(%run_scoped3A : memref<!tpu.dma_semaphore, #tpu.memory_space<semaphore_mem>>) src(%dma_wait3A_88 : memref<80x125xi32, #tpu.memory_space<hbm>>) dst(%arg6 : memref<80x125xi32, #tpu.memory_space<vmem>>)
      tpu.yield
    }) : () -> ()
    %barrier3A = arith.constant 0 : index
    tpu.barrier barrier_id(%barrier3A)
    %dma_start3A = arith.constant 0 : i32
    %dma_start3A_5 = arith.constant 0 : i32
    %dma_start3A_6 = arith.constant 0 : i32
    %dma_start3A_7 = tpu.memref_slice %arg2[%add3A, %dma_start3A, %dma_start3A_5, %dma_start3A_6] : memref<32x80x125x16xf32, #tpu.memory_space<hbm>> -> memref<1x1x125x16xf32, #tpu.memory_space<hbm>>
    %dma_start3A_8 = tpu.memref_squeeze %dma_start3A_7 : memref<1x1x125x16xf32, #tpu.memory_space<hbm>> -> memref<125x16xf32, #tpu.memory_space<hbm>>
    %dma_start3A_9 = arith.constant 0 : i32
    %dma_start3A_10 = arith.constant 0 : i32
    %dma_start3A_11 = tpu.memref_slice %arg2[%add3A, %dma_start3A, %dma_start3A_9, %dma_start3A_10] : memref<32x80x125x16xf32, #tpu.memory_space<hbm>> -> memref<1x1x125x16xf32, #tpu.memory_space<hbm>>
    %dma_start3A_12 = tpu.memref_squeeze %dma_start3A_11 : memref<1x1x125x16xf32, #tpu.memory_space<hbm>> -> memref<125x16xf32, #tpu.memory_space<hbm>>
    tpu.enqueue_dma source(%dma_start3A_12 : memref<125x16xf32, #tpu.memory_space<hbm>>) target(%arg7 : memref<125x16xf32, #tpu.memory_space<vmem>>) target_semaphore(%arg12 : memref<!tpu.dma_semaphore, #tpu.memory_space<semaphore_mem>>)
    %dma_start3A_13 = arith.constant 1 : i32
    %dma_start3A_14 = arith.constant 0 : i32
    %dma_start3A_15 = arith.constant 0 : i32
    %dma_start3A_16 = tpu.memref_slice %arg2[%add3A, %dma_start3A_13, %dma_start3A_14, %dma_start3A_15] : memref<32x80x125x16xf32, #tpu.memory_space<hbm>> -> memref<1x1x125x16xf32, #tpu.memory_space<hbm>>
    %dma_start3A_17 = tpu.memref_squeeze %dma_start3A_16 : memref<1x1x125x16xf32, #tpu.memory_space<hbm>> -> memref<125x16xf32, #tpu.memory_space<hbm>>
    %dma_start3A_18 = arith.constant 0 : i32
    %dma_start3A_19 = arith.constant 0 : i32
    %dma_start3A_20 = tpu.memref_slice %arg2[%add3A, %dma_start3A_13, %dma_start3A_18, %dma_start3A_19] : memref<32x80x125x16xf32, #tpu.memory_space<hbm>> -> memref<1x1x125x16xf32, #tpu.memory_space<hbm>>
    %dma_start3A_21 = tpu.memref_squeeze %dma_start3A_20 : memref<1x1x125x16xf32, #tpu.memory_space<hbm>> -> memref<125x16xf32, #tpu.memory_space<hbm>>
    tpu.enqueue_dma source(%dma_start3A_21 : memref<125x16xf32, #tpu.memory_space<hbm>>) target(%arg8 : memref<125x16xf32, #tpu.memory_space<vmem>>) target_semaphore(%arg13 : memref<!tpu.dma_semaphore, #tpu.memory_space<semaphore_mem>>)
    %dma_start3A_22 = arith.constant 2 : i32
    %dma_start3A_23 = arith.constant 0 : i32
    %dma_start3A_24 = arith.constant 0 : i32
    %dma_start3A_25 = tpu.memref_slice %arg2[%add3A, %dma_start3A_22, %dma_start3A_23, %dma_start3A_24] : memref<32x80x125x16xf32, #tpu.memory_space<hbm>> -> memref<1x1x125x16xf32, #tpu.memory_space<hbm>>
    %dma_start3A_26 = tpu.memref_squeeze %dma_start3A_25 : memref<1x1x125x16xf32, #tpu.memory_space<hbm>> -> memref<125x16xf32, #tpu.memory_space<hbm>>
    %dma_start3A_27 = arith.constant 0 : i32
    %dma_start3A_28 = arith.constant 0 : i32
    %dma_start3A_29 = tpu.memref_slice %arg2[%add3A, %dma_start3A_22, %dma_start3A_27, %dma_start3A_28] : memref<32x80x125x16xf32, #tpu.memory_space<hbm>> -> memref<1x1x125x16xf32, #tpu.memory_space<hbm>>
    %dma_start3A_30 = tpu.memref_squeeze %dma_start3A_29 : memref<1x1x125x16xf32, #tpu.memory_space<hbm>> -> memref<125x16xf32, #tpu.memory_space<hbm>>
    tpu.enqueue_dma source(%dma_start3A_30 : memref<125x16xf32, #tpu.memory_space<hbm>>) target(%arg9 : memref<125x16xf32, #tpu.memory_space<vmem>>) target_semaphore(%arg14 : memref<!tpu.dma_semaphore, #tpu.memory_space<semaphore_mem>>)
    %scan3A = arith.constant 0 : i32
    %scan3A_31 = arith.constant 0 : i32
    %scan3A_32 = arith.constant 20 : i32
    %scan3A_33 = arith.addi %scan3A_31, %scan3A_32 : i32
    %scan3A_34 = arith.constant 1 : i32
    scf.for %scan3A_73 = %scan3A_31 to %scan3A_33 step %scan3A_34  : i32 {
      %mul3A_74 = arith.constant 4 : i32
      %mul3A_75 = arith.muli %mul3A_74, %scan3A_73 : i32
      %add3A_76 = arith.constant 0 : i32
      %add3A_77 = arith.addi %mul3A_75, %add3A_76 : i32
      %dma_wait3A_78 = arith.constant 0 : i32
      %dma_wait3A_79 = arith.constant 0 : i32
      %dma_wait3A_80 = tpu.memref_slice %arg2[%add3A, %add3A_77, %dma_wait3A_78, %dma_wait3A_79] : memref<32x80x125x16xf32, #tpu.memory_space<hbm>> -> memref<1x1x125x16xf32, #tpu.memory_space<hbm>>
      %dma_wait3A_81 = tpu.memref_squeeze %dma_wait3A_80 : memref<1x1x125x16xf32, #tpu.memory_space<hbm>> -> memref<125x16xf32, #tpu.memory_space<hbm>>
      %dma_wait3A_82 = arith.constant 0 : i32
      %dma_wait3A_83 = arith.constant 0 : i32
      %dma_wait3A_84 = tpu.memref_slice %arg2[%add3A, %add3A_77, %dma_wait3A_82, %dma_wait3A_83] : memref<32x80x125x16xf32, #tpu.memory_space<hbm>> -> memref<1x1x125x16xf32, #tpu.memory_space<hbm>>
      %dma_wait3A_85 = tpu.memref_squeeze %dma_wait3A_84 : memref<1x1x125x16xf32, #tpu.memory_space<hbm>> -> memref<125x16xf32, #tpu.memory_space<hbm>>
      tpu.wait_dma2 semaphore(%arg12 : memref<!tpu.dma_semaphore, #tpu.memory_space<semaphore_mem>>) src(%dma_wait3A_85 : memref<125x16xf32, #tpu.memory_space<hbm>>) dst(%arg7 : memref<125x16xf32, #tpu.memory_space<vmem>>)
      %dma_start3A_86 = arith.constant 0 : i32
      %dma_start3A_87 = tpu.memref_slice %arg6[%add3A_77, %dma_start3A_86] : memref<80x125xi32, #tpu.memory_space<vmem>> -> memref<1x125xi32, #tpu.memory_space<vmem>>
      %dma_start3A_88 = tpu.memref_squeeze %dma_start3A_87 : memref<1x125xi32, #tpu.memory_space<vmem>> -> memref<125xi32, #tpu.memory_space<vmem>>
      %dma_start3A_89 = arith.constant 0 : i32
      %dma_start3A_90 = arith.constant 0 : i32
      %dma_start3A_91 = tpu.memref_slice %arg11[%dma_start3A_89, %dma_start3A_90] : memref<10000x16xf32, #tpu.memory_space<vmem_shared>> -> memref<10000x16xf32, #tpu.memory_space<vmem_shared>>
      tpu.enqueue_indirect_dma source(%arg7 : memref<125x16xf32, #tpu.memory_space<vmem>>) target(%dma_start3A_91 : memref<10000x16xf32, #tpu.memory_space<vmem_shared>>) offsets(%dma_start3A_88 : memref<125xi32, #tpu.memory_space<vmem>>) semaphore(%arg16 : memref<!tpu.dma_semaphore, #tpu.memory_space<semaphore_mem>>) {add = true}
      %ge3A = arith.constant 1 : i32
      %ge3A_92 = arith.cmpi sge, %add3A_77, %ge3A : i32
      %add3A_93 = arith.constant 3 : i32
      %add3A_94 = arith.addi %add3A_77, %add3A_93 : i32
      %lt3A = arith.constant 80 : i32
      %lt3A_95 = arith.cmpi slt, %add3A_94, %lt3A : i32
      %and3A = arith.andi %ge3A_92, %lt3A_95 : i1
      %convert_element_type3A_96 = arith.extui %and3A : i1 to i32
      %cond3A_97 = arith.constant 0 : i32
      %cond3A_98 = arith.cmpi ne, %convert_element_type3A_96, %cond3A_97 : i32
      scf.if %cond3A_98 {
        %dma_wait3A_211 = arith.constant 0 : i32
        %dma_wait3A_212 = tpu.memref_slice %arg6[%add3A_77, %dma_wait3A_211] : memref<80x125xi32, #tpu.memory_space<vmem>> -> memref<1x125xi32, #tpu.memory_space<vmem>>
        %dma_wait3A_213 = tpu.memref_squeeze %dma_wait3A_212 : memref<1x125xi32, #tpu.memory_space<vmem>> -> memref<125xi32, #tpu.memory_space<vmem>>
        %dma_wait3A_214 = arith.constant 0 : i32
        %dma_wait3A_215 = arith.constant 0 : i32
        %dma_wait3A_216 = tpu.memref_slice %arg11[%dma_wait3A_214, %dma_wait3A_215] : memref<10000x16xf32, #tpu.memory_space<vmem_shared>> -> memref<10000x16xf32, #tpu.memory_space<vmem_shared>>
        tpu.wait_indirect_dma semaphore(%arg19 : memref<!tpu.dma_semaphore, #tpu.memory_space<semaphore_mem>>) src(%arg10 : memref<125x16xf32, #tpu.memory_space<vmem>>) dst(%dma_wait3A_216 : memref<10000x16xf32, #tpu.memory_space<vmem_shared>>)
      } else {
      }
      %add3A_99 = arith.constant 3 : i32
      %add3A_100 = arith.addi %add3A_77, %add3A_99 : i32
      %lt3A_101 = arith.constant 80 : i32
      %lt3A_102 = arith.cmpi slt, %add3A_100, %lt3A_101 : i32
      %convert_element_type3A_103 = arith.extui %lt3A_102 : i1 to i32
      %cond3A_104 = arith.constant 0 : i32
      %cond3A_105 = arith.cmpi ne, %convert_element_type3A_103, %cond3A_104 : i32
      scf.if %cond3A_105 {
        %add3A_211 = arith.constant 3 : i32
        %add3A_212 = arith.addi %add3A_77, %add3A_211 : i32
        %dma_start3A_213 = arith.constant 0 : i32
        %dma_start3A_214 = arith.constant 0 : i32
        %dma_start3A_215 = tpu.memref_slice %arg2[%add3A, %add3A_212, %dma_start3A_213, %dma_start3A_214] : memref<32x80x125x16xf32, #tpu.memory_space<hbm>> -> memref<1x1x125x16xf32, #tpu.memory_space<hbm>>
        %dma_start3A_216 = tpu.memref_squeeze %dma_start3A_215 : memref<1x1x125x16xf32, #tpu.memory_space<hbm>> -> memref<125x16xf32, #tpu.memory_space<hbm>>
        %dma_start3A_217 = arith.constant 0 : i32
        %dma_start3A_218 = arith.constant 0 : i32
        %dma_start3A_219 = tpu.memref_slice %arg2[%add3A, %add3A_212, %dma_start3A_217, %dma_start3A_218] : memref<32x80x125x16xf32, #tpu.memory_space<hbm>> -> memref<1x1x125x16xf32, #tpu.memory_space<hbm>>
        %dma_start3A_220 = tpu.memref_squeeze %dma_start3A_219 : memref<1x1x125x16xf32, #tpu.memory_space<hbm>> -> memref<125x16xf32, #tpu.memory_space<hbm>>
        tpu.enqueue_dma source(%dma_start3A_220 : memref<125x16xf32, #tpu.memory_space<hbm>>) target(%arg10 : memref<125x16xf32, #tpu.memory_space<vmem>>) target_semaphore(%arg15 : memref<!tpu.dma_semaphore, #tpu.memory_space<semaphore_mem>>)
      } else {
      }
      %mul3A_106 = arith.constant 4 : i32
      %mul3A_107 = arith.muli %mul3A_106, %scan3A_73 : i32
      %add3A_108 = arith.constant 1 : i32
      %add3A_109 = arith.addi %mul3A_107, %add3A_108 : i32
      %dma_wait3A_110 = arith.constant 0 : i32
      %dma_wait3A_111 = arith.constant 0 : i32
      %dma_wait3A_112 = tpu.memref_slice %arg2[%add3A, %add3A_109, %dma_wait3A_110, %dma_wait3A_111] : memref<32x80x125x16xf32, #tpu.memory_space<hbm>> -> memref<1x1x125x16xf32, #tpu.memory_space<hbm>>
      %dma_wait3A_113 = tpu.memref_squeeze %dma_wait3A_112 : memref<1x1x125x16xf32, #tpu.memory_space<hbm>> -> memref<125x16xf32, #tpu.memory_space<hbm>>
      %dma_wait3A_114 = arith.constant 0 : i32
      %dma_wait3A_115 = arith.constant 0 : i32
      %dma_wait3A_116 = tpu.memref_slice %arg2[%add3A, %add3A_109, %dma_wait3A_114, %dma_wait3A_115] : memref<32x80x125x16xf32, #tpu.memory_space<hbm>> -> memref<1x1x125x16xf32, #tpu.memory_space<hbm>>
      %dma_wait3A_117 = tpu.memref_squeeze %dma_wait3A_116 : memref<1x1x125x16xf32, #tpu.memory_space<hbm>> -> memref<125x16xf32, #tpu.memory_space<hbm>>
      tpu.wait_dma2 semaphore(%arg13 : memref<!tpu.dma_semaphore, #tpu.memory_space<semaphore_mem>>) src(%dma_wait3A_117 : memref<125x16xf32, #tpu.memory_space<hbm>>) dst(%arg8 : memref<125x16xf32, #tpu.memory_space<vmem>>)
      %dma_start3A_118 = arith.constant 0 : i32
      %dma_start3A_119 = tpu.memref_slice %arg6[%add3A_109, %dma_start3A_118] : memref<80x125xi32, #tpu.memory_space<vmem>> -> memref<1x125xi32, #tpu.memory_space<vmem>>
      %dma_start3A_120 = tpu.memref_squeeze %dma_start3A_119 : memref<1x125xi32, #tpu.memory_space<vmem>> -> memref<125xi32, #tpu.memory_space<vmem>>
      %dma_start3A_121 = arith.constant 0 : i32
      %dma_start3A_122 = arith.constant 0 : i32
      %dma_start3A_123 = tpu.memref_slice %arg11[%dma_start3A_121, %dma_start3A_122] : memref<10000x16xf32, #tpu.memory_space<vmem_shared>> -> memref<10000x16xf32, #tpu.memory_space<vmem_shared>>
      tpu.enqueue_indirect_dma source(%arg8 : memref<125x16xf32, #tpu.memory_space<vmem>>) target(%dma_start3A_123 : memref<10000x16xf32, #tpu.memory_space<vmem_shared>>) offsets(%dma_start3A_120 : memref<125xi32, #tpu.memory_space<vmem>>) semaphore(%arg17 : memref<!tpu.dma_semaphore, #tpu.memory_space<semaphore_mem>>) {add = true}
      %ge3A_124 = arith.constant 1 : i32
      %ge3A_125 = arith.cmpi sge, %add3A_109, %ge3A_124 : i32
      %add3A_126 = arith.constant 3 : i32
      %add3A_127 = arith.addi %add3A_109, %add3A_126 : i32
      %lt3A_128 = arith.constant 80 : i32
      %lt3A_129 = arith.cmpi slt, %add3A_127, %lt3A_128 : i32
      %and3A_130 = arith.andi %ge3A_125, %lt3A_129 : i1
      %convert_element_type3A_131 = arith.extui %and3A_130 : i1 to i32
      %cond3A_132 = arith.constant 0 : i32
      %cond3A_133 = arith.cmpi ne, %convert_element_type3A_131, %cond3A_132 : i32
      scf.if %cond3A_133 {
        %dma_wait3A_211 = arith.constant 0 : i32
        %dma_wait3A_212 = tpu.memref_slice %arg6[%add3A_109, %dma_wait3A_211] : memref<80x125xi32, #tpu.memory_space<vmem>> -> memref<1x125xi32, #tpu.memory_space<vmem>>
        %dma_wait3A_213 = tpu.memref_squeeze %dma_wait3A_212 : memref<1x125xi32, #tpu.memory_space<vmem>> -> memref<125xi32, #tpu.memory_space<vmem>>
        %dma_wait3A_214 = arith.constant 0 : i32
        %dma_wait3A_215 = arith.constant 0 : i32
        %dma_wait3A_216 = tpu.memref_slice %arg11[%dma_wait3A_214, %dma_wait3A_215] : memref<10000x16xf32, #tpu.memory_space<vmem_shared>> -> memref<10000x16xf32, #tpu.memory_space<vmem_shared>>
        tpu.wait_indirect_dma semaphore(%arg16 : memref<!tpu.dma_semaphore, #tpu.memory_space<semaphore_mem>>) src(%arg7 : memref<125x16xf32, #tpu.memory_space<vmem>>) dst(%dma_wait3A_216 : memref<10000x16xf32, #tpu.memory_space<vmem_shared>>)
      } else {
      }
      %add3A_134 = arith.constant 3 : i32
      %add3A_135 = arith.addi %add3A_109, %add3A_134 : i32
      %lt3A_136 = arith.constant 80 : i32
      %lt3A_137 = arith.cmpi slt, %add3A_135, %lt3A_136 : i32
      %convert_element_type3A_138 = arith.extui %lt3A_137 : i1 to i32
      %cond3A_139 = arith.constant 0 : i32
      %cond3A_140 = arith.cmpi ne, %convert_element_type3A_138, %cond3A_139 : i32
      scf.if %cond3A_140 {
        %add3A_211 = arith.constant 3 : i32
        %add3A_212 = arith.addi %add3A_109, %add3A_211 : i32
        %dma_start3A_213 = arith.constant 0 : i32
        %dma_start3A_214 = arith.constant 0 : i32
        %dma_start3A_215 = tpu.memref_slice %arg2[%add3A, %add3A_212, %dma_start3A_213, %dma_start3A_214] : memref<32x80x125x16xf32, #tpu.memory_space<hbm>> -> memref<1x1x125x16xf32, #tpu.memory_space<hbm>>
        %dma_start3A_216 = tpu.memref_squeeze %dma_start3A_215 : memref<1x1x125x16xf32, #tpu.memory_space<hbm>> -> memref<125x16xf32, #tpu.memory_space<hbm>>
        %dma_start3A_217 = arith.constant 0 : i32
        %dma_start3A_218 = arith.constant 0 : i32
        %dma_start3A_219 = tpu.memref_slice %arg2[%add3A, %add3A_212, %dma_start3A_217, %dma_start3A_218] : memref<32x80x125x16xf32, #tpu.memory_space<hbm>> -> memref<1x1x125x16xf32, #tpu.memory_space<hbm>>
        %dma_start3A_220 = tpu.memref_squeeze %dma_start3A_219 : memref<1x1x125x16xf32, #tpu.memory_space<hbm>> -> memref<125x16xf32, #tpu.memory_space<hbm>>
        tpu.enqueue_dma source(%dma_start3A_220 : memref<125x16xf32, #tpu.memory_space<hbm>>) target(%arg7 : memref<125x16xf32, #tpu.memory_space<vmem>>) target_semaphore(%arg12 : memref<!tpu.dma_semaphore, #tpu.memory_space<semaphore_mem>>)
      } else {
      }
      %mul3A_141 = arith.constant 4 : i32
      %mul3A_142 = arith.muli %mul3A_141, %scan3A_73 : i32
      %add3A_143 = arith.constant 2 : i32
      %add3A_144 = arith.addi %mul3A_142, %add3A_143 : i32
      %dma_wait3A_145 = arith.constant 0 : i32
      %dma_wait3A_146 = arith.constant 0 : i32
      %dma_wait3A_147 = tpu.memref_slice %arg2[%add3A, %add3A_144, %dma_wait3A_145, %dma_wait3A_146] : memref<32x80x125x16xf32, #tpu.memory_space<hbm>> -> memref<1x1x125x16xf32, #tpu.memory_space<hbm>>
      %dma_wait3A_148 = tpu.memref_squeeze %dma_wait3A_147 : memref<1x1x125x16xf32, #tpu.memory_space<hbm>> -> memref<125x16xf32, #tpu.memory_space<hbm>>
      %dma_wait3A_149 = arith.constant 0 : i32
      %dma_wait3A_150 = arith.constant 0 : i32
      %dma_wait3A_151 = tpu.memref_slice %arg2[%add3A, %add3A_144, %dma_wait3A_149, %dma_wait3A_150] : memref<32x80x125x16xf32, #tpu.memory_space<hbm>> -> memref<1x1x125x16xf32, #tpu.memory_space<hbm>>
      %dma_wait3A_152 = tpu.memref_squeeze %dma_wait3A_151 : memref<1x1x125x16xf32, #tpu.memory_space<hbm>> -> memref<125x16xf32, #tpu.memory_space<hbm>>
      tpu.wait_dma2 semaphore(%arg14 : memref<!tpu.dma_semaphore, #tpu.memory_space<semaphore_mem>>) src(%dma_wait3A_152 : memref<125x16xf32, #tpu.memory_space<hbm>>) dst(%arg9 : memref<125x16xf32, #tpu.memory_space<vmem>>)
      %dma_start3A_153 = arith.constant 0 : i32
      %dma_start3A_154 = tpu.memref_slice %arg6[%add3A_144, %dma_start3A_153] : memref<80x125xi32, #tpu.memory_space<vmem>> -> memref<1x125xi32, #tpu.memory_space<vmem>>
      %dma_start3A_155 = tpu.memref_squeeze %dma_start3A_154 : memref<1x125xi32, #tpu.memory_space<vmem>> -> memref<125xi32, #tpu.memory_space<vmem>>
      %dma_start3A_156 = arith.constant 0 : i32
      %dma_start3A_157 = arith.constant 0 : i32
      %dma_start3A_158 = tpu.memref_slice %arg11[%dma_start3A_156, %dma_start3A_157] : memref<10000x16xf32, #tpu.memory_space<vmem_shared>> -> memref<10000x16xf32, #tpu.memory_space<vmem_shared>>
      tpu.enqueue_indirect_dma source(%arg9 : memref<125x16xf32, #tpu.memory_space<vmem>>) target(%dma_start3A_158 : memref<10000x16xf32, #tpu.memory_space<vmem_shared>>) offsets(%dma_start3A_155 : memref<125xi32, #tpu.memory_space<vmem>>) semaphore(%arg18 : memref<!tpu.dma_semaphore, #tpu.memory_space<semaphore_mem>>) {add = true}
      %ge3A_159 = arith.constant 1 : i32
      %ge3A_160 = arith.cmpi sge, %add3A_144, %ge3A_159 : i32
      %add3A_161 = arith.constant 3 : i32
      %add3A_162 = arith.addi %add3A_144, %add3A_161 : i32
      %lt3A_163 = arith.constant 80 : i32
      %lt3A_164 = arith.cmpi slt, %add3A_162, %lt3A_163 : i32
      %and3A_165 = arith.andi %ge3A_160, %lt3A_164 : i1
      %convert_element_type3A_166 = arith.extui %and3A_165 : i1 to i32
      %cond3A_167 = arith.constant 0 : i32
      %cond3A_168 = arith.cmpi ne, %convert_element_type3A_166, %cond3A_167 : i32
      scf.if %cond3A_168 {
        %dma_wait3A_211 = arith.constant 0 : i32
        %dma_wait3A_212 = tpu.memref_slice %arg6[%add3A_144, %dma_wait3A_211] : memref<80x125xi32, #tpu.memory_space<vmem>> -> memref<1x125xi32, #tpu.memory_space<vmem>>
        %dma_wait3A_213 = tpu.memref_squeeze %dma_wait3A_212 : memref<1x125xi32, #tpu.memory_space<vmem>> -> memref<125xi32, #tpu.memory_space<vmem>>
        %dma_wait3A_214 = arith.constant 0 : i32
        %dma_wait3A_215 = arith.constant 0 : i32
        %dma_wait3A_216 = tpu.memref_slice %arg11[%dma_wait3A_214, %dma_wait3A_215] : memref<10000x16xf32, #tpu.memory_space<vmem_shared>> -> memref<10000x16xf32, #tpu.memory_space<vmem_shared>>
        tpu.wait_indirect_dma semaphore(%arg17 : memref<!tpu.dma_semaphore, #tpu.memory_space<semaphore_mem>>) src(%arg8 : memref<125x16xf32, #tpu.memory_space<vmem>>) dst(%dma_wait3A_216 : memref<10000x16xf32, #tpu.memory_space<vmem_shared>>)
      } else {
      }
      %add3A_169 = arith.constant 3 : i32
      %add3A_170 = arith.addi %add3A_144, %add3A_169 : i32
      %lt3A_171 = arith.constant 80 : i32
      %lt3A_172 = arith.cmpi slt, %add3A_170, %lt3A_171 : i32
      %convert_element_type3A_173 = arith.extui %lt3A_172 : i1 to i32
      %cond3A_174 = arith.constant 0 : i32
      %cond3A_175 = arith.cmpi ne, %convert_element_type3A_173, %cond3A_174 : i32
      scf.if %cond3A_175 {
        %add3A_211 = arith.constant 3 : i32
        %add3A_212 = arith.addi %add3A_144, %add3A_211 : i32
        %dma_start3A_213 = arith.constant 0 : i32
        %dma_start3A_214 = arith.constant 0 : i32
        %dma_start3A_215 = tpu.memref_slice %arg2[%add3A, %add3A_212, %dma_start3A_213, %dma_start3A_214] : memref<32x80x125x16xf32, #tpu.memory_space<hbm>> -> memref<1x1x125x16xf32, #tpu.memory_space<hbm>>
        %dma_start3A_216 = tpu.memref_squeeze %dma_start3A_215 : memref<1x1x125x16xf32, #tpu.memory_space<hbm>> -> memref<125x16xf32, #tpu.memory_space<hbm>>
        %dma_start3A_217 = arith.constant 0 : i32
        %dma_start3A_218 = arith.constant 0 : i32
        %dma_start3A_219 = tpu.memref_slice %arg2[%add3A, %add3A_212, %dma_start3A_217, %dma_start3A_218] : memref<32x80x125x16xf32, #tpu.memory_space<hbm>> -> memref<1x1x125x16xf32, #tpu.memory_space<hbm>>
        %dma_start3A_220 = tpu.memref_squeeze %dma_start3A_219 : memref<1x1x125x16xf32, #tpu.memory_space<hbm>> -> memref<125x16xf32, #tpu.memory_space<hbm>>
        tpu.enqueue_dma source(%dma_start3A_220 : memref<125x16xf32, #tpu.memory_space<hbm>>) target(%arg8 : memref<125x16xf32, #tpu.memory_space<vmem>>) target_semaphore(%arg13 : memref<!tpu.dma_semaphore, #tpu.memory_space<semaphore_mem>>)
      } else {
      }
      %mul3A_176 = arith.constant 4 : i32
      %mul3A_177 = arith.muli %mul3A_176, %scan3A_73 : i32
      %add3A_178 = arith.constant 3 : i32
      %add3A_179 = arith.addi %mul3A_177, %add3A_178 : i32
      %dma_wait3A_180 = arith.constant 0 : i32
      %dma_wait3A_181 = arith.constant 0 : i32
      %dma_wait3A_182 = tpu.memref_slice %arg2[%add3A, %add3A_179, %dma_wait3A_180, %dma_wait3A_181] : memref<32x80x125x16xf32, #tpu.memory_space<hbm>> -> memref<1x1x125x16xf32, #tpu.memory_space<hbm>>
      %dma_wait3A_183 = tpu.memref_squeeze %dma_wait3A_182 : memref<1x1x125x16xf32, #tpu.memory_space<hbm>> -> memref<125x16xf32, #tpu.memory_space<hbm>>
      %dma_wait3A_184 = arith.constant 0 : i32
      %dma_wait3A_185 = arith.constant 0 : i32
      %dma_wait3A_186 = tpu.memref_slice %arg2[%add3A, %add3A_179, %dma_wait3A_184, %dma_wait3A_185] : memref<32x80x125x16xf32, #tpu.memory_space<hbm>> -> memref<1x1x125x16xf32, #tpu.memory_space<hbm>>
      %dma_wait3A_187 = tpu.memref_squeeze %dma_wait3A_186 : memref<1x1x125x16xf32, #tpu.memory_space<hbm>> -> memref<125x16xf32, #tpu.memory_space<hbm>>
      tpu.wait_dma2 semaphore(%arg15 : memref<!tpu.dma_semaphore, #tpu.memory_space<semaphore_mem>>) src(%dma_wait3A_187 : memref<125x16xf32, #tpu.memory_space<hbm>>) dst(%arg10 : memref<125x16xf32, #tpu.memory_space<vmem>>)
      %dma_start3A_188 = arith.constant 0 : i32
      %dma_start3A_189 = tpu.memref_slice %arg6[%add3A_179, %dma_start3A_188] : memref<80x125xi32, #tpu.memory_space<vmem>> -> memref<1x125xi32, #tpu.memory_space<vmem>>
      %dma_start3A_190 = tpu.memref_squeeze %dma_start3A_189 : memref<1x125xi32, #tpu.memory_space<vmem>> -> memref<125xi32, #tpu.memory_space<vmem>>
      %dma_start3A_191 = arith.constant 0 : i32
      %dma_start3A_192 = arith.constant 0 : i32
      %dma_start3A_193 = tpu.memref_slice %arg11[%dma_start3A_191, %dma_start3A_192] : memref<10000x16xf32, #tpu.memory_space<vmem_shared>> -> memref<10000x16xf32, #tpu.memory_space<vmem_shared>>
      tpu.enqueue_indirect_dma source(%arg10 : memref<125x16xf32, #tpu.memory_space<vmem>>) target(%dma_start3A_193 : memref<10000x16xf32, #tpu.memory_space<vmem_shared>>) offsets(%dma_start3A_190 : memref<125xi32, #tpu.memory_space<vmem>>) semaphore(%arg19 : memref<!tpu.dma_semaphore, #tpu.memory_space<semaphore_mem>>) {add = true}
      %ge3A_194 = arith.constant 1 : i32
      %ge3A_195 = arith.cmpi sge, %add3A_179, %ge3A_194 : i32
      %add3A_196 = arith.constant 3 : i32
      %add3A_197 = arith.addi %add3A_179, %add3A_196 : i32
      %lt3A_198 = arith.constant 80 : i32
      %lt3A_199 = arith.cmpi slt, %add3A_197, %lt3A_198 : i32
      %and3A_200 = arith.andi %ge3A_195, %lt3A_199 : i1
      %convert_element_type3A_201 = arith.extui %and3A_200 : i1 to i32
      %cond3A_202 = arith.constant 0 : i32
      %cond3A_203 = arith.cmpi ne, %convert_element_type3A_201, %cond3A_202 : i32
      scf.if %cond3A_203 {
        %dma_wait3A_211 = arith.constant 0 : i32
        %dma_wait3A_212 = tpu.memref_slice %arg6[%add3A_179, %dma_wait3A_211] : memref<80x125xi32, #tpu.memory_space<vmem>> -> memref<1x125xi32, #tpu.memory_space<vmem>>
        %dma_wait3A_213 = tpu.memref_squeeze %dma_wait3A_212 : memref<1x125xi32, #tpu.memory_space<vmem>> -> memref<125xi32, #tpu.memory_space<vmem>>
        %dma_wait3A_214 = arith.constant 0 : i32
        %dma_wait3A_215 = arith.constant 0 : i32
        %dma_wait3A_216 = tpu.memref_slice %arg11[%dma_wait3A_214, %dma_wait3A_215] : memref<10000x16xf32, #tpu.memory_space<vmem_shared>> -> memref<10000x16xf32, #tpu.memory_space<vmem_shared>>
        tpu.wait_indirect_dma semaphore(%arg18 : memref<!tpu.dma_semaphore, #tpu.memory_space<semaphore_mem>>) src(%arg9 : memref<125x16xf32, #tpu.memory_space<vmem>>) dst(%dma_wait3A_216 : memref<10000x16xf32, #tpu.memory_space<vmem_shared>>)
      } else {
      }
      %add3A_204 = arith.constant 3 : i32
      %add3A_205 = arith.addi %add3A_179, %add3A_204 : i32
      %lt3A_206 = arith.constant 80 : i32
      %lt3A_207 = arith.cmpi slt, %add3A_205, %lt3A_206 : i32
      %convert_element_type3A_208 = arith.extui %lt3A_207 : i1 to i32
      %cond3A_209 = arith.constant 0 : i32
      %cond3A_210 = arith.cmpi ne, %convert_element_type3A_208, %cond3A_209 : i32
      scf.if %cond3A_210 {
        %add3A_211 = arith.constant 3 : i32
        %add3A_212 = arith.addi %add3A_179, %add3A_211 : i32
        %dma_start3A_213 = arith.constant 0 : i32
        %dma_start3A_214 = arith.constant 0 : i32
        %dma_start3A_215 = tpu.memref_slice %arg2[%add3A, %add3A_212, %dma_start3A_213, %dma_start3A_214] : memref<32x80x125x16xf32, #tpu.memory_space<hbm>> -> memref<1x1x125x16xf32, #tpu.memory_space<hbm>>
        %dma_start3A_216 = tpu.memref_squeeze %dma_start3A_215 : memref<1x1x125x16xf32, #tpu.memory_space<hbm>> -> memref<125x16xf32, #tpu.memory_space<hbm>>
        %dma_start3A_217 = arith.constant 0 : i32
        %dma_start3A_218 = arith.constant 0 : i32
        %dma_start3A_219 = tpu.memref_slice %arg2[%add3A, %add3A_212, %dma_start3A_217, %dma_start3A_218] : memref<32x80x125x16xf32, #tpu.memory_space<hbm>> -> memref<1x1x125x16xf32, #tpu.memory_space<hbm>>
        %dma_start3A_220 = tpu.memref_squeeze %dma_start3A_219 : memref<1x1x125x16xf32, #tpu.memory_space<hbm>> -> memref<125x16xf32, #tpu.memory_space<hbm>>
        tpu.enqueue_dma source(%dma_start3A_220 : memref<125x16xf32, #tpu.memory_space<hbm>>) target(%arg9 : memref<125x16xf32, #tpu.memory_space<vmem>>) target_semaphore(%arg14 : memref<!tpu.dma_semaphore, #tpu.memory_space<semaphore_mem>>)
      } else {
      }
    }
    %scan3A_35 = arith.constant 20 : i32
    %dma_wait3A = arith.constant 0 : i32
    %dma_wait3A_36 = arith.constant 0 : i32
    %dma_wait3A_37 = tpu.memref_slice %arg6[%dma_wait3A, %dma_wait3A_36] : memref<80x125xi32, #tpu.memory_space<vmem>> -> memref<1x125xi32, #tpu.memory_space<vmem>>
    %dma_wait3A_38 = tpu.memref_squeeze %dma_wait3A_37 : memref<1x125xi32, #tpu.memory_space<vmem>> -> memref<125xi32, #tpu.memory_space<vmem>>
    %dma_wait3A_39 = arith.constant 0 : i32
    %dma_wait3A_40 = arith.constant 0 : i32
    %dma_wait3A_41 = tpu.memref_slice %arg11[%dma_wait3A_39, %dma_wait3A_40] : memref<10000x16xf32, #tpu.memory_space<vmem_shared>> -> memref<10000x16xf32, #tpu.memory_space<vmem_shared>>
    tpu.wait_indirect_dma semaphore(%arg16 : memref<!tpu.dma_semaphore, #tpu.memory_space<semaphore_mem>>) src(%arg7 : memref<125x16xf32, #tpu.memory_space<vmem>>) dst(%dma_wait3A_41 : memref<10000x16xf32, #tpu.memory_space<vmem_shared>>)
    %dma_wait3A_42 = arith.constant 0 : i32
    %dma_wait3A_43 = arith.constant 0 : i32
    %dma_wait3A_44 = tpu.memref_slice %arg6[%dma_wait3A_42, %dma_wait3A_43] : memref<80x125xi32, #tpu.memory_space<vmem>> -> memref<1x125xi32, #tpu.memory_space<vmem>>
    %dma_wait3A_45 = tpu.memref_squeeze %dma_wait3A_44 : memref<1x125xi32, #tpu.memory_space<vmem>> -> memref<125xi32, #tpu.memory_space<vmem>>
    %dma_wait3A_46 = arith.constant 0 : i32
    %dma_wait3A_47 = arith.constant 0 : i32
    %dma_wait3A_48 = tpu.memref_slice %arg11[%dma_wait3A_46, %dma_wait3A_47] : memref<10000x16xf32, #tpu.memory_space<vmem_shared>> -> memref<10000x16xf32, #tpu.memory_space<vmem_shared>>
    tpu.wait_indirect_dma semaphore(%arg17 : memref<!tpu.dma_semaphore, #tpu.memory_space<semaphore_mem>>) src(%arg8 : memref<125x16xf32, #tpu.memory_space<vmem>>) dst(%dma_wait3A_48 : memref<10000x16xf32, #tpu.memory_space<vmem_shared>>)
    %dma_wait3A_49 = arith.constant 0 : i32
    %dma_wait3A_50 = arith.constant 0 : i32
    %dma_wait3A_51 = tpu.memref_slice %arg6[%dma_wait3A_49, %dma_wait3A_50] : memref<80x125xi32, #tpu.memory_space<vmem>> -> memref<1x125xi32, #tpu.memory_space<vmem>>
    %dma_wait3A_52 = tpu.memref_squeeze %dma_wait3A_51 : memref<1x125xi32, #tpu.memory_space<vmem>> -> memref<125xi32, #tpu.memory_space<vmem>>
    %dma_wait3A_53 = arith.constant 0 : i32
    %dma_wait3A_54 = arith.constant 0 : i32
    %dma_wait3A_55 = tpu.memref_slice %arg11[%dma_wait3A_53, %dma_wait3A_54] : memref<10000x16xf32, #tpu.memory_space<vmem_shared>> -> memref<10000x16xf32, #tpu.memory_space<vmem_shared>>
    tpu.wait_indirect_dma semaphore(%arg18 : memref<!tpu.dma_semaphore, #tpu.memory_space<semaphore_mem>>) src(%arg9 : memref<125x16xf32, #tpu.memory_space<vmem>>) dst(%dma_wait3A_55 : memref<10000x16xf32, #tpu.memory_space<vmem_shared>>)
    %dma_wait3A_56 = arith.constant 0 : i32
    %dma_wait3A_57 = arith.constant 0 : i32
    %dma_wait3A_58 = tpu.memref_slice %arg6[%dma_wait3A_56, %dma_wait3A_57] : memref<80x125xi32, #tpu.memory_space<vmem>> -> memref<1x125xi32, #tpu.memory_space<vmem>>
    %dma_wait3A_59 = tpu.memref_squeeze %dma_wait3A_58 : memref<1x125xi32, #tpu.memory_space<vmem>> -> memref<125xi32, #tpu.memory_space<vmem>>
    %dma_wait3A_60 = arith.constant 0 : i32
    %dma_wait3A_61 = arith.constant 0 : i32
    %dma_wait3A_62 = tpu.memref_slice %arg11[%dma_wait3A_60, %dma_wait3A_61] : memref<10000x16xf32, #tpu.memory_space<vmem_shared>> -> memref<10000x16xf32, #tpu.memory_space<vmem_shared>>
    tpu.wait_indirect_dma semaphore(%arg19 : memref<!tpu.dma_semaphore, #tpu.memory_space<semaphore_mem>>) src(%arg10 : memref<125x16xf32, #tpu.memory_space<vmem>>) dst(%dma_wait3A_62 : memref<10000x16xf32, #tpu.memory_space<vmem_shared>>)
    %barrier3A_63 = arith.constant 0 : index
    tpu.barrier barrier_id(%barrier3A_63)
    %mul3A_64 = arith.constant 624 : i32
    %mul3A_65 = arith.muli %arg1, %mul3A_64 : i32
    %mul3A_66 = arith.constant 624 : i32
    %mul3A_67 = arith.muli %arg1, %mul3A_66 : i32
    "tpu.region"() ({
      %run_scoped3A = tpu.sem_alloc : memref<!tpu.dma_semaphore, #tpu.memory_space<semaphore_mem>>
      %dma_start3A_73 = arith.constant 0 : i32
      %dma_start3A_74 = tpu.memref_slice %arg5[%arg0, %mul3A_67, %dma_start3A_73] : memref<2x10000x16xf32, #tpu.memory_space<hbm>> -> memref<1x624x16xf32, #tpu.memory_space<hbm>>
      %dma_start3A_75 = tpu.memref_squeeze %dma_start3A_74 : memref<1x624x16xf32, #tpu.memory_space<hbm>> -> memref<624x16xf32, #tpu.memory_space<hbm>>
      %dma_start3A_76 = arith.constant 0 : i32
      %dma_start3A_77 = tpu.memref_slice %arg11[%mul3A_65, %dma_start3A_76] : memref<10000x16xf32, #tpu.memory_space<vmem_shared>> -> memref<624x16xf32, #tpu.memory_space<vmem_shared>>
      tpu.enqueue_dma source(%dma_start3A_77 : memref<624x16xf32, #tpu.memory_space<vmem_shared>>) target(%dma_start3A_75 : memref<624x16xf32, #tpu.memory_space<hbm>>) target_semaphore(%run_scoped3A : memref<!tpu.dma_semaphore, #tpu.memory_space<semaphore_mem>>)
      %dma_wait3A_78 = arith.constant 0 : i32
      %dma_wait3A_79 = tpu.memref_slice %arg5[%arg0, %mul3A_67, %dma_wait3A_78] : memref<2x10000x16xf32, #tpu.memory_space<hbm>> -> memref<1x624x16xf32, #tpu.memory_space<hbm>>
      %dma_wait3A_80 = tpu.memref_squeeze %dma_wait3A_79 : memref<1x624x16xf32, #tpu.memory_space<hbm>> -> memref<624x16xf32, #tpu.memory_space<hbm>>
      %dma_wait3A_81 = arith.constant 0 : i32
      %dma_wait3A_82 = tpu.memref_slice %arg11[%mul3A_65, %dma_wait3A_81] : memref<10000x16xf32, #tpu.memory_space<vmem_shared>> -> memref<624x16xf32, #tpu.memory_space<vmem_shared>>
      tpu.wait_dma2 semaphore(%run_scoped3A : memref<!tpu.dma_semaphore, #tpu.memory_space<semaphore_mem>>) src(%dma_wait3A_82 : memref<624x16xf32, #tpu.memory_space<vmem_shared>>) dst(%dma_wait3A_80 : memref<624x16xf32, #tpu.memory_space<hbm>>)
      tpu.yield
    }) : () -> ()
    %eq3A_68 = arith.constant 15 : i32
    %eq3A_69 = arith.cmpi eq, %arg1, %eq3A_68 : i32
    %convert_element_type3A_70 = arith.extui %eq3A_69 : i1 to i32
    %cond3A_71 = arith.constant 0 : i32
    %cond3A_72 = arith.cmpi ne, %convert_element_type3A_70, %cond3A_71 : i32
    scf.if %cond3A_72 {
      "tpu.region"() ({
        %run_scoped3A = tpu.sem_alloc : memref<!tpu.dma_semaphore, #tpu.memory_space<semaphore_mem>>
        %dma_start3A_73 = arith.constant 9984 : i32
        %dma_start3A_74 = arith.constant 0 : i32
        %dma_start3A_75 = tpu.memref_slice %arg5[%arg0, %dma_start3A_73, %dma_start3A_74] : memref<2x10000x16xf32, #tpu.memory_space<hbm>> -> memref<1x16x16xf32, #tpu.memory_space<hbm>>
        %dma_start3A_76 = tpu.memref_squeeze %dma_start3A_75 : memref<1x16x16xf32, #tpu.memory_space<hbm>> -> memref<16x16xf32, #tpu.memory_space<hbm>>
        %dma_start3A_77 = arith.constant 9984 : i32
        %dma_start3A_78 = arith.constant 0 : i32
        %dma_start3A_79 = tpu.memref_slice %arg11[%dma_start3A_77, %dma_start3A_78] : memref<10000x16xf32, #tpu.memory_space<vmem_shared>> -> memref<16x16xf32, #tpu.memory_space<vmem_shared>>
        tpu.enqueue_dma source(%dma_start3A_79 : memref<16x16xf32, #tpu.memory_space<vmem_shared>>) target(%dma_start3A_76 : memref<16x16xf32, #tpu.memory_space<hbm>>) target_semaphore(%run_scoped3A : memref<!tpu.dma_semaphore, #tpu.memory_space<semaphore_mem>>)
        %dma_wait3A_80 = arith.constant 9984 : i32
        %dma_wait3A_81 = arith.constant 0 : i32
        %dma_wait3A_82 = tpu.memref_slice %arg5[%arg0, %dma_wait3A_80, %dma_wait3A_81] : memref<2x10000x16xf32, #tpu.memory_space<hbm>> -> memref<1x16x16xf32, #tpu.memory_space<hbm>>
        %dma_wait3A_83 = tpu.memref_squeeze %dma_wait3A_82 : memref<1x16x16xf32, #tpu.memory_space<hbm>> -> memref<16x16xf32, #tpu.memory_space<hbm>>
        %dma_wait3A_84 = arith.constant 9984 : i32
        %dma_wait3A_85 = arith.constant 0 : i32
        %dma_wait3A_86 = tpu.memref_slice %arg11[%dma_wait3A_84, %dma_wait3A_85] : memref<10000x16xf32, #tpu.memory_space<vmem_shared>> -> memref<16x16xf32, #tpu.memory_space<vmem_shared>>
        tpu.wait_dma2 semaphore(%run_scoped3A : memref<!tpu.dma_semaphore, #tpu.memory_space<semaphore_mem>>) src(%dma_wait3A_86 : memref<16x16xf32, #tpu.memory_space<vmem_shared>>) dst(%dma_wait3A_83 : memref<16x16xf32, #tpu.memory_space<hbm>>)
        tpu.yield
      }) : () -> ()
    } else {
    }
    return
  }
}

#map = affine_map<(d0, d1) -> (0, 0)>
#map1 = affine_map<(d0, d1) -> (0, 0, 0)>
module attributes {stable_mosaic.version = 14 : i64} {
  func.func @_gather_scatter_kernel(%arg0: i32, %arg1: i32, %arg2: memref<10000x64xf32, #tpu.memory_space<hbm>>, %arg3: memref<32x80x125xi32, #tpu.memory_space<hbm>>, %arg4: memref<32x80x125xi32, #tpu.memory_space<hbm>>, %arg5: memref<624x64xf32, #tpu.memory_space<hbm>>, %arg6: memref<2x10000x64xf32, #tpu.memory_space<hbm>>, %arg7: memref<80x125xi32, #tpu.memory_space<vmem>>, %arg8: memref<80x125xi32, #tpu.memory_space<vmem>>, %arg9: memref<125x64xf32, #tpu.memory_space<vmem>>, %arg10: memref<125x64xf32, #tpu.memory_space<vmem>>, %arg11: memref<125x64xf32, #tpu.memory_space<vmem>>, %arg12: memref<125x64xf32, #tpu.memory_space<vmem>>, %arg13: memref<10000x64xf32, #tpu.memory_space<vmem_shared>>, %arg14: memref<!tpu.dma_semaphore, #tpu.memory_space<semaphore_mem>>, %arg15: memref<!tpu.dma_semaphore, #tpu.memory_space<semaphore_mem>>, %arg16: memref<!tpu.dma_semaphore, #tpu.memory_space<semaphore_mem>>, %arg17: memref<!tpu.dma_semaphore, #tpu.memory_space<semaphore_mem>>, %arg18: memref<!tpu.dma_semaphore, #tpu.memory_space<semaphore_mem>>, %arg19: memref<!tpu.dma_semaphore, #tpu.memory_space<semaphore_mem>>, %arg20: memref<!tpu.dma_semaphore, #tpu.memory_space<semaphore_mem>>, %arg21: memref<!tpu.dma_semaphore, #tpu.memory_space<semaphore_mem>>) attributes {dimension_semantics = [#tpu.dimension_semantics<core_parallel>, #tpu.dimension_semantics<subcore_parallel>], iteration_bounds = array<i64: 2, 16>, scalar_prefetch = 0 : i64, scratch_operands = 15 : i64, tpu.core_type = #tpu.core_type<sc_vector_subcore>, window_params = [{transform_indices = #map}, {transform_indices = #map1}, {transform_indices = #map1}, {transform_indices = #map}, {transform_indices = #map1}]} {
    %mul3A = arith.constant 16 : i32
    %mul3A_0 = arith.muli %arg0, %mul3A : i32
    %add3A = arith.addi %mul3A_0, %arg1 : i32
    %mul3A_1 = arith.constant 624 : i32
    %mul3A_2 = arith.muli %arg1, %mul3A_1 : i32
    "tpu.region"() ({
      %run_scoped3A = tpu.sem_alloc : memref<!tpu.dma_semaphore, #tpu.memory_space<semaphore_mem>>
      %dma_start3A_67 = arith.constant 0 : i32
      %dma_start3A_68 = tpu.memref_slice %arg13[%mul3A_2, %dma_start3A_67] : memref<10000x64xf32, #tpu.memory_space<vmem_shared>> -> memref<624x64xf32, #tpu.memory_space<vmem_shared>>
      tpu.enqueue_dma source(%arg5 : memref<624x64xf32, #tpu.memory_space<hbm>>) target(%dma_start3A_68 : memref<624x64xf32, #tpu.memory_space<vmem_shared>>) target_semaphore(%run_scoped3A : memref<!tpu.dma_semaphore, #tpu.memory_space<semaphore_mem>>)
      %dma_wait3A_69 = arith.constant 0 : i32
      %dma_wait3A_70 = tpu.memref_slice %arg13[%mul3A_2, %dma_wait3A_69] : memref<10000x64xf32, #tpu.memory_space<vmem_shared>> -> memref<624x64xf32, #tpu.memory_space<vmem_shared>>
      tpu.wait_dma2 semaphore(%run_scoped3A : memref<!tpu.dma_semaphore, #tpu.memory_space<semaphore_mem>>) src(%arg5 : memref<624x64xf32, #tpu.memory_space<hbm>>) dst(%dma_wait3A_70 : memref<624x64xf32, #tpu.memory_space<vmem_shared>>)
      tpu.yield
    }) : () -> ()
    %eq3A = arith.constant 15 : i32
    %eq3A_3 = arith.cmpi eq, %arg1, %eq3A : i32
    %convert_element_type3A = arith.extui %eq3A_3 : i1 to i32
    %cond3A = arith.constant 0 : i32
    %cond3A_4 = arith.cmpi ne, %convert_element_type3A, %cond3A : i32
    scf.if %cond3A_4 {
      "tpu.region"() ({
        %run_scoped3A = tpu.sem_alloc : memref<!tpu.dma_semaphore, #tpu.memory_space<semaphore_mem>>
        %dma_start3A_67 = arith.constant 9984 : i32
        %dma_start3A_68 = arith.constant 0 : i32
        %dma_start3A_69 = tpu.memref_slice %arg13[%dma_start3A_67, %dma_start3A_68] : memref<10000x64xf32, #tpu.memory_space<vmem_shared>> -> memref<16x64xf32, #tpu.memory_space<vmem_shared>>
        %dma_start3A_70 = arith.constant 0 : i32
        %dma_start3A_71 = arith.constant 0 : i32
        %dma_start3A_72 = tpu.memref_slice %arg5[%dma_start3A_70, %dma_start3A_71] : memref<624x64xf32, #tpu.memory_space<hbm>> -> memref<16x64xf32, #tpu.memory_space<hbm>>
        tpu.enqueue_dma source(%dma_start3A_72 : memref<16x64xf32, #tpu.memory_space<hbm>>) target(%dma_start3A_69 : memref<16x64xf32, #tpu.memory_space<vmem_shared>>) target_semaphore(%run_scoped3A : memref<!tpu.dma_semaphore, #tpu.memory_space<semaphore_mem>>)
        %dma_wait3A_73 = arith.constant 9984 : i32
        %dma_wait3A_74 = arith.constant 0 : i32
        %dma_wait3A_75 = tpu.memref_slice %arg13[%dma_wait3A_73, %dma_wait3A_74] : memref<10000x64xf32, #tpu.memory_space<vmem_shared>> -> memref<16x64xf32, #tpu.memory_space<vmem_shared>>
        %dma_wait3A_76 = arith.constant 0 : i32
        %dma_wait3A_77 = arith.constant 0 : i32
        %dma_wait3A_78 = tpu.memref_slice %arg5[%dma_wait3A_76, %dma_wait3A_77] : memref<624x64xf32, #tpu.memory_space<hbm>> -> memref<16x64xf32, #tpu.memory_space<hbm>>
        tpu.wait_dma2 semaphore(%run_scoped3A : memref<!tpu.dma_semaphore, #tpu.memory_space<semaphore_mem>>) src(%dma_wait3A_78 : memref<16x64xf32, #tpu.memory_space<hbm>>) dst(%dma_wait3A_75 : memref<16x64xf32, #tpu.memory_space<vmem_shared>>)
        tpu.yield
      }) : () -> ()
    } else {
    }
    "tpu.region"() ({
      %run_scoped3A = tpu.sem_alloc : memref<!tpu.dma_semaphore, #tpu.memory_space<semaphore_mem>>
      %dma_start3A_67 = arith.constant 0 : i32
      %dma_start3A_68 = arith.constant 0 : i32
      %dma_start3A_69 = tpu.memref_slice %arg3[%add3A, %dma_start3A_67, %dma_start3A_68] : memref<32x80x125xi32, #tpu.memory_space<hbm>> -> memref<1x80x125xi32, #tpu.memory_space<hbm>>
      %dma_start3A_70 = tpu.memref_squeeze %dma_start3A_69 : memref<1x80x125xi32, #tpu.memory_space<hbm>> -> memref<80x125xi32, #tpu.memory_space<hbm>>
      %dma_start3A_71 = arith.constant 0 : i32
      %dma_start3A_72 = arith.constant 0 : i32
      %dma_start3A_73 = tpu.memref_slice %arg3[%add3A, %dma_start3A_71, %dma_start3A_72] : memref<32x80x125xi32, #tpu.memory_space<hbm>> -> memref<1x80x125xi32, #tpu.memory_space<hbm>>
      %dma_start3A_74 = tpu.memref_squeeze %dma_start3A_73 : memref<1x80x125xi32, #tpu.memory_space<hbm>> -> memref<80x125xi32, #tpu.memory_space<hbm>>
      tpu.enqueue_dma source(%dma_start3A_74 : memref<80x125xi32, #tpu.memory_space<hbm>>) target(%arg7 : memref<80x125xi32, #tpu.memory_space<vmem>>) target_semaphore(%run_scoped3A : memref<!tpu.dma_semaphore, #tpu.memory_space<semaphore_mem>>)
      %dma_wait3A_75 = arith.constant 0 : i32
      %dma_wait3A_76 = arith.constant 0 : i32
      %dma_wait3A_77 = tpu.memref_slice %arg3[%add3A, %dma_wait3A_75, %dma_wait3A_76] : memref<32x80x125xi32, #tpu.memory_space<hbm>> -> memref<1x80x125xi32, #tpu.memory_space<hbm>>
      %dma_wait3A_78 = tpu.memref_squeeze %dma_wait3A_77 : memref<1x80x125xi32, #tpu.memory_space<hbm>> -> memref<80x125xi32, #tpu.memory_space<hbm>>
      %dma_wait3A_79 = arith.constant 0 : i32
      %dma_wait3A_80 = arith.constant 0 : i32
      %dma_wait3A_81 = tpu.memref_slice %arg3[%add3A, %dma_wait3A_79, %dma_wait3A_80] : memref<32x80x125xi32, #tpu.memory_space<hbm>> -> memref<1x80x125xi32, #tpu.memory_space<hbm>>
      %dma_wait3A_82 = tpu.memref_squeeze %dma_wait3A_81 : memref<1x80x125xi32, #tpu.memory_space<hbm>> -> memref<80x125xi32, #tpu.memory_space<hbm>>
      tpu.wait_dma2 semaphore(%run_scoped3A : memref<!tpu.dma_semaphore, #tpu.memory_space<semaphore_mem>>) src(%dma_wait3A_82 : memref<80x125xi32, #tpu.memory_space<hbm>>) dst(%arg7 : memref<80x125xi32, #tpu.memory_space<vmem>>)
      tpu.yield
    }) : () -> ()
    "tpu.region"() ({
      %run_scoped3A = tpu.sem_alloc : memref<!tpu.dma_semaphore, #tpu.memory_space<semaphore_mem>>
      %dma_start3A_67 = arith.constant 0 : i32
      %dma_start3A_68 = arith.constant 0 : i32
      %dma_start3A_69 = tpu.memref_slice %arg4[%add3A, %dma_start3A_67, %dma_start3A_68] : memref<32x80x125xi32, #tpu.memory_space<hbm>> -> memref<1x80x125xi32, #tpu.memory_space<hbm>>
      %dma_start3A_70 = tpu.memref_squeeze %dma_start3A_69 : memref<1x80x125xi32, #tpu.memory_space<hbm>> -> memref<80x125xi32, #tpu.memory_space<hbm>>
      %dma_start3A_71 = arith.constant 0 : i32
      %dma_start3A_72 = arith.constant 0 : i32
      %dma_start3A_73 = tpu.memref_slice %arg4[%add3A, %dma_start3A_71, %dma_start3A_72] : memref<32x80x125xi32, #tpu.memory_space<hbm>> -> memref<1x80x125xi32, #tpu.memory_space<hbm>>
      %dma_start3A_74 = tpu.memref_squeeze %dma_start3A_73 : memref<1x80x125xi32, #tpu.memory_space<hbm>> -> memref<80x125xi32, #tpu.memory_space<hbm>>
      tpu.enqueue_dma source(%dma_start3A_74 : memref<80x125xi32, #tpu.memory_space<hbm>>) target(%arg8 : memref<80x125xi32, #tpu.memory_space<vmem>>) target_semaphore(%run_scoped3A : memref<!tpu.dma_semaphore, #tpu.memory_space<semaphore_mem>>)
      %dma_wait3A_75 = arith.constant 0 : i32
      %dma_wait3A_76 = arith.constant 0 : i32
      %dma_wait3A_77 = tpu.memref_slice %arg4[%add3A, %dma_wait3A_75, %dma_wait3A_76] : memref<32x80x125xi32, #tpu.memory_space<hbm>> -> memref<1x80x125xi32, #tpu.memory_space<hbm>>
      %dma_wait3A_78 = tpu.memref_squeeze %dma_wait3A_77 : memref<1x80x125xi32, #tpu.memory_space<hbm>> -> memref<80x125xi32, #tpu.memory_space<hbm>>
      %dma_wait3A_79 = arith.constant 0 : i32
      %dma_wait3A_80 = arith.constant 0 : i32
      %dma_wait3A_81 = tpu.memref_slice %arg4[%add3A, %dma_wait3A_79, %dma_wait3A_80] : memref<32x80x125xi32, #tpu.memory_space<hbm>> -> memref<1x80x125xi32, #tpu.memory_space<hbm>>
      %dma_wait3A_82 = tpu.memref_squeeze %dma_wait3A_81 : memref<1x80x125xi32, #tpu.memory_space<hbm>> -> memref<80x125xi32, #tpu.memory_space<hbm>>
      tpu.wait_dma2 semaphore(%run_scoped3A : memref<!tpu.dma_semaphore, #tpu.memory_space<semaphore_mem>>) src(%dma_wait3A_82 : memref<80x125xi32, #tpu.memory_space<hbm>>) dst(%arg8 : memref<80x125xi32, #tpu.memory_space<vmem>>)
      tpu.yield
    }) : () -> ()
    %barrier3A = arith.constant 0 : index
    tpu.barrier barrier_id(%barrier3A)
    %dma_start3A = arith.constant 0 : i32
    %dma_start3A_5 = arith.constant 0 : i32
    %dma_start3A_6 = tpu.memref_slice %arg7[%dma_start3A, %dma_start3A_5] : memref<80x125xi32, #tpu.memory_space<vmem>> -> memref<1x125xi32, #tpu.memory_space<vmem>>
    %dma_start3A_7 = tpu.memref_squeeze %dma_start3A_6 : memref<1x125xi32, #tpu.memory_space<vmem>> -> memref<125xi32, #tpu.memory_space<vmem>>
    %dma_start3A_8 = arith.constant 0 : i32
    %dma_start3A_9 = arith.constant 0 : i32
    %dma_start3A_10 = tpu.memref_slice %arg2[%dma_start3A_8, %dma_start3A_9] : memref<10000x64xf32, #tpu.memory_space<hbm>> -> memref<10000x64xf32, #tpu.memory_space<hbm>>
    tpu.enqueue_indirect_dma source(%dma_start3A_10 : memref<10000x64xf32, #tpu.memory_space<hbm>>) target(%arg9 : memref<125x64xf32, #tpu.memory_space<vmem>>) offsets(%dma_start3A_7 : memref<125xi32, #tpu.memory_space<vmem>>) semaphore(%arg14 : memref<!tpu.dma_semaphore, #tpu.memory_space<semaphore_mem>>)
    %dma_start3A_11 = arith.constant 1 : i32
    %dma_start3A_12 = arith.constant 0 : i32
    %dma_start3A_13 = tpu.memref_slice %arg7[%dma_start3A_11, %dma_start3A_12] : memref<80x125xi32, #tpu.memory_space<vmem>> -> memref<1x125xi32, #tpu.memory_space<vmem>>
    %dma_start3A_14 = tpu.memref_squeeze %dma_start3A_13 : memref<1x125xi32, #tpu.memory_space<vmem>> -> memref<125xi32, #tpu.memory_space<vmem>>
    %dma_start3A_15 = arith.constant 0 : i32
    %dma_start3A_16 = arith.constant 0 : i32
    %dma_start3A_17 = tpu.memref_slice %arg2[%dma_start3A_15, %dma_start3A_16] : memref<10000x64xf32, #tpu.memory_space<hbm>> -> memref<10000x64xf32, #tpu.memory_space<hbm>>
    tpu.enqueue_indirect_dma source(%dma_start3A_17 : memref<10000x64xf32, #tpu.memory_space<hbm>>) target(%arg10 : memref<125x64xf32, #tpu.memory_space<vmem>>) offsets(%dma_start3A_14 : memref<125xi32, #tpu.memory_space<vmem>>) semaphore(%arg15 : memref<!tpu.dma_semaphore, #tpu.memory_space<semaphore_mem>>)
    %dma_start3A_18 = arith.constant 2 : i32
    %dma_start3A_19 = arith.constant 0 : i32
    %dma_start3A_20 = tpu.memref_slice %arg7[%dma_start3A_18, %dma_start3A_19] : memref<80x125xi32, #tpu.memory_space<vmem>> -> memref<1x125xi32, #tpu.memory_space<vmem>>
    %dma_start3A_21 = tpu.memref_squeeze %dma_start3A_20 : memref<1x125xi32, #tpu.memory_space<vmem>> -> memref<125xi32, #tpu.memory_space<vmem>>
    %dma_start3A_22 = arith.constant 0 : i32
    %dma_start3A_23 = arith.constant 0 : i32
    %dma_start3A_24 = tpu.memref_slice %arg2[%dma_start3A_22, %dma_start3A_23] : memref<10000x64xf32, #tpu.memory_space<hbm>> -> memref<10000x64xf32, #tpu.memory_space<hbm>>
    tpu.enqueue_indirect_dma source(%dma_start3A_24 : memref<10000x64xf32, #tpu.memory_space<hbm>>) target(%arg11 : memref<125x64xf32, #tpu.memory_space<vmem>>) offsets(%dma_start3A_21 : memref<125xi32, #tpu.memory_space<vmem>>) semaphore(%arg16 : memref<!tpu.dma_semaphore, #tpu.memory_space<semaphore_mem>>)
    %scan3A = arith.constant 0 : i32
    %scan3A_25 = arith.constant 0 : i32
    %scan3A_26 = arith.constant 20 : i32
    %scan3A_27 = arith.addi %scan3A_25, %scan3A_26 : i32
    %scan3A_28 = arith.constant 1 : i32
    scf.for %scan3A_67 = %scan3A_25 to %scan3A_27 step %scan3A_28  : i32 {
      %mul3A_68 = arith.constant 4 : i32
      %mul3A_69 = arith.muli %mul3A_68, %scan3A_67 : i32
      %add3A_70 = arith.constant 0 : i32
      %add3A_71 = arith.addi %mul3A_69, %add3A_70 : i32
      %dma_wait3A_72 = arith.constant 0 : i32
      %dma_wait3A_73 = tpu.memref_slice %arg7[%add3A_71, %dma_wait3A_72] : memref<80x125xi32, #tpu.memory_space<vmem>> -> memref<1x125xi32, #tpu.memory_space<vmem>>
      %dma_wait3A_74 = tpu.memref_squeeze %dma_wait3A_73 : memref<1x125xi32, #tpu.memory_space<vmem>> -> memref<125xi32, #tpu.memory_space<vmem>>
      %dma_wait3A_75 = arith.constant 0 : i32
      %dma_wait3A_76 = arith.constant 0 : i32
      %dma_wait3A_77 = tpu.memref_slice %arg2[%dma_wait3A_75, %dma_wait3A_76] : memref<10000x64xf32, #tpu.memory_space<hbm>> -> memref<10000x64xf32, #tpu.memory_space<hbm>>
      tpu.wait_indirect_dma semaphore(%arg14 : memref<!tpu.dma_semaphore, #tpu.memory_space<semaphore_mem>>) src(%dma_wait3A_77 : memref<10000x64xf32, #tpu.memory_space<hbm>>) dst(%arg9 : memref<125x64xf32, #tpu.memory_space<vmem>>)
      %dma_start3A_78 = arith.constant 0 : i32
      %dma_start3A_79 = tpu.memref_slice %arg8[%add3A_71, %dma_start3A_78] : memref<80x125xi32, #tpu.memory_space<vmem>> -> memref<1x125xi32, #tpu.memory_space<vmem>>
      %dma_start3A_80 = tpu.memref_squeeze %dma_start3A_79 : memref<1x125xi32, #tpu.memory_space<vmem>> -> memref<125xi32, #tpu.memory_space<vmem>>
      %dma_start3A_81 = arith.constant 0 : i32
      %dma_start3A_82 = arith.constant 0 : i32
      %dma_start3A_83 = tpu.memref_slice %arg13[%dma_start3A_81, %dma_start3A_82] : memref<10000x64xf32, #tpu.memory_space<vmem_shared>> -> memref<10000x64xf32, #tpu.memory_space<vmem_shared>>
      tpu.enqueue_indirect_dma source(%arg9 : memref<125x64xf32, #tpu.memory_space<vmem>>) target(%dma_start3A_83 : memref<10000x64xf32, #tpu.memory_space<vmem_shared>>) offsets(%dma_start3A_80 : memref<125xi32, #tpu.memory_space<vmem>>) semaphore(%arg18 : memref<!tpu.dma_semaphore, #tpu.memory_space<semaphore_mem>>) {add = true}
      %ge3A = arith.constant 1 : i32
      %ge3A_84 = arith.cmpi sge, %add3A_71, %ge3A : i32
      %add3A_85 = arith.constant 3 : i32
      %add3A_86 = arith.addi %add3A_71, %add3A_85 : i32
      %lt3A = arith.constant 80 : i32
      %lt3A_87 = arith.cmpi slt, %add3A_86, %lt3A : i32
      %and3A = arith.andi %ge3A_84, %lt3A_87 : i1
      %convert_element_type3A_88 = arith.extui %and3A : i1 to i32
      %cond3A_89 = arith.constant 0 : i32
      %cond3A_90 = arith.cmpi ne, %convert_element_type3A_88, %cond3A_89 : i32
      scf.if %cond3A_90 {
        %dma_wait3A_197 = arith.constant 0 : i32
        %dma_wait3A_198 = tpu.memref_slice %arg8[%add3A_71, %dma_wait3A_197] : memref<80x125xi32, #tpu.memory_space<vmem>> -> memref<1x125xi32, #tpu.memory_space<vmem>>
        %dma_wait3A_199 = tpu.memref_squeeze %dma_wait3A_198 : memref<1x125xi32, #tpu.memory_space<vmem>> -> memref<125xi32, #tpu.memory_space<vmem>>
        %dma_wait3A_200 = arith.constant 0 : i32
        %dma_wait3A_201 = arith.constant 0 : i32
        %dma_wait3A_202 = tpu.memref_slice %arg13[%dma_wait3A_200, %dma_wait3A_201] : memref<10000x64xf32, #tpu.memory_space<vmem_shared>> -> memref<10000x64xf32, #tpu.memory_space<vmem_shared>>
        tpu.wait_indirect_dma semaphore(%arg21 : memref<!tpu.dma_semaphore, #tpu.memory_space<semaphore_mem>>) src(%arg12 : memref<125x64xf32, #tpu.memory_space<vmem>>) dst(%dma_wait3A_202 : memref<10000x64xf32, #tpu.memory_space<vmem_shared>>)
      } else {
      }
      %add3A_91 = arith.constant 3 : i32
      %add3A_92 = arith.addi %add3A_71, %add3A_91 : i32
      %lt3A_93 = arith.constant 80 : i32
      %lt3A_94 = arith.cmpi slt, %add3A_92, %lt3A_93 : i32
      %convert_element_type3A_95 = arith.extui %lt3A_94 : i1 to i32
      %cond3A_96 = arith.constant 0 : i32
      %cond3A_97 = arith.cmpi ne, %convert_element_type3A_95, %cond3A_96 : i32
      scf.if %cond3A_97 {
        %add3A_197 = arith.constant 3 : i32
        %add3A_198 = arith.addi %add3A_71, %add3A_197 : i32
        %dma_start3A_199 = arith.constant 0 : i32
        %dma_start3A_200 = tpu.memref_slice %arg7[%add3A_198, %dma_start3A_199] : memref<80x125xi32, #tpu.memory_space<vmem>> -> memref<1x125xi32, #tpu.memory_space<vmem>>
        %dma_start3A_201 = tpu.memref_squeeze %dma_start3A_200 : memref<1x125xi32, #tpu.memory_space<vmem>> -> memref<125xi32, #tpu.memory_space<vmem>>
        %dma_start3A_202 = arith.constant 0 : i32
        %dma_start3A_203 = arith.constant 0 : i32
        %dma_start3A_204 = tpu.memref_slice %arg2[%dma_start3A_202, %dma_start3A_203] : memref<10000x64xf32, #tpu.memory_space<hbm>> -> memref<10000x64xf32, #tpu.memory_space<hbm>>
        tpu.enqueue_indirect_dma source(%dma_start3A_204 : memref<10000x64xf32, #tpu.memory_space<hbm>>) target(%arg12 : memref<125x64xf32, #tpu.memory_space<vmem>>) offsets(%dma_start3A_201 : memref<125xi32, #tpu.memory_space<vmem>>) semaphore(%arg17 : memref<!tpu.dma_semaphore, #tpu.memory_space<semaphore_mem>>)
      } else {
      }
      %mul3A_98 = arith.constant 4 : i32
      %mul3A_99 = arith.muli %mul3A_98, %scan3A_67 : i32
      %add3A_100 = arith.constant 1 : i32
      %add3A_101 = arith.addi %mul3A_99, %add3A_100 : i32
      %dma_wait3A_102 = arith.constant 0 : i32
      %dma_wait3A_103 = tpu.memref_slice %arg7[%add3A_101, %dma_wait3A_102] : memref<80x125xi32, #tpu.memory_space<vmem>> -> memref<1x125xi32, #tpu.memory_space<vmem>>
      %dma_wait3A_104 = tpu.memref_squeeze %dma_wait3A_103 : memref<1x125xi32, #tpu.memory_space<vmem>> -> memref<125xi32, #tpu.memory_space<vmem>>
      %dma_wait3A_105 = arith.constant 0 : i32
      %dma_wait3A_106 = arith.constant 0 : i32
      %dma_wait3A_107 = tpu.memref_slice %arg2[%dma_wait3A_105, %dma_wait3A_106] : memref<10000x64xf32, #tpu.memory_space<hbm>> -> memref<10000x64xf32, #tpu.memory_space<hbm>>
      tpu.wait_indirect_dma semaphore(%arg15 : memref<!tpu.dma_semaphore, #tpu.memory_space<semaphore_mem>>) src(%dma_wait3A_107 : memref<10000x64xf32, #tpu.memory_space<hbm>>) dst(%arg10 : memref<125x64xf32, #tpu.memory_space<vmem>>)
      %dma_start3A_108 = arith.constant 0 : i32
      %dma_start3A_109 = tpu.memref_slice %arg8[%add3A_101, %dma_start3A_108] : memref<80x125xi32, #tpu.memory_space<vmem>> -> memref<1x125xi32, #tpu.memory_space<vmem>>
      %dma_start3A_110 = tpu.memref_squeeze %dma_start3A_109 : memref<1x125xi32, #tpu.memory_space<vmem>> -> memref<125xi32, #tpu.memory_space<vmem>>
      %dma_start3A_111 = arith.constant 0 : i32
      %dma_start3A_112 = arith.constant 0 : i32
      %dma_start3A_113 = tpu.memref_slice %arg13[%dma_start3A_111, %dma_start3A_112] : memref<10000x64xf32, #tpu.memory_space<vmem_shared>> -> memref<10000x64xf32, #tpu.memory_space<vmem_shared>>
      tpu.enqueue_indirect_dma source(%arg10 : memref<125x64xf32, #tpu.memory_space<vmem>>) target(%dma_start3A_113 : memref<10000x64xf32, #tpu.memory_space<vmem_shared>>) offsets(%dma_start3A_110 : memref<125xi32, #tpu.memory_space<vmem>>) semaphore(%arg19 : memref<!tpu.dma_semaphore, #tpu.memory_space<semaphore_mem>>) {add = true}
      %ge3A_114 = arith.constant 1 : i32
      %ge3A_115 = arith.cmpi sge, %add3A_101, %ge3A_114 : i32
      %add3A_116 = arith.constant 3 : i32
      %add3A_117 = arith.addi %add3A_101, %add3A_116 : i32
      %lt3A_118 = arith.constant 80 : i32
      %lt3A_119 = arith.cmpi slt, %add3A_117, %lt3A_118 : i32
      %and3A_120 = arith.andi %ge3A_115, %lt3A_119 : i1
      %convert_element_type3A_121 = arith.extui %and3A_120 : i1 to i32
      %cond3A_122 = arith.constant 0 : i32
      %cond3A_123 = arith.cmpi ne, %convert_element_type3A_121, %cond3A_122 : i32
      scf.if %cond3A_123 {
        %dma_wait3A_197 = arith.constant 0 : i32
        %dma_wait3A_198 = tpu.memref_slice %arg8[%add3A_101, %dma_wait3A_197] : memref<80x125xi32, #tpu.memory_space<vmem>> -> memref<1x125xi32, #tpu.memory_space<vmem>>
        %dma_wait3A_199 = tpu.memref_squeeze %dma_wait3A_198 : memref<1x125xi32, #tpu.memory_space<vmem>> -> memref<125xi32, #tpu.memory_space<vmem>>
        %dma_wait3A_200 = arith.constant 0 : i32
        %dma_wait3A_201 = arith.constant 0 : i32
        %dma_wait3A_202 = tpu.memref_slice %arg13[%dma_wait3A_200, %dma_wait3A_201] : memref<10000x64xf32, #tpu.memory_space<vmem_shared>> -> memref<10000x64xf32, #tpu.memory_space<vmem_shared>>
        tpu.wait_indirect_dma semaphore(%arg18 : memref<!tpu.dma_semaphore, #tpu.memory_space<semaphore_mem>>) src(%arg9 : memref<125x64xf32, #tpu.memory_space<vmem>>) dst(%dma_wait3A_202 : memref<10000x64xf32, #tpu.memory_space<vmem_shared>>)
      } else {
      }
      %add3A_124 = arith.constant 3 : i32
      %add3A_125 = arith.addi %add3A_101, %add3A_124 : i32
      %lt3A_126 = arith.constant 80 : i32
      %lt3A_127 = arith.cmpi slt, %add3A_125, %lt3A_126 : i32
      %convert_element_type3A_128 = arith.extui %lt3A_127 : i1 to i32
      %cond3A_129 = arith.constant 0 : i32
      %cond3A_130 = arith.cmpi ne, %convert_element_type3A_128, %cond3A_129 : i32
      scf.if %cond3A_130 {
        %add3A_197 = arith.constant 3 : i32
        %add3A_198 = arith.addi %add3A_101, %add3A_197 : i32
        %dma_start3A_199 = arith.constant 0 : i32
        %dma_start3A_200 = tpu.memref_slice %arg7[%add3A_198, %dma_start3A_199] : memref<80x125xi32, #tpu.memory_space<vmem>> -> memref<1x125xi32, #tpu.memory_space<vmem>>
        %dma_start3A_201 = tpu.memref_squeeze %dma_start3A_200 : memref<1x125xi32, #tpu.memory_space<vmem>> -> memref<125xi32, #tpu.memory_space<vmem>>
        %dma_start3A_202 = arith.constant 0 : i32
        %dma_start3A_203 = arith.constant 0 : i32
        %dma_start3A_204 = tpu.memref_slice %arg2[%dma_start3A_202, %dma_start3A_203] : memref<10000x64xf32, #tpu.memory_space<hbm>> -> memref<10000x64xf32, #tpu.memory_space<hbm>>
        tpu.enqueue_indirect_dma source(%dma_start3A_204 : memref<10000x64xf32, #tpu.memory_space<hbm>>) target(%arg9 : memref<125x64xf32, #tpu.memory_space<vmem>>) offsets(%dma_start3A_201 : memref<125xi32, #tpu.memory_space<vmem>>) semaphore(%arg14 : memref<!tpu.dma_semaphore, #tpu.memory_space<semaphore_mem>>)
      } else {
      }
      %mul3A_131 = arith.constant 4 : i32
      %mul3A_132 = arith.muli %mul3A_131, %scan3A_67 : i32
      %add3A_133 = arith.constant 2 : i32
      %add3A_134 = arith.addi %mul3A_132, %add3A_133 : i32
      %dma_wait3A_135 = arith.constant 0 : i32
      %dma_wait3A_136 = tpu.memref_slice %arg7[%add3A_134, %dma_wait3A_135] : memref<80x125xi32, #tpu.memory_space<vmem>> -> memref<1x125xi32, #tpu.memory_space<vmem>>
      %dma_wait3A_137 = tpu.memref_squeeze %dma_wait3A_136 : memref<1x125xi32, #tpu.memory_space<vmem>> -> memref<125xi32, #tpu.memory_space<vmem>>
      %dma_wait3A_138 = arith.constant 0 : i32
      %dma_wait3A_139 = arith.constant 0 : i32
      %dma_wait3A_140 = tpu.memref_slice %arg2[%dma_wait3A_138, %dma_wait3A_139] : memref<10000x64xf32, #tpu.memory_space<hbm>> -> memref<10000x64xf32, #tpu.memory_space<hbm>>
      tpu.wait_indirect_dma semaphore(%arg16 : memref<!tpu.dma_semaphore, #tpu.memory_space<semaphore_mem>>) src(%dma_wait3A_140 : memref<10000x64xf32, #tpu.memory_space<hbm>>) dst(%arg11 : memref<125x64xf32, #tpu.memory_space<vmem>>)
      %dma_start3A_141 = arith.constant 0 : i32
      %dma_start3A_142 = tpu.memref_slice %arg8[%add3A_134, %dma_start3A_141] : memref<80x125xi32, #tpu.memory_space<vmem>> -> memref<1x125xi32, #tpu.memory_space<vmem>>
      %dma_start3A_143 = tpu.memref_squeeze %dma_start3A_142 : memref<1x125xi32, #tpu.memory_space<vmem>> -> memref<125xi32, #tpu.memory_space<vmem>>
      %dma_start3A_144 = arith.constant 0 : i32
      %dma_start3A_145 = arith.constant 0 : i32
      %dma_start3A_146 = tpu.memref_slice %arg13[%dma_start3A_144, %dma_start3A_145] : memref<10000x64xf32, #tpu.memory_space<vmem_shared>> -> memref<10000x64xf32, #tpu.memory_space<vmem_shared>>
      tpu.enqueue_indirect_dma source(%arg11 : memref<125x64xf32, #tpu.memory_space<vmem>>) target(%dma_start3A_146 : memref<10000x64xf32, #tpu.memory_space<vmem_shared>>) offsets(%dma_start3A_143 : memref<125xi32, #tpu.memory_space<vmem>>) semaphore(%arg20 : memref<!tpu.dma_semaphore, #tpu.memory_space<semaphore_mem>>) {add = true}
      %ge3A_147 = arith.constant 1 : i32
      %ge3A_148 = arith.cmpi sge, %add3A_134, %ge3A_147 : i32
      %add3A_149 = arith.constant 3 : i32
      %add3A_150 = arith.addi %add3A_134, %add3A_149 : i32
      %lt3A_151 = arith.constant 80 : i32
      %lt3A_152 = arith.cmpi slt, %add3A_150, %lt3A_151 : i32
      %and3A_153 = arith.andi %ge3A_148, %lt3A_152 : i1
      %convert_element_type3A_154 = arith.extui %and3A_153 : i1 to i32
      %cond3A_155 = arith.constant 0 : i32
      %cond3A_156 = arith.cmpi ne, %convert_element_type3A_154, %cond3A_155 : i32
      scf.if %cond3A_156 {
        %dma_wait3A_197 = arith.constant 0 : i32
        %dma_wait3A_198 = tpu.memref_slice %arg8[%add3A_134, %dma_wait3A_197] : memref<80x125xi32, #tpu.memory_space<vmem>> -> memref<1x125xi32, #tpu.memory_space<vmem>>
        %dma_wait3A_199 = tpu.memref_squeeze %dma_wait3A_198 : memref<1x125xi32, #tpu.memory_space<vmem>> -> memref<125xi32, #tpu.memory_space<vmem>>
        %dma_wait3A_200 = arith.constant 0 : i32
        %dma_wait3A_201 = arith.constant 0 : i32
        %dma_wait3A_202 = tpu.memref_slice %arg13[%dma_wait3A_200, %dma_wait3A_201] : memref<10000x64xf32, #tpu.memory_space<vmem_shared>> -> memref<10000x64xf32, #tpu.memory_space<vmem_shared>>
        tpu.wait_indirect_dma semaphore(%arg19 : memref<!tpu.dma_semaphore, #tpu.memory_space<semaphore_mem>>) src(%arg10 : memref<125x64xf32, #tpu.memory_space<vmem>>) dst(%dma_wait3A_202 : memref<10000x64xf32, #tpu.memory_space<vmem_shared>>)
      } else {
      }
      %add3A_157 = arith.constant 3 : i32
      %add3A_158 = arith.addi %add3A_134, %add3A_157 : i32
      %lt3A_159 = arith.constant 80 : i32
      %lt3A_160 = arith.cmpi slt, %add3A_158, %lt3A_159 : i32
      %convert_element_type3A_161 = arith.extui %lt3A_160 : i1 to i32
      %cond3A_162 = arith.constant 0 : i32
      %cond3A_163 = arith.cmpi ne, %convert_element_type3A_161, %cond3A_162 : i32
      scf.if %cond3A_163 {
        %add3A_197 = arith.constant 3 : i32
        %add3A_198 = arith.addi %add3A_134, %add3A_197 : i32
        %dma_start3A_199 = arith.constant 0 : i32
        %dma_start3A_200 = tpu.memref_slice %arg7[%add3A_198, %dma_start3A_199] : memref<80x125xi32, #tpu.memory_space<vmem>> -> memref<1x125xi32, #tpu.memory_space<vmem>>
        %dma_start3A_201 = tpu.memref_squeeze %dma_start3A_200 : memref<1x125xi32, #tpu.memory_space<vmem>> -> memref<125xi32, #tpu.memory_space<vmem>>
        %dma_start3A_202 = arith.constant 0 : i32
        %dma_start3A_203 = arith.constant 0 : i32
        %dma_start3A_204 = tpu.memref_slice %arg2[%dma_start3A_202, %dma_start3A_203] : memref<10000x64xf32, #tpu.memory_space<hbm>> -> memref<10000x64xf32, #tpu.memory_space<hbm>>
        tpu.enqueue_indirect_dma source(%dma_start3A_204 : memref<10000x64xf32, #tpu.memory_space<hbm>>) target(%arg10 : memref<125x64xf32, #tpu.memory_space<vmem>>) offsets(%dma_start3A_201 : memref<125xi32, #tpu.memory_space<vmem>>) semaphore(%arg15 : memref<!tpu.dma_semaphore, #tpu.memory_space<semaphore_mem>>)
      } else {
      }
      %mul3A_164 = arith.constant 4 : i32
      %mul3A_165 = arith.muli %mul3A_164, %scan3A_67 : i32
      %add3A_166 = arith.constant 3 : i32
      %add3A_167 = arith.addi %mul3A_165, %add3A_166 : i32
      %dma_wait3A_168 = arith.constant 0 : i32
      %dma_wait3A_169 = tpu.memref_slice %arg7[%add3A_167, %dma_wait3A_168] : memref<80x125xi32, #tpu.memory_space<vmem>> -> memref<1x125xi32, #tpu.memory_space<vmem>>
      %dma_wait3A_170 = tpu.memref_squeeze %dma_wait3A_169 : memref<1x125xi32, #tpu.memory_space<vmem>> -> memref<125xi32, #tpu.memory_space<vmem>>
      %dma_wait3A_171 = arith.constant 0 : i32
      %dma_wait3A_172 = arith.constant 0 : i32
      %dma_wait3A_173 = tpu.memref_slice %arg2[%dma_wait3A_171, %dma_wait3A_172] : memref<10000x64xf32, #tpu.memory_space<hbm>> -> memref<10000x64xf32, #tpu.memory_space<hbm>>
      tpu.wait_indirect_dma semaphore(%arg17 : memref<!tpu.dma_semaphore, #tpu.memory_space<semaphore_mem>>) src(%dma_wait3A_173 : memref<10000x64xf32, #tpu.memory_space<hbm>>) dst(%arg12 : memref<125x64xf32, #tpu.memory_space<vmem>>)
      %dma_start3A_174 = arith.constant 0 : i32
      %dma_start3A_175 = tpu.memref_slice %arg8[%add3A_167, %dma_start3A_174] : memref<80x125xi32, #tpu.memory_space<vmem>> -> memref<1x125xi32, #tpu.memory_space<vmem>>
      %dma_start3A_176 = tpu.memref_squeeze %dma_start3A_175 : memref<1x125xi32, #tpu.memory_space<vmem>> -> memref<125xi32, #tpu.memory_space<vmem>>
      %dma_start3A_177 = arith.constant 0 : i32
      %dma_start3A_178 = arith.constant 0 : i32
      %dma_start3A_179 = tpu.memref_slice %arg13[%dma_start3A_177, %dma_start3A_178] : memref<10000x64xf32, #tpu.memory_space<vmem_shared>> -> memref<10000x64xf32, #tpu.memory_space<vmem_shared>>
      tpu.enqueue_indirect_dma source(%arg12 : memref<125x64xf32, #tpu.memory_space<vmem>>) target(%dma_start3A_179 : memref<10000x64xf32, #tpu.memory_space<vmem_shared>>) offsets(%dma_start3A_176 : memref<125xi32, #tpu.memory_space<vmem>>) semaphore(%arg21 : memref<!tpu.dma_semaphore, #tpu.memory_space<semaphore_mem>>) {add = true}
      %ge3A_180 = arith.constant 1 : i32
      %ge3A_181 = arith.cmpi sge, %add3A_167, %ge3A_180 : i32
      %add3A_182 = arith.constant 3 : i32
      %add3A_183 = arith.addi %add3A_167, %add3A_182 : i32
      %lt3A_184 = arith.constant 80 : i32
      %lt3A_185 = arith.cmpi slt, %add3A_183, %lt3A_184 : i32
      %and3A_186 = arith.andi %ge3A_181, %lt3A_185 : i1
      %convert_element_type3A_187 = arith.extui %and3A_186 : i1 to i32
      %cond3A_188 = arith.constant 0 : i32
      %cond3A_189 = arith.cmpi ne, %convert_element_type3A_187, %cond3A_188 : i32
      scf.if %cond3A_189 {
        %dma_wait3A_197 = arith.constant 0 : i32
        %dma_wait3A_198 = tpu.memref_slice %arg8[%add3A_167, %dma_wait3A_197] : memref<80x125xi32, #tpu.memory_space<vmem>> -> memref<1x125xi32, #tpu.memory_space<vmem>>
        %dma_wait3A_199 = tpu.memref_squeeze %dma_wait3A_198 : memref<1x125xi32, #tpu.memory_space<vmem>> -> memref<125xi32, #tpu.memory_space<vmem>>
        %dma_wait3A_200 = arith.constant 0 : i32
        %dma_wait3A_201 = arith.constant 0 : i32
        %dma_wait3A_202 = tpu.memref_slice %arg13[%dma_wait3A_200, %dma_wait3A_201] : memref<10000x64xf32, #tpu.memory_space<vmem_shared>> -> memref<10000x64xf32, #tpu.memory_space<vmem_shared>>
        tpu.wait_indirect_dma semaphore(%arg20 : memref<!tpu.dma_semaphore, #tpu.memory_space<semaphore_mem>>) src(%arg11 : memref<125x64xf32, #tpu.memory_space<vmem>>) dst(%dma_wait3A_202 : memref<10000x64xf32, #tpu.memory_space<vmem_shared>>)
      } else {
      }
      %add3A_190 = arith.constant 3 : i32
      %add3A_191 = arith.addi %add3A_167, %add3A_190 : i32
      %lt3A_192 = arith.constant 80 : i32
      %lt3A_193 = arith.cmpi slt, %add3A_191, %lt3A_192 : i32
      %convert_element_type3A_194 = arith.extui %lt3A_193 : i1 to i32
      %cond3A_195 = arith.constant 0 : i32
      %cond3A_196 = arith.cmpi ne, %convert_element_type3A_194, %cond3A_195 : i32
      scf.if %cond3A_196 {
        %add3A_197 = arith.constant 3 : i32
        %add3A_198 = arith.addi %add3A_167, %add3A_197 : i32
        %dma_start3A_199 = arith.constant 0 : i32
        %dma_start3A_200 = tpu.memref_slice %arg7[%add3A_198, %dma_start3A_199] : memref<80x125xi32, #tpu.memory_space<vmem>> -> memref<1x125xi32, #tpu.memory_space<vmem>>
        %dma_start3A_201 = tpu.memref_squeeze %dma_start3A_200 : memref<1x125xi32, #tpu.memory_space<vmem>> -> memref<125xi32, #tpu.memory_space<vmem>>
        %dma_start3A_202 = arith.constant 0 : i32
        %dma_start3A_203 = arith.constant 0 : i32
        %dma_start3A_204 = tpu.memref_slice %arg2[%dma_start3A_202, %dma_start3A_203] : memref<10000x64xf32, #tpu.memory_space<hbm>> -> memref<10000x64xf32, #tpu.memory_space<hbm>>
        tpu.enqueue_indirect_dma source(%dma_start3A_204 : memref<10000x64xf32, #tpu.memory_space<hbm>>) target(%arg11 : memref<125x64xf32, #tpu.memory_space<vmem>>) offsets(%dma_start3A_201 : memref<125xi32, #tpu.memory_space<vmem>>) semaphore(%arg16 : memref<!tpu.dma_semaphore, #tpu.memory_space<semaphore_mem>>)
      } else {
      }
    }
    %scan3A_29 = arith.constant 20 : i32
    %dma_wait3A = arith.constant 0 : i32
    %dma_wait3A_30 = arith.constant 0 : i32
    %dma_wait3A_31 = tpu.memref_slice %arg8[%dma_wait3A, %dma_wait3A_30] : memref<80x125xi32, #tpu.memory_space<vmem>> -> memref<1x125xi32, #tpu.memory_space<vmem>>
    %dma_wait3A_32 = tpu.memref_squeeze %dma_wait3A_31 : memref<1x125xi32, #tpu.memory_space<vmem>> -> memref<125xi32, #tpu.memory_space<vmem>>
    %dma_wait3A_33 = arith.constant 0 : i32
    %dma_wait3A_34 = arith.constant 0 : i32
    %dma_wait3A_35 = tpu.memref_slice %arg13[%dma_wait3A_33, %dma_wait3A_34] : memref<10000x64xf32, #tpu.memory_space<vmem_shared>> -> memref<10000x64xf32, #tpu.memory_space<vmem_shared>>
    tpu.wait_indirect_dma semaphore(%arg18 : memref<!tpu.dma_semaphore, #tpu.memory_space<semaphore_mem>>) src(%arg9 : memref<125x64xf32, #tpu.memory_space<vmem>>) dst(%dma_wait3A_35 : memref<10000x64xf32, #tpu.memory_space<vmem_shared>>)
    %dma_wait3A_36 = arith.constant 0 : i32
    %dma_wait3A_37 = arith.constant 0 : i32
    %dma_wait3A_38 = tpu.memref_slice %arg8[%dma_wait3A_36, %dma_wait3A_37] : memref<80x125xi32, #tpu.memory_space<vmem>> -> memref<1x125xi32, #tpu.memory_space<vmem>>
    %dma_wait3A_39 = tpu.memref_squeeze %dma_wait3A_38 : memref<1x125xi32, #tpu.memory_space<vmem>> -> memref<125xi32, #tpu.memory_space<vmem>>
    %dma_wait3A_40 = arith.constant 0 : i32
    %dma_wait3A_41 = arith.constant 0 : i32
    %dma_wait3A_42 = tpu.memref_slice %arg13[%dma_wait3A_40, %dma_wait3A_41] : memref<10000x64xf32, #tpu.memory_space<vmem_shared>> -> memref<10000x64xf32, #tpu.memory_space<vmem_shared>>
    tpu.wait_indirect_dma semaphore(%arg19 : memref<!tpu.dma_semaphore, #tpu.memory_space<semaphore_mem>>) src(%arg10 : memref<125x64xf32, #tpu.memory_space<vmem>>) dst(%dma_wait3A_42 : memref<10000x64xf32, #tpu.memory_space<vmem_shared>>)
    %dma_wait3A_43 = arith.constant 0 : i32
    %dma_wait3A_44 = arith.constant 0 : i32
    %dma_wait3A_45 = tpu.memref_slice %arg8[%dma_wait3A_43, %dma_wait3A_44] : memref<80x125xi32, #tpu.memory_space<vmem>> -> memref<1x125xi32, #tpu.memory_space<vmem>>
    %dma_wait3A_46 = tpu.memref_squeeze %dma_wait3A_45 : memref<1x125xi32, #tpu.memory_space<vmem>> -> memref<125xi32, #tpu.memory_space<vmem>>
    %dma_wait3A_47 = arith.constant 0 : i32
    %dma_wait3A_48 = arith.constant 0 : i32
    %dma_wait3A_49 = tpu.memref_slice %arg13[%dma_wait3A_47, %dma_wait3A_48] : memref<10000x64xf32, #tpu.memory_space<vmem_shared>> -> memref<10000x64xf32, #tpu.memory_space<vmem_shared>>
    tpu.wait_indirect_dma semaphore(%arg20 : memref<!tpu.dma_semaphore, #tpu.memory_space<semaphore_mem>>) src(%arg11 : memref<125x64xf32, #tpu.memory_space<vmem>>) dst(%dma_wait3A_49 : memref<10000x64xf32, #tpu.memory_space<vmem_shared>>)
    %dma_wait3A_50 = arith.constant 0 : i32
    %dma_wait3A_51 = arith.constant 0 : i32
    %dma_wait3A_52 = tpu.memref_slice %arg8[%dma_wait3A_50, %dma_wait3A_51] : memref<80x125xi32, #tpu.memory_space<vmem>> -> memref<1x125xi32, #tpu.memory_space<vmem>>
    %dma_wait3A_53 = tpu.memref_squeeze %dma_wait3A_52 : memref<1x125xi32, #tpu.memory_space<vmem>> -> memref<125xi32, #tpu.memory_space<vmem>>
    %dma_wait3A_54 = arith.constant 0 : i32
    %dma_wait3A_55 = arith.constant 0 : i32
    %dma_wait3A_56 = tpu.memref_slice %arg13[%dma_wait3A_54, %dma_wait3A_55] : memref<10000x64xf32, #tpu.memory_space<vmem_shared>> -> memref<10000x64xf32, #tpu.memory_space<vmem_shared>>
    tpu.wait_indirect_dma semaphore(%arg21 : memref<!tpu.dma_semaphore, #tpu.memory_space<semaphore_mem>>) src(%arg12 : memref<125x64xf32, #tpu.memory_space<vmem>>) dst(%dma_wait3A_56 : memref<10000x64xf32, #tpu.memory_space<vmem_shared>>)
    %barrier3A_57 = arith.constant 0 : index
    tpu.barrier barrier_id(%barrier3A_57)
    %mul3A_58 = arith.constant 624 : i32
    %mul3A_59 = arith.muli %arg1, %mul3A_58 : i32
    %mul3A_60 = arith.constant 624 : i32
    %mul3A_61 = arith.muli %arg1, %mul3A_60 : i32
    "tpu.region"() ({
      %run_scoped3A = tpu.sem_alloc : memref<!tpu.dma_semaphore, #tpu.memory_space<semaphore_mem>>
      %dma_start3A_67 = arith.constant 0 : i32
      %dma_start3A_68 = tpu.memref_slice %arg6[%arg0, %mul3A_61, %dma_start3A_67] : memref<2x10000x64xf32, #tpu.memory_space<hbm>> -> memref<1x624x64xf32, #tpu.memory_space<hbm>>
      %dma_start3A_69 = tpu.memref_squeeze %dma_start3A_68 : memref<1x624x64xf32, #tpu.memory_space<hbm>> -> memref<624x64xf32, #tpu.memory_space<hbm>>
      %dma_start3A_70 = arith.constant 0 : i32
      %dma_start3A_71 = tpu.memref_slice %arg13[%mul3A_59, %dma_start3A_70] : memref<10000x64xf32, #tpu.memory_space<vmem_shared>> -> memref<624x64xf32, #tpu.memory_space<vmem_shared>>
      tpu.enqueue_dma source(%dma_start3A_71 : memref<624x64xf32, #tpu.memory_space<vmem_shared>>) target(%dma_start3A_69 : memref<624x64xf32, #tpu.memory_space<hbm>>) target_semaphore(%run_scoped3A : memref<!tpu.dma_semaphore, #tpu.memory_space<semaphore_mem>>)
      %dma_wait3A_72 = arith.constant 0 : i32
      %dma_wait3A_73 = tpu.memref_slice %arg6[%arg0, %mul3A_61, %dma_wait3A_72] : memref<2x10000x64xf32, #tpu.memory_space<hbm>> -> memref<1x624x64xf32, #tpu.memory_space<hbm>>
      %dma_wait3A_74 = tpu.memref_squeeze %dma_wait3A_73 : memref<1x624x64xf32, #tpu.memory_space<hbm>> -> memref<624x64xf32, #tpu.memory_space<hbm>>
      %dma_wait3A_75 = arith.constant 0 : i32
      %dma_wait3A_76 = tpu.memref_slice %arg13[%mul3A_59, %dma_wait3A_75] : memref<10000x64xf32, #tpu.memory_space<vmem_shared>> -> memref<624x64xf32, #tpu.memory_space<vmem_shared>>
      tpu.wait_dma2 semaphore(%run_scoped3A : memref<!tpu.dma_semaphore, #tpu.memory_space<semaphore_mem>>) src(%dma_wait3A_76 : memref<624x64xf32, #tpu.memory_space<vmem_shared>>) dst(%dma_wait3A_74 : memref<624x64xf32, #tpu.memory_space<hbm>>)
      tpu.yield
    }) : () -> ()
    %eq3A_62 = arith.constant 15 : i32
    %eq3A_63 = arith.cmpi eq, %arg1, %eq3A_62 : i32
    %convert_element_type3A_64 = arith.extui %eq3A_63 : i1 to i32
    %cond3A_65 = arith.constant 0 : i32
    %cond3A_66 = arith.cmpi ne, %convert_element_type3A_64, %cond3A_65 : i32
    scf.if %cond3A_66 {
      "tpu.region"() ({
        %run_scoped3A = tpu.sem_alloc : memref<!tpu.dma_semaphore, #tpu.memory_space<semaphore_mem>>
        %dma_start3A_67 = arith.constant 9984 : i32
        %dma_start3A_68 = arith.constant 0 : i32
        %dma_start3A_69 = tpu.memref_slice %arg6[%arg0, %dma_start3A_67, %dma_start3A_68] : memref<2x10000x64xf32, #tpu.memory_space<hbm>> -> memref<1x16x64xf32, #tpu.memory_space<hbm>>
        %dma_start3A_70 = tpu.memref_squeeze %dma_start3A_69 : memref<1x16x64xf32, #tpu.memory_space<hbm>> -> memref<16x64xf32, #tpu.memory_space<hbm>>
        %dma_start3A_71 = arith.constant 9984 : i32
        %dma_start3A_72 = arith.constant 0 : i32
        %dma_start3A_73 = tpu.memref_slice %arg13[%dma_start3A_71, %dma_start3A_72] : memref<10000x64xf32, #tpu.memory_space<vmem_shared>> -> memref<16x64xf32, #tpu.memory_space<vmem_shared>>
        tpu.enqueue_dma source(%dma_start3A_73 : memref<16x64xf32, #tpu.memory_space<vmem_shared>>) target(%dma_start3A_70 : memref<16x64xf32, #tpu.memory_space<hbm>>) target_semaphore(%run_scoped3A : memref<!tpu.dma_semaphore, #tpu.memory_space<semaphore_mem>>)
        %dma_wait3A_74 = arith.constant 9984 : i32
        %dma_wait3A_75 = arith.constant 0 : i32
        %dma_wait3A_76 = tpu.memref_slice %arg6[%arg0, %dma_wait3A_74, %dma_wait3A_75] : memref<2x10000x64xf32, #tpu.memory_space<hbm>> -> memref<1x16x64xf32, #tpu.memory_space<hbm>>
        %dma_wait3A_77 = tpu.memref_squeeze %dma_wait3A_76 : memref<1x16x64xf32, #tpu.memory_space<hbm>> -> memref<16x64xf32, #tpu.memory_space<hbm>>
        %dma_wait3A_78 = arith.constant 9984 : i32
        %dma_wait3A_79 = arith.constant 0 : i32
        %dma_wait3A_80 = tpu.memref_slice %arg13[%dma_wait3A_78, %dma_wait3A_79] : memref<10000x64xf32, #tpu.memory_space<vmem_shared>> -> memref<16x64xf32, #tpu.memory_space<vmem_shared>>
        tpu.wait_dma2 semaphore(%run_scoped3A : memref<!tpu.dma_semaphore, #tpu.memory_space<semaphore_mem>>) src(%dma_wait3A_80 : memref<16x64xf32, #tpu.memory_space<vmem_shared>>) dst(%dma_wait3A_77 : memref<16x64xf32, #tpu.memory_space<hbm>>)
        tpu.yield
      }) : () -> ()
    } else {
    }
    return
  }
}

#map = affine_map<(d0, d1) -> (0, 0)>
#map1 = affine_map<(d0, d1) -> (0, 0, 0)>
module attributes {stable_mosaic.version = 14 : i64} {
  func.func @_gather_scatter_kernel(%arg0: i32, %arg1: i32, %arg2: memref<10000x64xf32, #tpu.memory_space<hbm>>, %arg3: memref<32x80x125xi32, #tpu.memory_space<hbm>>, %arg4: memref<32x80x125xi32, #tpu.memory_space<hbm>>, %arg5: memref<624x64xf32, #tpu.memory_space<hbm>>, %arg6: memref<2x10000x64xf32, #tpu.memory_space<hbm>>, %arg7: memref<80x125xi32, #tpu.memory_space<vmem>>, %arg8: memref<80x125xi32, #tpu.memory_space<vmem>>, %arg9: memref<125x64xf32, #tpu.memory_space<vmem>>, %arg10: memref<125x64xf32, #tpu.memory_space<vmem>>, %arg11: memref<125x64xf32, #tpu.memory_space<vmem>>, %arg12: memref<125x64xf32, #tpu.memory_space<vmem>>, %arg13: memref<10000x64xf32, #tpu.memory_space<vmem_shared>>, %arg14: memref<!tpu.dma_semaphore, #tpu.memory_space<semaphore_mem>>, %arg15: memref<!tpu.dma_semaphore, #tpu.memory_space<semaphore_mem>>, %arg16: memref<!tpu.dma_semaphore, #tpu.memory_space<semaphore_mem>>, %arg17: memref<!tpu.dma_semaphore, #tpu.memory_space<semaphore_mem>>, %arg18: memref<!tpu.dma_semaphore, #tpu.memory_space<semaphore_mem>>, %arg19: memref<!tpu.dma_semaphore, #tpu.memory_space<semaphore_mem>>, %arg20: memref<!tpu.dma_semaphore, #tpu.memory_space<semaphore_mem>>, %arg21: memref<!tpu.dma_semaphore, #tpu.memory_space<semaphore_mem>>) attributes {dimension_semantics = [#tpu.dimension_semantics<core_parallel>, #tpu.dimension_semantics<subcore_parallel>], iteration_bounds = array<i64: 2, 16>, scalar_prefetch = 0 : i64, scratch_operands = 15 : i64, tpu.core_type = #tpu.core_type<sc_vector_subcore>, window_params = [{transform_indices = #map}, {transform_indices = #map1}, {transform_indices = #map1}, {transform_indices = #map}, {transform_indices = #map1}]} {
    %mul3A = arith.constant 16 : i32
    %mul3A_0 = arith.muli %arg0, %mul3A : i32
    %add3A = arith.addi %mul3A_0, %arg1 : i32
    %mul3A_1 = arith.constant 624 : i32
    %mul3A_2 = arith.muli %arg1, %mul3A_1 : i32
    "tpu.region"() ({
      %run_scoped3A = tpu.sem_alloc : memref<!tpu.dma_semaphore, #tpu.memory_space<semaphore_mem>>
      %dma_start3A_67 = arith.constant 0 : i32
      %dma_start3A_68 = tpu.memref_slice %arg13[%mul3A_2, %dma_start3A_67] : memref<10000x64xf32, #tpu.memory_space<vmem_shared>> -> memref<624x64xf32, #tpu.memory_space<vmem_shared>>
      tpu.enqueue_dma source(%arg5 : memref<624x64xf32, #tpu.memory_space<hbm>>) target(%dma_start3A_68 : memref<624x64xf32, #tpu.memory_space<vmem_shared>>) target_semaphore(%run_scoped3A : memref<!tpu.dma_semaphore, #tpu.memory_space<semaphore_mem>>)
      %dma_wait3A_69 = arith.constant 0 : i32
      %dma_wait3A_70 = tpu.memref_slice %arg13[%mul3A_2, %dma_wait3A_69] : memref<10000x64xf32, #tpu.memory_space<vmem_shared>> -> memref<624x64xf32, #tpu.memory_space<vmem_shared>>
      tpu.wait_dma2 semaphore(%run_scoped3A : memref<!tpu.dma_semaphore, #tpu.memory_space<semaphore_mem>>) src(%arg5 : memref<624x64xf32, #tpu.memory_space<hbm>>) dst(%dma_wait3A_70 : memref<624x64xf32, #tpu.memory_space<vmem_shared>>)
      tpu.yield
    }) : () -> ()
    %eq3A = arith.constant 15 : i32
    %eq3A_3 = arith.cmpi eq, %arg1, %eq3A : i32
    %convert_element_type3A = arith.extui %eq3A_3 : i1 to i32
    %cond3A = arith.constant 0 : i32
    %cond3A_4 = arith.cmpi ne, %convert_element_type3A, %cond3A : i32
    scf.if %cond3A_4 {
      "tpu.region"() ({
        %run_scoped3A = tpu.sem_alloc : memref<!tpu.dma_semaphore, #tpu.memory_space<semaphore_mem>>
        %dma_start3A_67 = arith.constant 9984 : i32
        %dma_start3A_68 = arith.constant 0 : i32
        %dma_start3A_69 = tpu.memref_slice %arg13[%dma_start3A_67, %dma_start3A_68] : memref<10000x64xf32, #tpu.memory_space<vmem_shared>> -> memref<16x64xf32, #tpu.memory_space<vmem_shared>>
        %dma_start3A_70 = arith.constant 0 : i32
        %dma_start3A_71 = arith.constant 0 : i32
        %dma_start3A_72 = tpu.memref_slice %arg5[%dma_start3A_70, %dma_start3A_71] : memref<624x64xf32, #tpu.memory_space<hbm>> -> memref<16x64xf32, #tpu.memory_space<hbm>>
        tpu.enqueue_dma source(%dma_start3A_72 : memref<16x64xf32, #tpu.memory_space<hbm>>) target(%dma_start3A_69 : memref<16x64xf32, #tpu.memory_space<vmem_shared>>) target_semaphore(%run_scoped3A : memref<!tpu.dma_semaphore, #tpu.memory_space<semaphore_mem>>)
        %dma_wait3A_73 = arith.constant 9984 : i32
        %dma_wait3A_74 = arith.constant 0 : i32
        %dma_wait3A_75 = tpu.memref_slice %arg13[%dma_wait3A_73, %dma_wait3A_74] : memref<10000x64xf32, #tpu.memory_space<vmem_shared>> -> memref<16x64xf32, #tpu.memory_space<vmem_shared>>
        %dma_wait3A_76 = arith.constant 0 : i32
        %dma_wait3A_77 = arith.constant 0 : i32
        %dma_wait3A_78 = tpu.memref_slice %arg5[%dma_wait3A_76, %dma_wait3A_77] : memref<624x64xf32, #tpu.memory_space<hbm>> -> memref<16x64xf32, #tpu.memory_space<hbm>>
        tpu.wait_dma2 semaphore(%run_scoped3A : memref<!tpu.dma_semaphore, #tpu.memory_space<semaphore_mem>>) src(%dma_wait3A_78 : memref<16x64xf32, #tpu.memory_space<hbm>>) dst(%dma_wait3A_75 : memref<16x64xf32, #tpu.memory_space<vmem_shared>>)
        tpu.yield
      }) : () -> ()
    } else {
    }
    "tpu.region"() ({
      %run_scoped3A = tpu.sem_alloc : memref<!tpu.dma_semaphore, #tpu.memory_space<semaphore_mem>>
      %dma_start3A_67 = arith.constant 0 : i32
      %dma_start3A_68 = arith.constant 0 : i32
      %dma_start3A_69 = tpu.memref_slice %arg3[%add3A, %dma_start3A_67, %dma_start3A_68] : memref<32x80x125xi32, #tpu.memory_space<hbm>> -> memref<1x80x125xi32, #tpu.memory_space<hbm>>
      %dma_start3A_70 = tpu.memref_squeeze %dma_start3A_69 : memref<1x80x125xi32, #tpu.memory_space<hbm>> -> memref<80x125xi32, #tpu.memory_space<hbm>>
      %dma_start3A_71 = arith.constant 0 : i32
      %dma_start3A_72 = arith.constant 0 : i32
      %dma_start3A_73 = tpu.memref_slice %arg3[%add3A, %dma_start3A_71, %dma_start3A_72] : memref<32x80x125xi32, #tpu.memory_space<hbm>> -> memref<1x80x125xi32, #tpu.memory_space<hbm>>
      %dma_start3A_74 = tpu.memref_squeeze %dma_start3A_73 : memref<1x80x125xi32, #tpu.memory_space<hbm>> -> memref<80x125xi32, #tpu.memory_space<hbm>>
      tpu.enqueue_dma source(%dma_start3A_74 : memref<80x125xi32, #tpu.memory_space<hbm>>) target(%arg7 : memref<80x125xi32, #tpu.memory_space<vmem>>) target_semaphore(%run_scoped3A : memref<!tpu.dma_semaphore, #tpu.memory_space<semaphore_mem>>)
      %dma_wait3A_75 = arith.constant 0 : i32
      %dma_wait3A_76 = arith.constant 0 : i32
      %dma_wait3A_77 = tpu.memref_slice %arg3[%add3A, %dma_wait3A_75, %dma_wait3A_76] : memref<32x80x125xi32, #tpu.memory_space<hbm>> -> memref<1x80x125xi32, #tpu.memory_space<hbm>>
      %dma_wait3A_78 = tpu.memref_squeeze %dma_wait3A_77 : memref<1x80x125xi32, #tpu.memory_space<hbm>> -> memref<80x125xi32, #tpu.memory_space<hbm>>
      %dma_wait3A_79 = arith.constant 0 : i32
      %dma_wait3A_80 = arith.constant 0 : i32
      %dma_wait3A_81 = tpu.memref_slice %arg3[%add3A, %dma_wait3A_79, %dma_wait3A_80] : memref<32x80x125xi32, #tpu.memory_space<hbm>> -> memref<1x80x125xi32, #tpu.memory_space<hbm>>
      %dma_wait3A_82 = tpu.memref_squeeze %dma_wait3A_81 : memref<1x80x125xi32, #tpu.memory_space<hbm>> -> memref<80x125xi32, #tpu.memory_space<hbm>>
      tpu.wait_dma2 semaphore(%run_scoped3A : memref<!tpu.dma_semaphore, #tpu.memory_space<semaphore_mem>>) src(%dma_wait3A_82 : memref<80x125xi32, #tpu.memory_space<hbm>>) dst(%arg7 : memref<80x125xi32, #tpu.memory_space<vmem>>)
      tpu.yield
    }) : () -> ()
    "tpu.region"() ({
      %run_scoped3A = tpu.sem_alloc : memref<!tpu.dma_semaphore, #tpu.memory_space<semaphore_mem>>
      %dma_start3A_67 = arith.constant 0 : i32
      %dma_start3A_68 = arith.constant 0 : i32
      %dma_start3A_69 = tpu.memref_slice %arg4[%add3A, %dma_start3A_67, %dma_start3A_68] : memref<32x80x125xi32, #tpu.memory_space<hbm>> -> memref<1x80x125xi32, #tpu.memory_space<hbm>>
      %dma_start3A_70 = tpu.memref_squeeze %dma_start3A_69 : memref<1x80x125xi32, #tpu.memory_space<hbm>> -> memref<80x125xi32, #tpu.memory_space<hbm>>
      %dma_start3A_71 = arith.constant 0 : i32
      %dma_start3A_72 = arith.constant 0 : i32
      %dma_start3A_73 = tpu.memref_slice %arg4[%add3A, %dma_start3A_71, %dma_start3A_72] : memref<32x80x125xi32, #tpu.memory_space<hbm>> -> memref<1x80x125xi32, #tpu.memory_space<hbm>>
      %dma_start3A_74 = tpu.memref_squeeze %dma_start3A_73 : memref<1x80x125xi32, #tpu.memory_space<hbm>> -> memref<80x125xi32, #tpu.memory_space<hbm>>
      tpu.enqueue_dma source(%dma_start3A_74 : memref<80x125xi32, #tpu.memory_space<hbm>>) target(%arg8 : memref<80x125xi32, #tpu.memory_space<vmem>>) target_semaphore(%run_scoped3A : memref<!tpu.dma_semaphore, #tpu.memory_space<semaphore_mem>>)
      %dma_wait3A_75 = arith.constant 0 : i32
      %dma_wait3A_76 = arith.constant 0 : i32
      %dma_wait3A_77 = tpu.memref_slice %arg4[%add3A, %dma_wait3A_75, %dma_wait3A_76] : memref<32x80x125xi32, #tpu.memory_space<hbm>> -> memref<1x80x125xi32, #tpu.memory_space<hbm>>
      %dma_wait3A_78 = tpu.memref_squeeze %dma_wait3A_77 : memref<1x80x125xi32, #tpu.memory_space<hbm>> -> memref<80x125xi32, #tpu.memory_space<hbm>>
      %dma_wait3A_79 = arith.constant 0 : i32
      %dma_wait3A_80 = arith.constant 0 : i32
      %dma_wait3A_81 = tpu.memref_slice %arg4[%add3A, %dma_wait3A_79, %dma_wait3A_80] : memref<32x80x125xi32, #tpu.memory_space<hbm>> -> memref<1x80x125xi32, #tpu.memory_space<hbm>>
      %dma_wait3A_82 = tpu.memref_squeeze %dma_wait3A_81 : memref<1x80x125xi32, #tpu.memory_space<hbm>> -> memref<80x125xi32, #tpu.memory_space<hbm>>
      tpu.wait_dma2 semaphore(%run_scoped3A : memref<!tpu.dma_semaphore, #tpu.memory_space<semaphore_mem>>) src(%dma_wait3A_82 : memref<80x125xi32, #tpu.memory_space<hbm>>) dst(%arg8 : memref<80x125xi32, #tpu.memory_space<vmem>>)
      tpu.yield
    }) : () -> ()
    %barrier3A = arith.constant 0 : index
    tpu.barrier barrier_id(%barrier3A)
    %dma_start3A = arith.constant 0 : i32
    %dma_start3A_5 = arith.constant 0 : i32
    %dma_start3A_6 = tpu.memref_slice %arg7[%dma_start3A, %dma_start3A_5] : memref<80x125xi32, #tpu.memory_space<vmem>> -> memref<1x125xi32, #tpu.memory_space<vmem>>
    %dma_start3A_7 = tpu.memref_squeeze %dma_start3A_6 : memref<1x125xi32, #tpu.memory_space<vmem>> -> memref<125xi32, #tpu.memory_space<vmem>>
    %dma_start3A_8 = arith.constant 0 : i32
    %dma_start3A_9 = arith.constant 0 : i32
    %dma_start3A_10 = tpu.memref_slice %arg2[%dma_start3A_8, %dma_start3A_9] : memref<10000x64xf32, #tpu.memory_space<hbm>> -> memref<10000x64xf32, #tpu.memory_space<hbm>>
    tpu.enqueue_indirect_dma source(%dma_start3A_10 : memref<10000x64xf32, #tpu.memory_space<hbm>>) target(%arg9 : memref<125x64xf32, #tpu.memory_space<vmem>>) offsets(%dma_start3A_7 : memref<125xi32, #tpu.memory_space<vmem>>) semaphore(%arg14 : memref<!tpu.dma_semaphore, #tpu.memory_space<semaphore_mem>>)
    %dma_start3A_11 = arith.constant 1 : i32
    %dma_start3A_12 = arith.constant 0 : i32
    %dma_start3A_13 = tpu.memref_slice %arg7[%dma_start3A_11, %dma_start3A_12] : memref<80x125xi32, #tpu.memory_space<vmem>> -> memref<1x125xi32, #tpu.memory_space<vmem>>
    %dma_start3A_14 = tpu.memref_squeeze %dma_start3A_13 : memref<1x125xi32, #tpu.memory_space<vmem>> -> memref<125xi32, #tpu.memory_space<vmem>>
    %dma_start3A_15 = arith.constant 0 : i32
    %dma_start3A_16 = arith.constant 0 : i32
    %dma_start3A_17 = tpu.memref_slice %arg2[%dma_start3A_15, %dma_start3A_16] : memref<10000x64xf32, #tpu.memory_space<hbm>> -> memref<10000x64xf32, #tpu.memory_space<hbm>>
    tpu.enqueue_indirect_dma source(%dma_start3A_17 : memref<10000x64xf32, #tpu.memory_space<hbm>>) target(%arg10 : memref<125x64xf32, #tpu.memory_space<vmem>>) offsets(%dma_start3A_14 : memref<125xi32, #tpu.memory_space<vmem>>) semaphore(%arg15 : memref<!tpu.dma_semaphore, #tpu.memory_space<semaphore_mem>>)
    %dma_start3A_18 = arith.constant 2 : i32
    %dma_start3A_19 = arith.constant 0 : i32
    %dma_start3A_20 = tpu.memref_slice %arg7[%dma_start3A_18, %dma_start3A_19] : memref<80x125xi32, #tpu.memory_space<vmem>> -> memref<1x125xi32, #tpu.memory_space<vmem>>
    %dma_start3A_21 = tpu.memref_squeeze %dma_start3A_20 : memref<1x125xi32, #tpu.memory_space<vmem>> -> memref<125xi32, #tpu.memory_space<vmem>>
    %dma_start3A_22 = arith.constant 0 : i32
    %dma_start3A_23 = arith.constant 0 : i32
    %dma_start3A_24 = tpu.memref_slice %arg2[%dma_start3A_22, %dma_start3A_23] : memref<10000x64xf32, #tpu.memory_space<hbm>> -> memref<10000x64xf32, #tpu.memory_space<hbm>>
    tpu.enqueue_indirect_dma source(%dma_start3A_24 : memref<10000x64xf32, #tpu.memory_space<hbm>>) target(%arg11 : memref<125x64xf32, #tpu.memory_space<vmem>>) offsets(%dma_start3A_21 : memref<125xi32, #tpu.memory_space<vmem>>) semaphore(%arg16 : memref<!tpu.dma_semaphore, #tpu.memory_space<semaphore_mem>>)
    %scan3A = arith.constant 0 : i32
    %scan3A_25 = arith.constant 0 : i32
    %scan3A_26 = arith.constant 20 : i32
    %scan3A_27 = arith.addi %scan3A_25, %scan3A_26 : i32
    %scan3A_28 = arith.constant 1 : i32
    scf.for %scan3A_67 = %scan3A_25 to %scan3A_27 step %scan3A_28  : i32 {
      %mul3A_68 = arith.constant 4 : i32
      %mul3A_69 = arith.muli %mul3A_68, %scan3A_67 : i32
      %add3A_70 = arith.constant 0 : i32
      %add3A_71 = arith.addi %mul3A_69, %add3A_70 : i32
      %dma_wait3A_72 = arith.constant 0 : i32
      %dma_wait3A_73 = tpu.memref_slice %arg7[%add3A_71, %dma_wait3A_72] : memref<80x125xi32, #tpu.memory_space<vmem>> -> memref<1x125xi32, #tpu.memory_space<vmem>>
      %dma_wait3A_74 = tpu.memref_squeeze %dma_wait3A_73 : memref<1x125xi32, #tpu.memory_space<vmem>> -> memref<125xi32, #tpu.memory_space<vmem>>
      %dma_wait3A_75 = arith.constant 0 : i32
      %dma_wait3A_76 = arith.constant 0 : i32
      %dma_wait3A_77 = tpu.memref_slice %arg2[%dma_wait3A_75, %dma_wait3A_76] : memref<10000x64xf32, #tpu.memory_space<hbm>> -> memref<10000x64xf32, #tpu.memory_space<hbm>>
      tpu.wait_indirect_dma semaphore(%arg14 : memref<!tpu.dma_semaphore, #tpu.memory_space<semaphore_mem>>) src(%dma_wait3A_77 : memref<10000x64xf32, #tpu.memory_space<hbm>>) dst(%arg9 : memref<125x64xf32, #tpu.memory_space<vmem>>)
      %dma_start3A_78 = arith.constant 0 : i32
      %dma_start3A_79 = tpu.memref_slice %arg8[%add3A_71, %dma_start3A_78] : memref<80x125xi32, #tpu.memory_space<vmem>> -> memref<1x125xi32, #tpu.memory_space<vmem>>
      %dma_start3A_80 = tpu.memref_squeeze %dma_start3A_79 : memref<1x125xi32, #tpu.memory_space<vmem>> -> memref<125xi32, #tpu.memory_space<vmem>>
      %dma_start3A_81 = arith.constant 0 : i32
      %dma_start3A_82 = arith.constant 0 : i32
      %dma_start3A_83 = tpu.memref_slice %arg13[%dma_start3A_81, %dma_start3A_82] : memref<10000x64xf32, #tpu.memory_space<vmem_shared>> -> memref<10000x64xf32, #tpu.memory_space<vmem_shared>>
      tpu.enqueue_indirect_dma source(%arg9 : memref<125x64xf32, #tpu.memory_space<vmem>>) target(%dma_start3A_83 : memref<10000x64xf32, #tpu.memory_space<vmem_shared>>) offsets(%dma_start3A_80 : memref<125xi32, #tpu.memory_space<vmem>>) semaphore(%arg18 : memref<!tpu.dma_semaphore, #tpu.memory_space<semaphore_mem>>) {add = true}
      %ge3A = arith.constant 1 : i32
      %ge3A_84 = arith.cmpi sge, %add3A_71, %ge3A : i32
      %add3A_85 = arith.constant 3 : i32
      %add3A_86 = arith.addi %add3A_71, %add3A_85 : i32
      %lt3A = arith.constant 80 : i32
      %lt3A_87 = arith.cmpi slt, %add3A_86, %lt3A : i32
      %and3A = arith.andi %ge3A_84, %lt3A_87 : i1
      %convert_element_type3A_88 = arith.extui %and3A : i1 to i32
      %cond3A_89 = arith.constant 0 : i32
      %cond3A_90 = arith.cmpi ne, %convert_element_type3A_88, %cond3A_89 : i32
      scf.if %cond3A_90 {
        %dma_wait3A_197 = arith.constant 0 : i32
        %dma_wait3A_198 = tpu.memref_slice %arg8[%add3A_71, %dma_wait3A_197] : memref<80x125xi32, #tpu.memory_space<vmem>> -> memref<1x125xi32, #tpu.memory_space<vmem>>
        %dma_wait3A_199 = tpu.memref_squeeze %dma_wait3A_198 : memref<1x125xi32, #tpu.memory_space<vmem>> -> memref<125xi32, #tpu.memory_space<vmem>>
        %dma_wait3A_200 = arith.constant 0 : i32
        %dma_wait3A_201 = arith.constant 0 : i32
        %dma_wait3A_202 = tpu.memref_slice %arg13[%dma_wait3A_200, %dma_wait3A_201] : memref<10000x64xf32, #tpu.memory_space<vmem_shared>> -> memref<10000x64xf32, #tpu.memory_space<vmem_shared>>
        tpu.wait_indirect_dma semaphore(%arg21 : memref<!tpu.dma_semaphore, #tpu.memory_space<semaphore_mem>>) src(%arg12 : memref<125x64xf32, #tpu.memory_space<vmem>>) dst(%dma_wait3A_202 : memref<10000x64xf32, #tpu.memory_space<vmem_shared>>)
      } else {
      }
      %add3A_91 = arith.constant 3 : i32
      %add3A_92 = arith.addi %add3A_71, %add3A_91 : i32
      %lt3A_93 = arith.constant 80 : i32
      %lt3A_94 = arith.cmpi slt, %add3A_92, %lt3A_93 : i32
      %convert_element_type3A_95 = arith.extui %lt3A_94 : i1 to i32
      %cond3A_96 = arith.constant 0 : i32
      %cond3A_97 = arith.cmpi ne, %convert_element_type3A_95, %cond3A_96 : i32
      scf.if %cond3A_97 {
        %add3A_197 = arith.constant 3 : i32
        %add3A_198 = arith.addi %add3A_71, %add3A_197 : i32
        %dma_start3A_199 = arith.constant 0 : i32
        %dma_start3A_200 = tpu.memref_slice %arg7[%add3A_198, %dma_start3A_199] : memref<80x125xi32, #tpu.memory_space<vmem>> -> memref<1x125xi32, #tpu.memory_space<vmem>>
        %dma_start3A_201 = tpu.memref_squeeze %dma_start3A_200 : memref<1x125xi32, #tpu.memory_space<vmem>> -> memref<125xi32, #tpu.memory_space<vmem>>
        %dma_start3A_202 = arith.constant 0 : i32
        %dma_start3A_203 = arith.constant 0 : i32
        %dma_start3A_204 = tpu.memref_slice %arg2[%dma_start3A_202, %dma_start3A_203] : memref<10000x64xf32, #tpu.memory_space<hbm>> -> memref<10000x64xf32, #tpu.memory_space<hbm>>
        tpu.enqueue_indirect_dma source(%dma_start3A_204 : memref<10000x64xf32, #tpu.memory_space<hbm>>) target(%arg12 : memref<125x64xf32, #tpu.memory_space<vmem>>) offsets(%dma_start3A_201 : memref<125xi32, #tpu.memory_space<vmem>>) semaphore(%arg17 : memref<!tpu.dma_semaphore, #tpu.memory_space<semaphore_mem>>)
      } else {
      }
      %mul3A_98 = arith.constant 4 : i32
      %mul3A_99 = arith.muli %mul3A_98, %scan3A_67 : i32
      %add3A_100 = arith.constant 1 : i32
      %add3A_101 = arith.addi %mul3A_99, %add3A_100 : i32
      %dma_wait3A_102 = arith.constant 0 : i32
      %dma_wait3A_103 = tpu.memref_slice %arg7[%add3A_101, %dma_wait3A_102] : memref<80x125xi32, #tpu.memory_space<vmem>> -> memref<1x125xi32, #tpu.memory_space<vmem>>
      %dma_wait3A_104 = tpu.memref_squeeze %dma_wait3A_103 : memref<1x125xi32, #tpu.memory_space<vmem>> -> memref<125xi32, #tpu.memory_space<vmem>>
      %dma_wait3A_105 = arith.constant 0 : i32
      %dma_wait3A_106 = arith.constant 0 : i32
      %dma_wait3A_107 = tpu.memref_slice %arg2[%dma_wait3A_105, %dma_wait3A_106] : memref<10000x64xf32, #tpu.memory_space<hbm>> -> memref<10000x64xf32, #tpu.memory_space<hbm>>
      tpu.wait_indirect_dma semaphore(%arg15 : memref<!tpu.dma_semaphore, #tpu.memory_space<semaphore_mem>>) src(%dma_wait3A_107 : memref<10000x64xf32, #tpu.memory_space<hbm>>) dst(%arg10 : memref<125x64xf32, #tpu.memory_space<vmem>>)
      %dma_start3A_108 = arith.constant 0 : i32
      %dma_start3A_109 = tpu.memref_slice %arg8[%add3A_101, %dma_start3A_108] : memref<80x125xi32, #tpu.memory_space<vmem>> -> memref<1x125xi32, #tpu.memory_space<vmem>>
      %dma_start3A_110 = tpu.memref_squeeze %dma_start3A_109 : memref<1x125xi32, #tpu.memory_space<vmem>> -> memref<125xi32, #tpu.memory_space<vmem>>
      %dma_start3A_111 = arith.constant 0 : i32
      %dma_start3A_112 = arith.constant 0 : i32
      %dma_start3A_113 = tpu.memref_slice %arg13[%dma_start3A_111, %dma_start3A_112] : memref<10000x64xf32, #tpu.memory_space<vmem_shared>> -> memref<10000x64xf32, #tpu.memory_space<vmem_shared>>
      tpu.enqueue_indirect_dma source(%arg10 : memref<125x64xf32, #tpu.memory_space<vmem>>) target(%dma_start3A_113 : memref<10000x64xf32, #tpu.memory_space<vmem_shared>>) offsets(%dma_start3A_110 : memref<125xi32, #tpu.memory_space<vmem>>) semaphore(%arg19 : memref<!tpu.dma_semaphore, #tpu.memory_space<semaphore_mem>>) {add = true}
      %ge3A_114 = arith.constant 1 : i32
      %ge3A_115 = arith.cmpi sge, %add3A_101, %ge3A_114 : i32
      %add3A_116 = arith.constant 3 : i32
      %add3A_117 = arith.addi %add3A_101, %add3A_116 : i32
      %lt3A_118 = arith.constant 80 : i32
      %lt3A_119 = arith.cmpi slt, %add3A_117, %lt3A_118 : i32
      %and3A_120 = arith.andi %ge3A_115, %lt3A_119 : i1
      %convert_element_type3A_121 = arith.extui %and3A_120 : i1 to i32
      %cond3A_122 = arith.constant 0 : i32
      %cond3A_123 = arith.cmpi ne, %convert_element_type3A_121, %cond3A_122 : i32
      scf.if %cond3A_123 {
        %dma_wait3A_197 = arith.constant 0 : i32
        %dma_wait3A_198 = tpu.memref_slice %arg8[%add3A_101, %dma_wait3A_197] : memref<80x125xi32, #tpu.memory_space<vmem>> -> memref<1x125xi32, #tpu.memory_space<vmem>>
        %dma_wait3A_199 = tpu.memref_squeeze %dma_wait3A_198 : memref<1x125xi32, #tpu.memory_space<vmem>> -> memref<125xi32, #tpu.memory_space<vmem>>
        %dma_wait3A_200 = arith.constant 0 : i32
        %dma_wait3A_201 = arith.constant 0 : i32
        %dma_wait3A_202 = tpu.memref_slice %arg13[%dma_wait3A_200, %dma_wait3A_201] : memref<10000x64xf32, #tpu.memory_space<vmem_shared>> -> memref<10000x64xf32, #tpu.memory_space<vmem_shared>>
        tpu.wait_indirect_dma semaphore(%arg18 : memref<!tpu.dma_semaphore, #tpu.memory_space<semaphore_mem>>) src(%arg9 : memref<125x64xf32, #tpu.memory_space<vmem>>) dst(%dma_wait3A_202 : memref<10000x64xf32, #tpu.memory_space<vmem_shared>>)
      } else {
      }
      %add3A_124 = arith.constant 3 : i32
      %add3A_125 = arith.addi %add3A_101, %add3A_124 : i32
      %lt3A_126 = arith.constant 80 : i32
      %lt3A_127 = arith.cmpi slt, %add3A_125, %lt3A_126 : i32
      %convert_element_type3A_128 = arith.extui %lt3A_127 : i1 to i32
      %cond3A_129 = arith.constant 0 : i32
      %cond3A_130 = arith.cmpi ne, %convert_element_type3A_128, %cond3A_129 : i32
      scf.if %cond3A_130 {
        %add3A_197 = arith.constant 3 : i32
        %add3A_198 = arith.addi %add3A_101, %add3A_197 : i32
        %dma_start3A_199 = arith.constant 0 : i32
        %dma_start3A_200 = tpu.memref_slice %arg7[%add3A_198, %dma_start3A_199] : memref<80x125xi32, #tpu.memory_space<vmem>> -> memref<1x125xi32, #tpu.memory_space<vmem>>
        %dma_start3A_201 = tpu.memref_squeeze %dma_start3A_200 : memref<1x125xi32, #tpu.memory_space<vmem>> -> memref<125xi32, #tpu.memory_space<vmem>>
        %dma_start3A_202 = arith.constant 0 : i32
        %dma_start3A_203 = arith.constant 0 : i32
        %dma_start3A_204 = tpu.memref_slice %arg2[%dma_start3A_202, %dma_start3A_203] : memref<10000x64xf32, #tpu.memory_space<hbm>> -> memref<10000x64xf32, #tpu.memory_space<hbm>>
        tpu.enqueue_indirect_dma source(%dma_start3A_204 : memref<10000x64xf32, #tpu.memory_space<hbm>>) target(%arg9 : memref<125x64xf32, #tpu.memory_space<vmem>>) offsets(%dma_start3A_201 : memref<125xi32, #tpu.memory_space<vmem>>) semaphore(%arg14 : memref<!tpu.dma_semaphore, #tpu.memory_space<semaphore_mem>>)
      } else {
      }
      %mul3A_131 = arith.constant 4 : i32
      %mul3A_132 = arith.muli %mul3A_131, %scan3A_67 : i32
      %add3A_133 = arith.constant 2 : i32
      %add3A_134 = arith.addi %mul3A_132, %add3A_133 : i32
      %dma_wait3A_135 = arith.constant 0 : i32
      %dma_wait3A_136 = tpu.memref_slice %arg7[%add3A_134, %dma_wait3A_135] : memref<80x125xi32, #tpu.memory_space<vmem>> -> memref<1x125xi32, #tpu.memory_space<vmem>>
      %dma_wait3A_137 = tpu.memref_squeeze %dma_wait3A_136 : memref<1x125xi32, #tpu.memory_space<vmem>> -> memref<125xi32, #tpu.memory_space<vmem>>
      %dma_wait3A_138 = arith.constant 0 : i32
      %dma_wait3A_139 = arith.constant 0 : i32
      %dma_wait3A_140 = tpu.memref_slice %arg2[%dma_wait3A_138, %dma_wait3A_139] : memref<10000x64xf32, #tpu.memory_space<hbm>> -> memref<10000x64xf32, #tpu.memory_space<hbm>>
      tpu.wait_indirect_dma semaphore(%arg16 : memref<!tpu.dma_semaphore, #tpu.memory_space<semaphore_mem>>) src(%dma_wait3A_140 : memref<10000x64xf32, #tpu.memory_space<hbm>>) dst(%arg11 : memref<125x64xf32, #tpu.memory_space<vmem>>)
      %dma_start3A_141 = arith.constant 0 : i32
      %dma_start3A_142 = tpu.memref_slice %arg8[%add3A_134, %dma_start3A_141] : memref<80x125xi32, #tpu.memory_space<vmem>> -> memref<1x125xi32, #tpu.memory_space<vmem>>
      %dma_start3A_143 = tpu.memref_squeeze %dma_start3A_142 : memref<1x125xi32, #tpu.memory_space<vmem>> -> memref<125xi32, #tpu.memory_space<vmem>>
      %dma_start3A_144 = arith.constant 0 : i32
      %dma_start3A_145 = arith.constant 0 : i32
      %dma_start3A_146 = tpu.memref_slice %arg13[%dma_start3A_144, %dma_start3A_145] : memref<10000x64xf32, #tpu.memory_space<vmem_shared>> -> memref<10000x64xf32, #tpu.memory_space<vmem_shared>>
      tpu.enqueue_indirect_dma source(%arg11 : memref<125x64xf32, #tpu.memory_space<vmem>>) target(%dma_start3A_146 : memref<10000x64xf32, #tpu.memory_space<vmem_shared>>) offsets(%dma_start3A_143 : memref<125xi32, #tpu.memory_space<vmem>>) semaphore(%arg20 : memref<!tpu.dma_semaphore, #tpu.memory_space<semaphore_mem>>) {add = true}
      %ge3A_147 = arith.constant 1 : i32
      %ge3A_148 = arith.cmpi sge, %add3A_134, %ge3A_147 : i32
      %add3A_149 = arith.constant 3 : i32
      %add3A_150 = arith.addi %add3A_134, %add3A_149 : i32
      %lt3A_151 = arith.constant 80 : i32
      %lt3A_152 = arith.cmpi slt, %add3A_150, %lt3A_151 : i32
      %and3A_153 = arith.andi %ge3A_148, %lt3A_152 : i1
      %convert_element_type3A_154 = arith.extui %and3A_153 : i1 to i32
      %cond3A_155 = arith.constant 0 : i32
      %cond3A_156 = arith.cmpi ne, %convert_element_type3A_154, %cond3A_155 : i32
      scf.if %cond3A_156 {
        %dma_wait3A_197 = arith.constant 0 : i32
        %dma_wait3A_198 = tpu.memref_slice %arg8[%add3A_134, %dma_wait3A_197] : memref<80x125xi32, #tpu.memory_space<vmem>> -> memref<1x125xi32, #tpu.memory_space<vmem>>
        %dma_wait3A_199 = tpu.memref_squeeze %dma_wait3A_198 : memref<1x125xi32, #tpu.memory_space<vmem>> -> memref<125xi32, #tpu.memory_space<vmem>>
        %dma_wait3A_200 = arith.constant 0 : i32
        %dma_wait3A_201 = arith.constant 0 : i32
        %dma_wait3A_202 = tpu.memref_slice %arg13[%dma_wait3A_200, %dma_wait3A_201] : memref<10000x64xf32, #tpu.memory_space<vmem_shared>> -> memref<10000x64xf32, #tpu.memory_space<vmem_shared>>
        tpu.wait_indirect_dma semaphore(%arg19 : memref<!tpu.dma_semaphore, #tpu.memory_space<semaphore_mem>>) src(%arg10 : memref<125x64xf32, #tpu.memory_space<vmem>>) dst(%dma_wait3A_202 : memref<10000x64xf32, #tpu.memory_space<vmem_shared>>)
      } else {
      }
      %add3A_157 = arith.constant 3 : i32
      %add3A_158 = arith.addi %add3A_134, %add3A_157 : i32
      %lt3A_159 = arith.constant 80 : i32
      %lt3A_160 = arith.cmpi slt, %add3A_158, %lt3A_159 : i32
      %convert_element_type3A_161 = arith.extui %lt3A_160 : i1 to i32
      %cond3A_162 = arith.constant 0 : i32
      %cond3A_163 = arith.cmpi ne, %convert_element_type3A_161, %cond3A_162 : i32
      scf.if %cond3A_163 {
        %add3A_197 = arith.constant 3 : i32
        %add3A_198 = arith.addi %add3A_134, %add3A_197 : i32
        %dma_start3A_199 = arith.constant 0 : i32
        %dma_start3A_200 = tpu.memref_slice %arg7[%add3A_198, %dma_start3A_199] : memref<80x125xi32, #tpu.memory_space<vmem>> -> memref<1x125xi32, #tpu.memory_space<vmem>>
        %dma_start3A_201 = tpu.memref_squeeze %dma_start3A_200 : memref<1x125xi32, #tpu.memory_space<vmem>> -> memref<125xi32, #tpu.memory_space<vmem>>
        %dma_start3A_202 = arith.constant 0 : i32
        %dma_start3A_203 = arith.constant 0 : i32
        %dma_start3A_204 = tpu.memref_slice %arg2[%dma_start3A_202, %dma_start3A_203] : memref<10000x64xf32, #tpu.memory_space<hbm>> -> memref<10000x64xf32, #tpu.memory_space<hbm>>
        tpu.enqueue_indirect_dma source(%dma_start3A_204 : memref<10000x64xf32, #tpu.memory_space<hbm>>) target(%arg10 : memref<125x64xf32, #tpu.memory_space<vmem>>) offsets(%dma_start3A_201 : memref<125xi32, #tpu.memory_space<vmem>>) semaphore(%arg15 : memref<!tpu.dma_semaphore, #tpu.memory_space<semaphore_mem>>)
      } else {
      }
      %mul3A_164 = arith.constant 4 : i32
      %mul3A_165 = arith.muli %mul3A_164, %scan3A_67 : i32
      %add3A_166 = arith.constant 3 : i32
      %add3A_167 = arith.addi %mul3A_165, %add3A_166 : i32
      %dma_wait3A_168 = arith.constant 0 : i32
      %dma_wait3A_169 = tpu.memref_slice %arg7[%add3A_167, %dma_wait3A_168] : memref<80x125xi32, #tpu.memory_space<vmem>> -> memref<1x125xi32, #tpu.memory_space<vmem>>
      %dma_wait3A_170 = tpu.memref_squeeze %dma_wait3A_169 : memref<1x125xi32, #tpu.memory_space<vmem>> -> memref<125xi32, #tpu.memory_space<vmem>>
      %dma_wait3A_171 = arith.constant 0 : i32
      %dma_wait3A_172 = arith.constant 0 : i32
      %dma_wait3A_173 = tpu.memref_slice %arg2[%dma_wait3A_171, %dma_wait3A_172] : memref<10000x64xf32, #tpu.memory_space<hbm>> -> memref<10000x64xf32, #tpu.memory_space<hbm>>
      tpu.wait_indirect_dma semaphore(%arg17 : memref<!tpu.dma_semaphore, #tpu.memory_space<semaphore_mem>>) src(%dma_wait3A_173 : memref<10000x64xf32, #tpu.memory_space<hbm>>) dst(%arg12 : memref<125x64xf32, #tpu.memory_space<vmem>>)
      %dma_start3A_174 = arith.constant 0 : i32
      %dma_start3A_175 = tpu.memref_slice %arg8[%add3A_167, %dma_start3A_174] : memref<80x125xi32, #tpu.memory_space<vmem>> -> memref<1x125xi32, #tpu.memory_space<vmem>>
      %dma_start3A_176 = tpu.memref_squeeze %dma_start3A_175 : memref<1x125xi32, #tpu.memory_space<vmem>> -> memref<125xi32, #tpu.memory_space<vmem>>
      %dma_start3A_177 = arith.constant 0 : i32
      %dma_start3A_178 = arith.constant 0 : i32
      %dma_start3A_179 = tpu.memref_slice %arg13[%dma_start3A_177, %dma_start3A_178] : memref<10000x64xf32, #tpu.memory_space<vmem_shared>> -> memref<10000x64xf32, #tpu.memory_space<vmem_shared>>
      tpu.enqueue_indirect_dma source(%arg12 : memref<125x64xf32, #tpu.memory_space<vmem>>) target(%dma_start3A_179 : memref<10000x64xf32, #tpu.memory_space<vmem_shared>>) offsets(%dma_start3A_176 : memref<125xi32, #tpu.memory_space<vmem>>) semaphore(%arg21 : memref<!tpu.dma_semaphore, #tpu.memory_space<semaphore_mem>>) {add = true}
      %ge3A_180 = arith.constant 1 : i32
      %ge3A_181 = arith.cmpi sge, %add3A_167, %ge3A_180 : i32
      %add3A_182 = arith.constant 3 : i32
      %add3A_183 = arith.addi %add3A_167, %add3A_182 : i32
      %lt3A_184 = arith.constant 80 : i32
      %lt3A_185 = arith.cmpi slt, %add3A_183, %lt3A_184 : i32
      %and3A_186 = arith.andi %ge3A_181, %lt3A_185 : i1
      %convert_element_type3A_187 = arith.extui %and3A_186 : i1 to i32
      %cond3A_188 = arith.constant 0 : i32
      %cond3A_189 = arith.cmpi ne, %convert_element_type3A_187, %cond3A_188 : i32
      scf.if %cond3A_189 {
        %dma_wait3A_197 = arith.constant 0 : i32
        %dma_wait3A_198 = tpu.memref_slice %arg8[%add3A_167, %dma_wait3A_197] : memref<80x125xi32, #tpu.memory_space<vmem>> -> memref<1x125xi32, #tpu.memory_space<vmem>>
        %dma_wait3A_199 = tpu.memref_squeeze %dma_wait3A_198 : memref<1x125xi32, #tpu.memory_space<vmem>> -> memref<125xi32, #tpu.memory_space<vmem>>
        %dma_wait3A_200 = arith.constant 0 : i32
        %dma_wait3A_201 = arith.constant 0 : i32
        %dma_wait3A_202 = tpu.memref_slice %arg13[%dma_wait3A_200, %dma_wait3A_201] : memref<10000x64xf32, #tpu.memory_space<vmem_shared>> -> memref<10000x64xf32, #tpu.memory_space<vmem_shared>>
        tpu.wait_indirect_dma semaphore(%arg20 : memref<!tpu.dma_semaphore, #tpu.memory_space<semaphore_mem>>) src(%arg11 : memref<125x64xf32, #tpu.memory_space<vmem>>) dst(%dma_wait3A_202 : memref<10000x64xf32, #tpu.memory_space<vmem_shared>>)
      } else {
      }
      %add3A_190 = arith.constant 3 : i32
      %add3A_191 = arith.addi %add3A_167, %add3A_190 : i32
      %lt3A_192 = arith.constant 80 : i32
      %lt3A_193 = arith.cmpi slt, %add3A_191, %lt3A_192 : i32
      %convert_element_type3A_194 = arith.extui %lt3A_193 : i1 to i32
      %cond3A_195 = arith.constant 0 : i32
      %cond3A_196 = arith.cmpi ne, %convert_element_type3A_194, %cond3A_195 : i32
      scf.if %cond3A_196 {
        %add3A_197 = arith.constant 3 : i32
        %add3A_198 = arith.addi %add3A_167, %add3A_197 : i32
        %dma_start3A_199 = arith.constant 0 : i32
        %dma_start3A_200 = tpu.memref_slice %arg7[%add3A_198, %dma_start3A_199] : memref<80x125xi32, #tpu.memory_space<vmem>> -> memref<1x125xi32, #tpu.memory_space<vmem>>
        %dma_start3A_201 = tpu.memref_squeeze %dma_start3A_200 : memref<1x125xi32, #tpu.memory_space<vmem>> -> memref<125xi32, #tpu.memory_space<vmem>>
        %dma_start3A_202 = arith.constant 0 : i32
        %dma_start3A_203 = arith.constant 0 : i32
        %dma_start3A_204 = tpu.memref_slice %arg2[%dma_start3A_202, %dma_start3A_203] : memref<10000x64xf32, #tpu.memory_space<hbm>> -> memref<10000x64xf32, #tpu.memory_space<hbm>>
        tpu.enqueue_indirect_dma source(%dma_start3A_204 : memref<10000x64xf32, #tpu.memory_space<hbm>>) target(%arg11 : memref<125x64xf32, #tpu.memory_space<vmem>>) offsets(%dma_start3A_201 : memref<125xi32, #tpu.memory_space<vmem>>) semaphore(%arg16 : memref<!tpu.dma_semaphore, #tpu.memory_space<semaphore_mem>>)
      } else {
      }
    }
    %scan3A_29 = arith.constant 20 : i32
    %dma_wait3A = arith.constant 0 : i32
    %dma_wait3A_30 = arith.constant 0 : i32
    %dma_wait3A_31 = tpu.memref_slice %arg8[%dma_wait3A, %dma_wait3A_30] : memref<80x125xi32, #tpu.memory_space<vmem>> -> memref<1x125xi32, #tpu.memory_space<vmem>>
    %dma_wait3A_32 = tpu.memref_squeeze %dma_wait3A_31 : memref<1x125xi32, #tpu.memory_space<vmem>> -> memref<125xi32, #tpu.memory_space<vmem>>
    %dma_wait3A_33 = arith.constant 0 : i32
    %dma_wait3A_34 = arith.constant 0 : i32
    %dma_wait3A_35 = tpu.memref_slice %arg13[%dma_wait3A_33, %dma_wait3A_34] : memref<10000x64xf32, #tpu.memory_space<vmem_shared>> -> memref<10000x64xf32, #tpu.memory_space<vmem_shared>>
    tpu.wait_indirect_dma semaphore(%arg18 : memref<!tpu.dma_semaphore, #tpu.memory_space<semaphore_mem>>) src(%arg9 : memref<125x64xf32, #tpu.memory_space<vmem>>) dst(%dma_wait3A_35 : memref<10000x64xf32, #tpu.memory_space<vmem_shared>>)
    %dma_wait3A_36 = arith.constant 0 : i32
    %dma_wait3A_37 = arith.constant 0 : i32
    %dma_wait3A_38 = tpu.memref_slice %arg8[%dma_wait3A_36, %dma_wait3A_37] : memref<80x125xi32, #tpu.memory_space<vmem>> -> memref<1x125xi32, #tpu.memory_space<vmem>>
    %dma_wait3A_39 = tpu.memref_squeeze %dma_wait3A_38 : memref<1x125xi32, #tpu.memory_space<vmem>> -> memref<125xi32, #tpu.memory_space<vmem>>
    %dma_wait3A_40 = arith.constant 0 : i32
    %dma_wait3A_41 = arith.constant 0 : i32
    %dma_wait3A_42 = tpu.memref_slice %arg13[%dma_wait3A_40, %dma_wait3A_41] : memref<10000x64xf32, #tpu.memory_space<vmem_shared>> -> memref<10000x64xf32, #tpu.memory_space<vmem_shared>>
    tpu.wait_indirect_dma semaphore(%arg19 : memref<!tpu.dma_semaphore, #tpu.memory_space<semaphore_mem>>) src(%arg10 : memref<125x64xf32, #tpu.memory_space<vmem>>) dst(%dma_wait3A_42 : memref<10000x64xf32, #tpu.memory_space<vmem_shared>>)
    %dma_wait3A_43 = arith.constant 0 : i32
    %dma_wait3A_44 = arith.constant 0 : i32
    %dma_wait3A_45 = tpu.memref_slice %arg8[%dma_wait3A_43, %dma_wait3A_44] : memref<80x125xi32, #tpu.memory_space<vmem>> -> memref<1x125xi32, #tpu.memory_space<vmem>>
    %dma_wait3A_46 = tpu.memref_squeeze %dma_wait3A_45 : memref<1x125xi32, #tpu.memory_space<vmem>> -> memref<125xi32, #tpu.memory_space<vmem>>
    %dma_wait3A_47 = arith.constant 0 : i32
    %dma_wait3A_48 = arith.constant 0 : i32
    %dma_wait3A_49 = tpu.memref_slice %arg13[%dma_wait3A_47, %dma_wait3A_48] : memref<10000x64xf32, #tpu.memory_space<vmem_shared>> -> memref<10000x64xf32, #tpu.memory_space<vmem_shared>>
    tpu.wait_indirect_dma semaphore(%arg20 : memref<!tpu.dma_semaphore, #tpu.memory_space<semaphore_mem>>) src(%arg11 : memref<125x64xf32, #tpu.memory_space<vmem>>) dst(%dma_wait3A_49 : memref<10000x64xf32, #tpu.memory_space<vmem_shared>>)
    %dma_wait3A_50 = arith.constant 0 : i32
    %dma_wait3A_51 = arith.constant 0 : i32
    %dma_wait3A_52 = tpu.memref_slice %arg8[%dma_wait3A_50, %dma_wait3A_51] : memref<80x125xi32, #tpu.memory_space<vmem>> -> memref<1x125xi32, #tpu.memory_space<vmem>>
    %dma_wait3A_53 = tpu.memref_squeeze %dma_wait3A_52 : memref<1x125xi32, #tpu.memory_space<vmem>> -> memref<125xi32, #tpu.memory_space<vmem>>
    %dma_wait3A_54 = arith.constant 0 : i32
    %dma_wait3A_55 = arith.constant 0 : i32
    %dma_wait3A_56 = tpu.memref_slice %arg13[%dma_wait3A_54, %dma_wait3A_55] : memref<10000x64xf32, #tpu.memory_space<vmem_shared>> -> memref<10000x64xf32, #tpu.memory_space<vmem_shared>>
    tpu.wait_indirect_dma semaphore(%arg21 : memref<!tpu.dma_semaphore, #tpu.memory_space<semaphore_mem>>) src(%arg12 : memref<125x64xf32, #tpu.memory_space<vmem>>) dst(%dma_wait3A_56 : memref<10000x64xf32, #tpu.memory_space<vmem_shared>>)
    %barrier3A_57 = arith.constant 0 : index
    tpu.barrier barrier_id(%barrier3A_57)
    %mul3A_58 = arith.constant 624 : i32
    %mul3A_59 = arith.muli %arg1, %mul3A_58 : i32
    %mul3A_60 = arith.constant 624 : i32
    %mul3A_61 = arith.muli %arg1, %mul3A_60 : i32
    "tpu.region"() ({
      %run_scoped3A = tpu.sem_alloc : memref<!tpu.dma_semaphore, #tpu.memory_space<semaphore_mem>>
      %dma_start3A_67 = arith.constant 0 : i32
      %dma_start3A_68 = tpu.memref_slice %arg6[%arg0, %mul3A_61, %dma_start3A_67] : memref<2x10000x64xf32, #tpu.memory_space<hbm>> -> memref<1x624x64xf32, #tpu.memory_space<hbm>>
      %dma_start3A_69 = tpu.memref_squeeze %dma_start3A_68 : memref<1x624x64xf32, #tpu.memory_space<hbm>> -> memref<624x64xf32, #tpu.memory_space<hbm>>
      %dma_start3A_70 = arith.constant 0 : i32
      %dma_start3A_71 = tpu.memref_slice %arg13[%mul3A_59, %dma_start3A_70] : memref<10000x64xf32, #tpu.memory_space<vmem_shared>> -> memref<624x64xf32, #tpu.memory_space<vmem_shared>>
      tpu.enqueue_dma source(%dma_start3A_71 : memref<624x64xf32, #tpu.memory_space<vmem_shared>>) target(%dma_start3A_69 : memref<624x64xf32, #tpu.memory_space<hbm>>) target_semaphore(%run_scoped3A : memref<!tpu.dma_semaphore, #tpu.memory_space<semaphore_mem>>)
      %dma_wait3A_72 = arith.constant 0 : i32
      %dma_wait3A_73 = tpu.memref_slice %arg6[%arg0, %mul3A_61, %dma_wait3A_72] : memref<2x10000x64xf32, #tpu.memory_space<hbm>> -> memref<1x624x64xf32, #tpu.memory_space<hbm>>
      %dma_wait3A_74 = tpu.memref_squeeze %dma_wait3A_73 : memref<1x624x64xf32, #tpu.memory_space<hbm>> -> memref<624x64xf32, #tpu.memory_space<hbm>>
      %dma_wait3A_75 = arith.constant 0 : i32
      %dma_wait3A_76 = tpu.memref_slice %arg13[%mul3A_59, %dma_wait3A_75] : memref<10000x64xf32, #tpu.memory_space<vmem_shared>> -> memref<624x64xf32, #tpu.memory_space<vmem_shared>>
      tpu.wait_dma2 semaphore(%run_scoped3A : memref<!tpu.dma_semaphore, #tpu.memory_space<semaphore_mem>>) src(%dma_wait3A_76 : memref<624x64xf32, #tpu.memory_space<vmem_shared>>) dst(%dma_wait3A_74 : memref<624x64xf32, #tpu.memory_space<hbm>>)
      tpu.yield
    }) : () -> ()
    %eq3A_62 = arith.constant 15 : i32
    %eq3A_63 = arith.cmpi eq, %arg1, %eq3A_62 : i32
    %convert_element_type3A_64 = arith.extui %eq3A_63 : i1 to i32
    %cond3A_65 = arith.constant 0 : i32
    %cond3A_66 = arith.cmpi ne, %convert_element_type3A_64, %cond3A_65 : i32
    scf.if %cond3A_66 {
      "tpu.region"() ({
        %run_scoped3A = tpu.sem_alloc : memref<!tpu.dma_semaphore, #tpu.memory_space<semaphore_mem>>
        %dma_start3A_67 = arith.constant 9984 : i32
        %dma_start3A_68 = arith.constant 0 : i32
        %dma_start3A_69 = tpu.memref_slice %arg6[%arg0, %dma_start3A_67, %dma_start3A_68] : memref<2x10000x64xf32, #tpu.memory_space<hbm>> -> memref<1x16x64xf32, #tpu.memory_space<hbm>>
        %dma_start3A_70 = tpu.memref_squeeze %dma_start3A_69 : memref<1x16x64xf32, #tpu.memory_space<hbm>> -> memref<16x64xf32, #tpu.memory_space<hbm>>
        %dma_start3A_71 = arith.constant 9984 : i32
        %dma_start3A_72 = arith.constant 0 : i32
        %dma_start3A_73 = tpu.memref_slice %arg13[%dma_start3A_71, %dma_start3A_72] : memref<10000x64xf32, #tpu.memory_space<vmem_shared>> -> memref<16x64xf32, #tpu.memory_space<vmem_shared>>
        tpu.enqueue_dma source(%dma_start3A_73 : memref<16x64xf32, #tpu.memory_space<vmem_shared>>) target(%dma_start3A_70 : memref<16x64xf32, #tpu.memory_space<hbm>>) target_semaphore(%run_scoped3A : memref<!tpu.dma_semaphore, #tpu.memory_space<semaphore_mem>>)
        %dma_wait3A_74 = arith.constant 9984 : i32
        %dma_wait3A_75 = arith.constant 0 : i32
        %dma_wait3A_76 = tpu.memref_slice %arg6[%arg0, %dma_wait3A_74, %dma_wait3A_75] : memref<2x10000x64xf32, #tpu.memory_space<hbm>> -> memref<1x16x64xf32, #tpu.memory_space<hbm>>
        %dma_wait3A_77 = tpu.memref_squeeze %dma_wait3A_76 : memref<1x16x64xf32, #tpu.memory_space<hbm>> -> memref<16x64xf32, #tpu.memory_space<hbm>>
        %dma_wait3A_78 = arith.constant 9984 : i32
        %dma_wait3A_79 = arith.constant 0 : i32
        %dma_wait3A_80 = tpu.memref_slice %arg13[%dma_wait3A_78, %dma_wait3A_79] : memref<10000x64xf32, #tpu.memory_space<vmem_shared>> -> memref<16x64xf32, #tpu.memory_space<vmem_shared>>
        tpu.wait_dma2 semaphore(%run_scoped3A : memref<!tpu.dma_semaphore, #tpu.memory_space<semaphore_mem>>) src(%dma_wait3A_80 : memref<16x64xf32, #tpu.memory_space<vmem_shared>>) dst(%dma_wait3A_77 : memref<16x64xf32, #tpu.memory_space<hbm>>)
        tpu.yield
      }) : () -> ()
    } else {
    }
    return
  }
}

#map = affine_map<(d0, d1) -> (0, 0)>
#map1 = affine_map<(d0, d1) -> (0, 0, 0)>
module attributes {stable_mosaic.version = 14 : i64} {
  func.func @_gather_scatter_kernel(%arg0: i32, %arg1: i32, %arg2: memref<10000x64xf32, #tpu.memory_space<hbm>>, %arg3: memref<32x80x125xi32, #tpu.memory_space<hbm>>, %arg4: memref<32x80x125xi32, #tpu.memory_space<hbm>>, %arg5: memref<624x64xf32, #tpu.memory_space<hbm>>, %arg6: memref<2x10000x64xf32, #tpu.memory_space<hbm>>, %arg7: memref<80x125xi32, #tpu.memory_space<vmem>>, %arg8: memref<80x125xi32, #tpu.memory_space<vmem>>, %arg9: memref<125x64xf32, #tpu.memory_space<vmem>>, %arg10: memref<125x64xf32, #tpu.memory_space<vmem>>, %arg11: memref<125x64xf32, #tpu.memory_space<vmem>>, %arg12: memref<125x64xf32, #tpu.memory_space<vmem>>, %arg13: memref<10000x64xf32, #tpu.memory_space<vmem_shared>>, %arg14: memref<!tpu.dma_semaphore, #tpu.memory_space<semaphore_mem>>, %arg15: memref<!tpu.dma_semaphore, #tpu.memory_space<semaphore_mem>>, %arg16: memref<!tpu.dma_semaphore, #tpu.memory_space<semaphore_mem>>, %arg17: memref<!tpu.dma_semaphore, #tpu.memory_space<semaphore_mem>>, %arg18: memref<!tpu.dma_semaphore, #tpu.memory_space<semaphore_mem>>, %arg19: memref<!tpu.dma_semaphore, #tpu.memory_space<semaphore_mem>>, %arg20: memref<!tpu.dma_semaphore, #tpu.memory_space<semaphore_mem>>, %arg21: memref<!tpu.dma_semaphore, #tpu.memory_space<semaphore_mem>>) attributes {dimension_semantics = [#tpu.dimension_semantics<core_parallel>, #tpu.dimension_semantics<subcore_parallel>], iteration_bounds = array<i64: 2, 16>, scalar_prefetch = 0 : i64, scratch_operands = 15 : i64, tpu.core_type = #tpu.core_type<sc_vector_subcore>, window_params = [{transform_indices = #map}, {transform_indices = #map1}, {transform_indices = #map1}, {transform_indices = #map}, {transform_indices = #map1}]} {
    %mul3A = arith.constant 16 : i32
    %mul3A_0 = arith.muli %arg0, %mul3A : i32
    %add3A = arith.addi %mul3A_0, %arg1 : i32
    %mul3A_1 = arith.constant 624 : i32
    %mul3A_2 = arith.muli %arg1, %mul3A_1 : i32
    "tpu.region"() ({
      %run_scoped3A = tpu.sem_alloc : memref<!tpu.dma_semaphore, #tpu.memory_space<semaphore_mem>>
      %dma_start3A_67 = arith.constant 0 : i32
      %dma_start3A_68 = tpu.memref_slice %arg13[%mul3A_2, %dma_start3A_67] : memref<10000x64xf32, #tpu.memory_space<vmem_shared>> -> memref<624x64xf32, #tpu.memory_space<vmem_shared>>
      tpu.enqueue_dma source(%arg5 : memref<624x64xf32, #tpu.memory_space<hbm>>) target(%dma_start3A_68 : memref<624x64xf32, #tpu.memory_space<vmem_shared>>) target_semaphore(%run_scoped3A : memref<!tpu.dma_semaphore, #tpu.memory_space<semaphore_mem>>)
      %dma_wait3A_69 = arith.constant 0 : i32
      %dma_wait3A_70 = tpu.memref_slice %arg13[%mul3A_2, %dma_wait3A_69] : memref<10000x64xf32, #tpu.memory_space<vmem_shared>> -> memref<624x64xf32, #tpu.memory_space<vmem_shared>>
      tpu.wait_dma2 semaphore(%run_scoped3A : memref<!tpu.dma_semaphore, #tpu.memory_space<semaphore_mem>>) src(%arg5 : memref<624x64xf32, #tpu.memory_space<hbm>>) dst(%dma_wait3A_70 : memref<624x64xf32, #tpu.memory_space<vmem_shared>>)
      tpu.yield
    }) : () -> ()
    %eq3A = arith.constant 15 : i32
    %eq3A_3 = arith.cmpi eq, %arg1, %eq3A : i32
    %convert_element_type3A = arith.extui %eq3A_3 : i1 to i32
    %cond3A = arith.constant 0 : i32
    %cond3A_4 = arith.cmpi ne, %convert_element_type3A, %cond3A : i32
    scf.if %cond3A_4 {
      "tpu.region"() ({
        %run_scoped3A = tpu.sem_alloc : memref<!tpu.dma_semaphore, #tpu.memory_space<semaphore_mem>>
        %dma_start3A_67 = arith.constant 9984 : i32
        %dma_start3A_68 = arith.constant 0 : i32
        %dma_start3A_69 = tpu.memref_slice %arg13[%dma_start3A_67, %dma_start3A_68] : memref<10000x64xf32, #tpu.memory_space<vmem_shared>> -> memref<16x64xf32, #tpu.memory_space<vmem_shared>>
        %dma_start3A_70 = arith.constant 0 : i32
        %dma_start3A_71 = arith.constant 0 : i32
        %dma_start3A_72 = tpu.memref_slice %arg5[%dma_start3A_70, %dma_start3A_71] : memref<624x64xf32, #tpu.memory_space<hbm>> -> memref<16x64xf32, #tpu.memory_space<hbm>>
        tpu.enqueue_dma source(%dma_start3A_72 : memref<16x64xf32, #tpu.memory_space<hbm>>) target(%dma_start3A_69 : memref<16x64xf32, #tpu.memory_space<vmem_shared>>) target_semaphore(%run_scoped3A : memref<!tpu.dma_semaphore, #tpu.memory_space<semaphore_mem>>)
        %dma_wait3A_73 = arith.constant 9984 : i32
        %dma_wait3A_74 = arith.constant 0 : i32
        %dma_wait3A_75 = tpu.memref_slice %arg13[%dma_wait3A_73, %dma_wait3A_74] : memref<10000x64xf32, #tpu.memory_space<vmem_shared>> -> memref<16x64xf32, #tpu.memory_space<vmem_shared>>
        %dma_wait3A_76 = arith.constant 0 : i32
        %dma_wait3A_77 = arith.constant 0 : i32
        %dma_wait3A_78 = tpu.memref_slice %arg5[%dma_wait3A_76, %dma_wait3A_77] : memref<624x64xf32, #tpu.memory_space<hbm>> -> memref<16x64xf32, #tpu.memory_space<hbm>>
        tpu.wait_dma2 semaphore(%run_scoped3A : memref<!tpu.dma_semaphore, #tpu.memory_space<semaphore_mem>>) src(%dma_wait3A_78 : memref<16x64xf32, #tpu.memory_space<hbm>>) dst(%dma_wait3A_75 : memref<16x64xf32, #tpu.memory_space<vmem_shared>>)
        tpu.yield
      }) : () -> ()
    } else {
    }
    "tpu.region"() ({
      %run_scoped3A = tpu.sem_alloc : memref<!tpu.dma_semaphore, #tpu.memory_space<semaphore_mem>>
      %dma_start3A_67 = arith.constant 0 : i32
      %dma_start3A_68 = arith.constant 0 : i32
      %dma_start3A_69 = tpu.memref_slice %arg3[%add3A, %dma_start3A_67, %dma_start3A_68] : memref<32x80x125xi32, #tpu.memory_space<hbm>> -> memref<1x80x125xi32, #tpu.memory_space<hbm>>
      %dma_start3A_70 = tpu.memref_squeeze %dma_start3A_69 : memref<1x80x125xi32, #tpu.memory_space<hbm>> -> memref<80x125xi32, #tpu.memory_space<hbm>>
      %dma_start3A_71 = arith.constant 0 : i32
      %dma_start3A_72 = arith.constant 0 : i32
      %dma_start3A_73 = tpu.memref_slice %arg3[%add3A, %dma_start3A_71, %dma_start3A_72] : memref<32x80x125xi32, #tpu.memory_space<hbm>> -> memref<1x80x125xi32, #tpu.memory_space<hbm>>
      %dma_start3A_74 = tpu.memref_squeeze %dma_start3A_73 : memref<1x80x125xi32, #tpu.memory_space<hbm>> -> memref<80x125xi32, #tpu.memory_space<hbm>>
      tpu.enqueue_dma source(%dma_start3A_74 : memref<80x125xi32, #tpu.memory_space<hbm>>) target(%arg7 : memref<80x125xi32, #tpu.memory_space<vmem>>) target_semaphore(%run_scoped3A : memref<!tpu.dma_semaphore, #tpu.memory_space<semaphore_mem>>)
      %dma_wait3A_75 = arith.constant 0 : i32
      %dma_wait3A_76 = arith.constant 0 : i32
      %dma_wait3A_77 = tpu.memref_slice %arg3[%add3A, %dma_wait3A_75, %dma_wait3A_76] : memref<32x80x125xi32, #tpu.memory_space<hbm>> -> memref<1x80x125xi32, #tpu.memory_space<hbm>>
      %dma_wait3A_78 = tpu.memref_squeeze %dma_wait3A_77 : memref<1x80x125xi32, #tpu.memory_space<hbm>> -> memref<80x125xi32, #tpu.memory_space<hbm>>
      %dma_wait3A_79 = arith.constant 0 : i32
      %dma_wait3A_80 = arith.constant 0 : i32
      %dma_wait3A_81 = tpu.memref_slice %arg3[%add3A, %dma_wait3A_79, %dma_wait3A_80] : memref<32x80x125xi32, #tpu.memory_space<hbm>> -> memref<1x80x125xi32, #tpu.memory_space<hbm>>
      %dma_wait3A_82 = tpu.memref_squeeze %dma_wait3A_81 : memref<1x80x125xi32, #tpu.memory_space<hbm>> -> memref<80x125xi32, #tpu.memory_space<hbm>>
      tpu.wait_dma2 semaphore(%run_scoped3A : memref<!tpu.dma_semaphore, #tpu.memory_space<semaphore_mem>>) src(%dma_wait3A_82 : memref<80x125xi32, #tpu.memory_space<hbm>>) dst(%arg7 : memref<80x125xi32, #tpu.memory_space<vmem>>)
      tpu.yield
    }) : () -> ()
    "tpu.region"() ({
      %run_scoped3A = tpu.sem_alloc : memref<!tpu.dma_semaphore, #tpu.memory_space<semaphore_mem>>
      %dma_start3A_67 = arith.constant 0 : i32
      %dma_start3A_68 = arith.constant 0 : i32
      %dma_start3A_69 = tpu.memref_slice %arg4[%add3A, %dma_start3A_67, %dma_start3A_68] : memref<32x80x125xi32, #tpu.memory_space<hbm>> -> memref<1x80x125xi32, #tpu.memory_space<hbm>>
      %dma_start3A_70 = tpu.memref_squeeze %dma_start3A_69 : memref<1x80x125xi32, #tpu.memory_space<hbm>> -> memref<80x125xi32, #tpu.memory_space<hbm>>
      %dma_start3A_71 = arith.constant 0 : i32
      %dma_start3A_72 = arith.constant 0 : i32
      %dma_start3A_73 = tpu.memref_slice %arg4[%add3A, %dma_start3A_71, %dma_start3A_72] : memref<32x80x125xi32, #tpu.memory_space<hbm>> -> memref<1x80x125xi32, #tpu.memory_space<hbm>>
      %dma_start3A_74 = tpu.memref_squeeze %dma_start3A_73 : memref<1x80x125xi32, #tpu.memory_space<hbm>> -> memref<80x125xi32, #tpu.memory_space<hbm>>
      tpu.enqueue_dma source(%dma_start3A_74 : memref<80x125xi32, #tpu.memory_space<hbm>>) target(%arg8 : memref<80x125xi32, #tpu.memory_space<vmem>>) target_semaphore(%run_scoped3A : memref<!tpu.dma_semaphore, #tpu.memory_space<semaphore_mem>>)
      %dma_wait3A_75 = arith.constant 0 : i32
      %dma_wait3A_76 = arith.constant 0 : i32
      %dma_wait3A_77 = tpu.memref_slice %arg4[%add3A, %dma_wait3A_75, %dma_wait3A_76] : memref<32x80x125xi32, #tpu.memory_space<hbm>> -> memref<1x80x125xi32, #tpu.memory_space<hbm>>
      %dma_wait3A_78 = tpu.memref_squeeze %dma_wait3A_77 : memref<1x80x125xi32, #tpu.memory_space<hbm>> -> memref<80x125xi32, #tpu.memory_space<hbm>>
      %dma_wait3A_79 = arith.constant 0 : i32
      %dma_wait3A_80 = arith.constant 0 : i32
      %dma_wait3A_81 = tpu.memref_slice %arg4[%add3A, %dma_wait3A_79, %dma_wait3A_80] : memref<32x80x125xi32, #tpu.memory_space<hbm>> -> memref<1x80x125xi32, #tpu.memory_space<hbm>>
      %dma_wait3A_82 = tpu.memref_squeeze %dma_wait3A_81 : memref<1x80x125xi32, #tpu.memory_space<hbm>> -> memref<80x125xi32, #tpu.memory_space<hbm>>
      tpu.wait_dma2 semaphore(%run_scoped3A : memref<!tpu.dma_semaphore, #tpu.memory_space<semaphore_mem>>) src(%dma_wait3A_82 : memref<80x125xi32, #tpu.memory_space<hbm>>) dst(%arg8 : memref<80x125xi32, #tpu.memory_space<vmem>>)
      tpu.yield
    }) : () -> ()
    %barrier3A = arith.constant 0 : index
    tpu.barrier barrier_id(%barrier3A)
    %dma_start3A = arith.constant 0 : i32
    %dma_start3A_5 = arith.constant 0 : i32
    %dma_start3A_6 = tpu.memref_slice %arg7[%dma_start3A, %dma_start3A_5] : memref<80x125xi32, #tpu.memory_space<vmem>> -> memref<1x125xi32, #tpu.memory_space<vmem>>
    %dma_start3A_7 = tpu.memref_squeeze %dma_start3A_6 : memref<1x125xi32, #tpu.memory_space<vmem>> -> memref<125xi32, #tpu.memory_space<vmem>>
    %dma_start3A_8 = arith.constant 0 : i32
    %dma_start3A_9 = arith.constant 0 : i32
    %dma_start3A_10 = tpu.memref_slice %arg2[%dma_start3A_8, %dma_start3A_9] : memref<10000x64xf32, #tpu.memory_space<hbm>> -> memref<10000x64xf32, #tpu.memory_space<hbm>>
    tpu.enqueue_indirect_dma source(%dma_start3A_10 : memref<10000x64xf32, #tpu.memory_space<hbm>>) target(%arg9 : memref<125x64xf32, #tpu.memory_space<vmem>>) offsets(%dma_start3A_7 : memref<125xi32, #tpu.memory_space<vmem>>) semaphore(%arg14 : memref<!tpu.dma_semaphore, #tpu.memory_space<semaphore_mem>>)
    %dma_start3A_11 = arith.constant 1 : i32
    %dma_start3A_12 = arith.constant 0 : i32
    %dma_start3A_13 = tpu.memref_slice %arg7[%dma_start3A_11, %dma_start3A_12] : memref<80x125xi32, #tpu.memory_space<vmem>> -> memref<1x125xi32, #tpu.memory_space<vmem>>
    %dma_start3A_14 = tpu.memref_squeeze %dma_start3A_13 : memref<1x125xi32, #tpu.memory_space<vmem>> -> memref<125xi32, #tpu.memory_space<vmem>>
    %dma_start3A_15 = arith.constant 0 : i32
    %dma_start3A_16 = arith.constant 0 : i32
    %dma_start3A_17 = tpu.memref_slice %arg2[%dma_start3A_15, %dma_start3A_16] : memref<10000x64xf32, #tpu.memory_space<hbm>> -> memref<10000x64xf32, #tpu.memory_space<hbm>>
    tpu.enqueue_indirect_dma source(%dma_start3A_17 : memref<10000x64xf32, #tpu.memory_space<hbm>>) target(%arg10 : memref<125x64xf32, #tpu.memory_space<vmem>>) offsets(%dma_start3A_14 : memref<125xi32, #tpu.memory_space<vmem>>) semaphore(%arg15 : memref<!tpu.dma_semaphore, #tpu.memory_space<semaphore_mem>>)
    %dma_start3A_18 = arith.constant 2 : i32
    %dma_start3A_19 = arith.constant 0 : i32
    %dma_start3A_20 = tpu.memref_slice %arg7[%dma_start3A_18, %dma_start3A_19] : memref<80x125xi32, #tpu.memory_space<vmem>> -> memref<1x125xi32, #tpu.memory_space<vmem>>
    %dma_start3A_21 = tpu.memref_squeeze %dma_start3A_20 : memref<1x125xi32, #tpu.memory_space<vmem>> -> memref<125xi32, #tpu.memory_space<vmem>>
    %dma_start3A_22 = arith.constant 0 : i32
    %dma_start3A_23 = arith.constant 0 : i32
    %dma_start3A_24 = tpu.memref_slice %arg2[%dma_start3A_22, %dma_start3A_23] : memref<10000x64xf32, #tpu.memory_space<hbm>> -> memref<10000x64xf32, #tpu.memory_space<hbm>>
    tpu.enqueue_indirect_dma source(%dma_start3A_24 : memref<10000x64xf32, #tpu.memory_space<hbm>>) target(%arg11 : memref<125x64xf32, #tpu.memory_space<vmem>>) offsets(%dma_start3A_21 : memref<125xi32, #tpu.memory_space<vmem>>) semaphore(%arg16 : memref<!tpu.dma_semaphore, #tpu.memory_space<semaphore_mem>>)
    %scan3A = arith.constant 0 : i32
    %scan3A_25 = arith.constant 0 : i32
    %scan3A_26 = arith.constant 20 : i32
    %scan3A_27 = arith.addi %scan3A_25, %scan3A_26 : i32
    %scan3A_28 = arith.constant 1 : i32
    scf.for %scan3A_67 = %scan3A_25 to %scan3A_27 step %scan3A_28  : i32 {
      %mul3A_68 = arith.constant 4 : i32
      %mul3A_69 = arith.muli %mul3A_68, %scan3A_67 : i32
      %add3A_70 = arith.constant 0 : i32
      %add3A_71 = arith.addi %mul3A_69, %add3A_70 : i32
      %dma_wait3A_72 = arith.constant 0 : i32
      %dma_wait3A_73 = tpu.memref_slice %arg7[%add3A_71, %dma_wait3A_72] : memref<80x125xi32, #tpu.memory_space<vmem>> -> memref<1x125xi32, #tpu.memory_space<vmem>>
      %dma_wait3A_74 = tpu.memref_squeeze %dma_wait3A_73 : memref<1x125xi32, #tpu.memory_space<vmem>> -> memref<125xi32, #tpu.memory_space<vmem>>
      %dma_wait3A_75 = arith.constant 0 : i32
      %dma_wait3A_76 = arith.constant 0 : i32
      %dma_wait3A_77 = tpu.memref_slice %arg2[%dma_wait3A_75, %dma_wait3A_76] : memref<10000x64xf32, #tpu.memory_space<hbm>> -> memref<10000x64xf32, #tpu.memory_space<hbm>>
      tpu.wait_indirect_dma semaphore(%arg14 : memref<!tpu.dma_semaphore, #tpu.memory_space<semaphore_mem>>) src(%dma_wait3A_77 : memref<10000x64xf32, #tpu.memory_space<hbm>>) dst(%arg9 : memref<125x64xf32, #tpu.memory_space<vmem>>)
      %dma_start3A_78 = arith.constant 0 : i32
      %dma_start3A_79 = tpu.memref_slice %arg8[%add3A_71, %dma_start3A_78] : memref<80x125xi32, #tpu.memory_space<vmem>> -> memref<1x125xi32, #tpu.memory_space<vmem>>
      %dma_start3A_80 = tpu.memref_squeeze %dma_start3A_79 : memref<1x125xi32, #tpu.memory_space<vmem>> -> memref<125xi32, #tpu.memory_space<vmem>>
      %dma_start3A_81 = arith.constant 0 : i32
      %dma_start3A_82 = arith.constant 0 : i32
      %dma_start3A_83 = tpu.memref_slice %arg13[%dma_start3A_81, %dma_start3A_82] : memref<10000x64xf32, #tpu.memory_space<vmem_shared>> -> memref<10000x64xf32, #tpu.memory_space<vmem_shared>>
      tpu.enqueue_indirect_dma source(%arg9 : memref<125x64xf32, #tpu.memory_space<vmem>>) target(%dma_start3A_83 : memref<10000x64xf32, #tpu.memory_space<vmem_shared>>) offsets(%dma_start3A_80 : memref<125xi32, #tpu.memory_space<vmem>>) semaphore(%arg18 : memref<!tpu.dma_semaphore, #tpu.memory_space<semaphore_mem>>) {add = true}
      %ge3A = arith.constant 1 : i32
      %ge3A_84 = arith.cmpi sge, %add3A_71, %ge3A : i32
      %add3A_85 = arith.constant 3 : i32
      %add3A_86 = arith.addi %add3A_71, %add3A_85 : i32
      %lt3A = arith.constant 80 : i32
      %lt3A_87 = arith.cmpi slt, %add3A_86, %lt3A : i32
      %and3A = arith.andi %ge3A_84, %lt3A_87 : i1
      %convert_element_type3A_88 = arith.extui %and3A : i1 to i32
      %cond3A_89 = arith.constant 0 : i32
      %cond3A_90 = arith.cmpi ne, %convert_element_type3A_88, %cond3A_89 : i32
      scf.if %cond3A_90 {
        %dma_wait3A_197 = arith.constant 0 : i32
        %dma_wait3A_198 = tpu.memref_slice %arg8[%add3A_71, %dma_wait3A_197] : memref<80x125xi32, #tpu.memory_space<vmem>> -> memref<1x125xi32, #tpu.memory_space<vmem>>
        %dma_wait3A_199 = tpu.memref_squeeze %dma_wait3A_198 : memref<1x125xi32, #tpu.memory_space<vmem>> -> memref<125xi32, #tpu.memory_space<vmem>>
        %dma_wait3A_200 = arith.constant 0 : i32
        %dma_wait3A_201 = arith.constant 0 : i32
        %dma_wait3A_202 = tpu.memref_slice %arg13[%dma_wait3A_200, %dma_wait3A_201] : memref<10000x64xf32, #tpu.memory_space<vmem_shared>> -> memref<10000x64xf32, #tpu.memory_space<vmem_shared>>
        tpu.wait_indirect_dma semaphore(%arg21 : memref<!tpu.dma_semaphore, #tpu.memory_space<semaphore_mem>>) src(%arg12 : memref<125x64xf32, #tpu.memory_space<vmem>>) dst(%dma_wait3A_202 : memref<10000x64xf32, #tpu.memory_space<vmem_shared>>)
      } else {
      }
      %add3A_91 = arith.constant 3 : i32
      %add3A_92 = arith.addi %add3A_71, %add3A_91 : i32
      %lt3A_93 = arith.constant 80 : i32
      %lt3A_94 = arith.cmpi slt, %add3A_92, %lt3A_93 : i32
      %convert_element_type3A_95 = arith.extui %lt3A_94 : i1 to i32
      %cond3A_96 = arith.constant 0 : i32
      %cond3A_97 = arith.cmpi ne, %convert_element_type3A_95, %cond3A_96 : i32
      scf.if %cond3A_97 {
        %add3A_197 = arith.constant 3 : i32
        %add3A_198 = arith.addi %add3A_71, %add3A_197 : i32
        %dma_start3A_199 = arith.constant 0 : i32
        %dma_start3A_200 = tpu.memref_slice %arg7[%add3A_198, %dma_start3A_199] : memref<80x125xi32, #tpu.memory_space<vmem>> -> memref<1x125xi32, #tpu.memory_space<vmem>>
        %dma_start3A_201 = tpu.memref_squeeze %dma_start3A_200 : memref<1x125xi32, #tpu.memory_space<vmem>> -> memref<125xi32, #tpu.memory_space<vmem>>
        %dma_start3A_202 = arith.constant 0 : i32
        %dma_start3A_203 = arith.constant 0 : i32
        %dma_start3A_204 = tpu.memref_slice %arg2[%dma_start3A_202, %dma_start3A_203] : memref<10000x64xf32, #tpu.memory_space<hbm>> -> memref<10000x64xf32, #tpu.memory_space<hbm>>
        tpu.enqueue_indirect_dma source(%dma_start3A_204 : memref<10000x64xf32, #tpu.memory_space<hbm>>) target(%arg12 : memref<125x64xf32, #tpu.memory_space<vmem>>) offsets(%dma_start3A_201 : memref<125xi32, #tpu.memory_space<vmem>>) semaphore(%arg17 : memref<!tpu.dma_semaphore, #tpu.memory_space<semaphore_mem>>)
      } else {
      }
      %mul3A_98 = arith.constant 4 : i32
      %mul3A_99 = arith.muli %mul3A_98, %scan3A_67 : i32
      %add3A_100 = arith.constant 1 : i32
      %add3A_101 = arith.addi %mul3A_99, %add3A_100 : i32
      %dma_wait3A_102 = arith.constant 0 : i32
      %dma_wait3A_103 = tpu.memref_slice %arg7[%add3A_101, %dma_wait3A_102] : memref<80x125xi32, #tpu.memory_space<vmem>> -> memref<1x125xi32, #tpu.memory_space<vmem>>
      %dma_wait3A_104 = tpu.memref_squeeze %dma_wait3A_103 : memref<1x125xi32, #tpu.memory_space<vmem>> -> memref<125xi32, #tpu.memory_space<vmem>>
      %dma_wait3A_105 = arith.constant 0 : i32
      %dma_wait3A_106 = arith.constant 0 : i32
      %dma_wait3A_107 = tpu.memref_slice %arg2[%dma_wait3A_105, %dma_wait3A_106] : memref<10000x64xf32, #tpu.memory_space<hbm>> -> memref<10000x64xf32, #tpu.memory_space<hbm>>
      tpu.wait_indirect_dma semaphore(%arg15 : memref<!tpu.dma_semaphore, #tpu.memory_space<semaphore_mem>>) src(%dma_wait3A_107 : memref<10000x64xf32, #tpu.memory_space<hbm>>) dst(%arg10 : memref<125x64xf32, #tpu.memory_space<vmem>>)
      %dma_start3A_108 = arith.constant 0 : i32
      %dma_start3A_109 = tpu.memref_slice %arg8[%add3A_101, %dma_start3A_108] : memref<80x125xi32, #tpu.memory_space<vmem>> -> memref<1x125xi32, #tpu.memory_space<vmem>>
      %dma_start3A_110 = tpu.memref_squeeze %dma_start3A_109 : memref<1x125xi32, #tpu.memory_space<vmem>> -> memref<125xi32, #tpu.memory_space<vmem>>
      %dma_start3A_111 = arith.constant 0 : i32
      %dma_start3A_112 = arith.constant 0 : i32
      %dma_start3A_113 = tpu.memref_slice %arg13[%dma_start3A_111, %dma_start3A_112] : memref<10000x64xf32, #tpu.memory_space<vmem_shared>> -> memref<10000x64xf32, #tpu.memory_space<vmem_shared>>
      tpu.enqueue_indirect_dma source(%arg10 : memref<125x64xf32, #tpu.memory_space<vmem>>) target(%dma_start3A_113 : memref<10000x64xf32, #tpu.memory_space<vmem_shared>>) offsets(%dma_start3A_110 : memref<125xi32, #tpu.memory_space<vmem>>) semaphore(%arg19 : memref<!tpu.dma_semaphore, #tpu.memory_space<semaphore_mem>>) {add = true}
      %ge3A_114 = arith.constant 1 : i32
      %ge3A_115 = arith.cmpi sge, %add3A_101, %ge3A_114 : i32
      %add3A_116 = arith.constant 3 : i32
      %add3A_117 = arith.addi %add3A_101, %add3A_116 : i32
      %lt3A_118 = arith.constant 80 : i32
      %lt3A_119 = arith.cmpi slt, %add3A_117, %lt3A_118 : i32
      %and3A_120 = arith.andi %ge3A_115, %lt3A_119 : i1
      %convert_element_type3A_121 = arith.extui %and3A_120 : i1 to i32
      %cond3A_122 = arith.constant 0 : i32
      %cond3A_123 = arith.cmpi ne, %convert_element_type3A_121, %cond3A_122 : i32
      scf.if %cond3A_123 {
        %dma_wait3A_197 = arith.constant 0 : i32
        %dma_wait3A_198 = tpu.memref_slice %arg8[%add3A_101, %dma_wait3A_197] : memref<80x125xi32, #tpu.memory_space<vmem>> -> memref<1x125xi32, #tpu.memory_space<vmem>>
        %dma_wait3A_199 = tpu.memref_squeeze %dma_wait3A_198 : memref<1x125xi32, #tpu.memory_space<vmem>> -> memref<125xi32, #tpu.memory_space<vmem>>
        %dma_wait3A_200 = arith.constant 0 : i32
        %dma_wait3A_201 = arith.constant 0 : i32
        %dma_wait3A_202 = tpu.memref_slice %arg13[%dma_wait3A_200, %dma_wait3A_201] : memref<10000x64xf32, #tpu.memory_space<vmem_shared>> -> memref<10000x64xf32, #tpu.memory_space<vmem_shared>>
        tpu.wait_indirect_dma semaphore(%arg18 : memref<!tpu.dma_semaphore, #tpu.memory_space<semaphore_mem>>) src(%arg9 : memref<125x64xf32, #tpu.memory_space<vmem>>) dst(%dma_wait3A_202 : memref<10000x64xf32, #tpu.memory_space<vmem_shared>>)
      } else {
      }
      %add3A_124 = arith.constant 3 : i32
      %add3A_125 = arith.addi %add3A_101, %add3A_124 : i32
      %lt3A_126 = arith.constant 80 : i32
      %lt3A_127 = arith.cmpi slt, %add3A_125, %lt3A_126 : i32
      %convert_element_type3A_128 = arith.extui %lt3A_127 : i1 to i32
      %cond3A_129 = arith.constant 0 : i32
      %cond3A_130 = arith.cmpi ne, %convert_element_type3A_128, %cond3A_129 : i32
      scf.if %cond3A_130 {
        %add3A_197 = arith.constant 3 : i32
        %add3A_198 = arith.addi %add3A_101, %add3A_197 : i32
        %dma_start3A_199 = arith.constant 0 : i32
        %dma_start3A_200 = tpu.memref_slice %arg7[%add3A_198, %dma_start3A_199] : memref<80x125xi32, #tpu.memory_space<vmem>> -> memref<1x125xi32, #tpu.memory_space<vmem>>
        %dma_start3A_201 = tpu.memref_squeeze %dma_start3A_200 : memref<1x125xi32, #tpu.memory_space<vmem>> -> memref<125xi32, #tpu.memory_space<vmem>>
        %dma_start3A_202 = arith.constant 0 : i32
        %dma_start3A_203 = arith.constant 0 : i32
        %dma_start3A_204 = tpu.memref_slice %arg2[%dma_start3A_202, %dma_start3A_203] : memref<10000x64xf32, #tpu.memory_space<hbm>> -> memref<10000x64xf32, #tpu.memory_space<hbm>>
        tpu.enqueue_indirect_dma source(%dma_start3A_204 : memref<10000x64xf32, #tpu.memory_space<hbm>>) target(%arg9 : memref<125x64xf32, #tpu.memory_space<vmem>>) offsets(%dma_start3A_201 : memref<125xi32, #tpu.memory_space<vmem>>) semaphore(%arg14 : memref<!tpu.dma_semaphore, #tpu.memory_space<semaphore_mem>>)
      } else {
      }
      %mul3A_131 = arith.constant 4 : i32
      %mul3A_132 = arith.muli %mul3A_131, %scan3A_67 : i32
      %add3A_133 = arith.constant 2 : i32
      %add3A_134 = arith.addi %mul3A_132, %add3A_133 : i32
      %dma_wait3A_135 = arith.constant 0 : i32
      %dma_wait3A_136 = tpu.memref_slice %arg7[%add3A_134, %dma_wait3A_135] : memref<80x125xi32, #tpu.memory_space<vmem>> -> memref<1x125xi32, #tpu.memory_space<vmem>>
      %dma_wait3A_137 = tpu.memref_squeeze %dma_wait3A_136 : memref<1x125xi32, #tpu.memory_space<vmem>> -> memref<125xi32, #tpu.memory_space<vmem>>
      %dma_wait3A_138 = arith.constant 0 : i32
      %dma_wait3A_139 = arith.constant 0 : i32
      %dma_wait3A_140 = tpu.memref_slice %arg2[%dma_wait3A_138, %dma_wait3A_139] : memref<10000x64xf32, #tpu.memory_space<hbm>> -> memref<10000x64xf32, #tpu.memory_space<hbm>>
      tpu.wait_indirect_dma semaphore(%arg16 : memref<!tpu.dma_semaphore, #tpu.memory_space<semaphore_mem>>) src(%dma_wait3A_140 : memref<10000x64xf32, #tpu.memory_space<hbm>>) dst(%arg11 : memref<125x64xf32, #tpu.memory_space<vmem>>)
      %dma_start3A_141 = arith.constant 0 : i32
      %dma_start3A_142 = tpu.memref_slice %arg8[%add3A_134, %dma_start3A_141] : memref<80x125xi32, #tpu.memory_space<vmem>> -> memref<1x125xi32, #tpu.memory_space<vmem>>
      %dma_start3A_143 = tpu.memref_squeeze %dma_start3A_142 : memref<1x125xi32, #tpu.memory_space<vmem>> -> memref<125xi32, #tpu.memory_space<vmem>>
      %dma_start3A_144 = arith.constant 0 : i32
      %dma_start3A_145 = arith.constant 0 : i32
      %dma_start3A_146 = tpu.memref_slice %arg13[%dma_start3A_144, %dma_start3A_145] : memref<10000x64xf32, #tpu.memory_space<vmem_shared>> -> memref<10000x64xf32, #tpu.memory_space<vmem_shared>>
      tpu.enqueue_indirect_dma source(%arg11 : memref<125x64xf32, #tpu.memory_space<vmem>>) target(%dma_start3A_146 : memref<10000x64xf32, #tpu.memory_space<vmem_shared>>) offsets(%dma_start3A_143 : memref<125xi32, #tpu.memory_space<vmem>>) semaphore(%arg20 : memref<!tpu.dma_semaphore, #tpu.memory_space<semaphore_mem>>) {add = true}
      %ge3A_147 = arith.constant 1 : i32
      %ge3A_148 = arith.cmpi sge, %add3A_134, %ge3A_147 : i32
      %add3A_149 = arith.constant 3 : i32
      %add3A_150 = arith.addi %add3A_134, %add3A_149 : i32
      %lt3A_151 = arith.constant 80 : i32
      %lt3A_152 = arith.cmpi slt, %add3A_150, %lt3A_151 : i32
      %and3A_153 = arith.andi %ge3A_148, %lt3A_152 : i1
      %convert_element_type3A_154 = arith.extui %and3A_153 : i1 to i32
      %cond3A_155 = arith.constant 0 : i32
      %cond3A_156 = arith.cmpi ne, %convert_element_type3A_154, %cond3A_155 : i32
      scf.if %cond3A_156 {
        %dma_wait3A_197 = arith.constant 0 : i32
        %dma_wait3A_198 = tpu.memref_slice %arg8[%add3A_134, %dma_wait3A_197] : memref<80x125xi32, #tpu.memory_space<vmem>> -> memref<1x125xi32, #tpu.memory_space<vmem>>
        %dma_wait3A_199 = tpu.memref_squeeze %dma_wait3A_198 : memref<1x125xi32, #tpu.memory_space<vmem>> -> memref<125xi32, #tpu.memory_space<vmem>>
        %dma_wait3A_200 = arith.constant 0 : i32
        %dma_wait3A_201 = arith.constant 0 : i32
        %dma_wait3A_202 = tpu.memref_slice %arg13[%dma_wait3A_200, %dma_wait3A_201] : memref<10000x64xf32, #tpu.memory_space<vmem_shared>> -> memref<10000x64xf32, #tpu.memory_space<vmem_shared>>
        tpu.wait_indirect_dma semaphore(%arg19 : memref<!tpu.dma_semaphore, #tpu.memory_space<semaphore_mem>>) src(%arg10 : memref<125x64xf32, #tpu.memory_space<vmem>>) dst(%dma_wait3A_202 : memref<10000x64xf32, #tpu.memory_space<vmem_shared>>)
      } else {
      }
      %add3A_157 = arith.constant 3 : i32
      %add3A_158 = arith.addi %add3A_134, %add3A_157 : i32
      %lt3A_159 = arith.constant 80 : i32
      %lt3A_160 = arith.cmpi slt, %add3A_158, %lt3A_159 : i32
      %convert_element_type3A_161 = arith.extui %lt3A_160 : i1 to i32
      %cond3A_162 = arith.constant 0 : i32
      %cond3A_163 = arith.cmpi ne, %convert_element_type3A_161, %cond3A_162 : i32
      scf.if %cond3A_163 {
        %add3A_197 = arith.constant 3 : i32
        %add3A_198 = arith.addi %add3A_134, %add3A_197 : i32
        %dma_start3A_199 = arith.constant 0 : i32
        %dma_start3A_200 = tpu.memref_slice %arg7[%add3A_198, %dma_start3A_199] : memref<80x125xi32, #tpu.memory_space<vmem>> -> memref<1x125xi32, #tpu.memory_space<vmem>>
        %dma_start3A_201 = tpu.memref_squeeze %dma_start3A_200 : memref<1x125xi32, #tpu.memory_space<vmem>> -> memref<125xi32, #tpu.memory_space<vmem>>
        %dma_start3A_202 = arith.constant 0 : i32
        %dma_start3A_203 = arith.constant 0 : i32
        %dma_start3A_204 = tpu.memref_slice %arg2[%dma_start3A_202, %dma_start3A_203] : memref<10000x64xf32, #tpu.memory_space<hbm>> -> memref<10000x64xf32, #tpu.memory_space<hbm>>
        tpu.enqueue_indirect_dma source(%dma_start3A_204 : memref<10000x64xf32, #tpu.memory_space<hbm>>) target(%arg10 : memref<125x64xf32, #tpu.memory_space<vmem>>) offsets(%dma_start3A_201 : memref<125xi32, #tpu.memory_space<vmem>>) semaphore(%arg15 : memref<!tpu.dma_semaphore, #tpu.memory_space<semaphore_mem>>)
      } else {
      }
      %mul3A_164 = arith.constant 4 : i32
      %mul3A_165 = arith.muli %mul3A_164, %scan3A_67 : i32
      %add3A_166 = arith.constant 3 : i32
      %add3A_167 = arith.addi %mul3A_165, %add3A_166 : i32
      %dma_wait3A_168 = arith.constant 0 : i32
      %dma_wait3A_169 = tpu.memref_slice %arg7[%add3A_167, %dma_wait3A_168] : memref<80x125xi32, #tpu.memory_space<vmem>> -> memref<1x125xi32, #tpu.memory_space<vmem>>
      %dma_wait3A_170 = tpu.memref_squeeze %dma_wait3A_169 : memref<1x125xi32, #tpu.memory_space<vmem>> -> memref<125xi32, #tpu.memory_space<vmem>>
      %dma_wait3A_171 = arith.constant 0 : i32
      %dma_wait3A_172 = arith.constant 0 : i32
      %dma_wait3A_173 = tpu.memref_slice %arg2[%dma_wait3A_171, %dma_wait3A_172] : memref<10000x64xf32, #tpu.memory_space<hbm>> -> memref<10000x64xf32, #tpu.memory_space<hbm>>
      tpu.wait_indirect_dma semaphore(%arg17 : memref<!tpu.dma_semaphore, #tpu.memory_space<semaphore_mem>>) src(%dma_wait3A_173 : memref<10000x64xf32, #tpu.memory_space<hbm>>) dst(%arg12 : memref<125x64xf32, #tpu.memory_space<vmem>>)
      %dma_start3A_174 = arith.constant 0 : i32
      %dma_start3A_175 = tpu.memref_slice %arg8[%add3A_167, %dma_start3A_174] : memref<80x125xi32, #tpu.memory_space<vmem>> -> memref<1x125xi32, #tpu.memory_space<vmem>>
      %dma_start3A_176 = tpu.memref_squeeze %dma_start3A_175 : memref<1x125xi32, #tpu.memory_space<vmem>> -> memref<125xi32, #tpu.memory_space<vmem>>
      %dma_start3A_177 = arith.constant 0 : i32
      %dma_start3A_178 = arith.constant 0 : i32
      %dma_start3A_179 = tpu.memref_slice %arg13[%dma_start3A_177, %dma_start3A_178] : memref<10000x64xf32, #tpu.memory_space<vmem_shared>> -> memref<10000x64xf32, #tpu.memory_space<vmem_shared>>
      tpu.enqueue_indirect_dma source(%arg12 : memref<125x64xf32, #tpu.memory_space<vmem>>) target(%dma_start3A_179 : memref<10000x64xf32, #tpu.memory_space<vmem_shared>>) offsets(%dma_start3A_176 : memref<125xi32, #tpu.memory_space<vmem>>) semaphore(%arg21 : memref<!tpu.dma_semaphore, #tpu.memory_space<semaphore_mem>>) {add = true}
      %ge3A_180 = arith.constant 1 : i32
      %ge3A_181 = arith.cmpi sge, %add3A_167, %ge3A_180 : i32
      %add3A_182 = arith.constant 3 : i32
      %add3A_183 = arith.addi %add3A_167, %add3A_182 : i32
      %lt3A_184 = arith.constant 80 : i32
      %lt3A_185 = arith.cmpi slt, %add3A_183, %lt3A_184 : i32
      %and3A_186 = arith.andi %ge3A_181, %lt3A_185 : i1
      %convert_element_type3A_187 = arith.extui %and3A_186 : i1 to i32
      %cond3A_188 = arith.constant 0 : i32
      %cond3A_189 = arith.cmpi ne, %convert_element_type3A_187, %cond3A_188 : i32
      scf.if %cond3A_189 {
        %dma_wait3A_197 = arith.constant 0 : i32
        %dma_wait3A_198 = tpu.memref_slice %arg8[%add3A_167, %dma_wait3A_197] : memref<80x125xi32, #tpu.memory_space<vmem>> -> memref<1x125xi32, #tpu.memory_space<vmem>>
        %dma_wait3A_199 = tpu.memref_squeeze %dma_wait3A_198 : memref<1x125xi32, #tpu.memory_space<vmem>> -> memref<125xi32, #tpu.memory_space<vmem>>
        %dma_wait3A_200 = arith.constant 0 : i32
        %dma_wait3A_201 = arith.constant 0 : i32
        %dma_wait3A_202 = tpu.memref_slice %arg13[%dma_wait3A_200, %dma_wait3A_201] : memref<10000x64xf32, #tpu.memory_space<vmem_shared>> -> memref<10000x64xf32, #tpu.memory_space<vmem_shared>>
        tpu.wait_indirect_dma semaphore(%arg20 : memref<!tpu.dma_semaphore, #tpu.memory_space<semaphore_mem>>) src(%arg11 : memref<125x64xf32, #tpu.memory_space<vmem>>) dst(%dma_wait3A_202 : memref<10000x64xf32, #tpu.memory_space<vmem_shared>>)
      } else {
      }
      %add3A_190 = arith.constant 3 : i32
      %add3A_191 = arith.addi %add3A_167, %add3A_190 : i32
      %lt3A_192 = arith.constant 80 : i32
      %lt3A_193 = arith.cmpi slt, %add3A_191, %lt3A_192 : i32
      %convert_element_type3A_194 = arith.extui %lt3A_193 : i1 to i32
      %cond3A_195 = arith.constant 0 : i32
      %cond3A_196 = arith.cmpi ne, %convert_element_type3A_194, %cond3A_195 : i32
      scf.if %cond3A_196 {
        %add3A_197 = arith.constant 3 : i32
        %add3A_198 = arith.addi %add3A_167, %add3A_197 : i32
        %dma_start3A_199 = arith.constant 0 : i32
        %dma_start3A_200 = tpu.memref_slice %arg7[%add3A_198, %dma_start3A_199] : memref<80x125xi32, #tpu.memory_space<vmem>> -> memref<1x125xi32, #tpu.memory_space<vmem>>
        %dma_start3A_201 = tpu.memref_squeeze %dma_start3A_200 : memref<1x125xi32, #tpu.memory_space<vmem>> -> memref<125xi32, #tpu.memory_space<vmem>>
        %dma_start3A_202 = arith.constant 0 : i32
        %dma_start3A_203 = arith.constant 0 : i32
        %dma_start3A_204 = tpu.memref_slice %arg2[%dma_start3A_202, %dma_start3A_203] : memref<10000x64xf32, #tpu.memory_space<hbm>> -> memref<10000x64xf32, #tpu.memory_space<hbm>>
        tpu.enqueue_indirect_dma source(%dma_start3A_204 : memref<10000x64xf32, #tpu.memory_space<hbm>>) target(%arg11 : memref<125x64xf32, #tpu.memory_space<vmem>>) offsets(%dma_start3A_201 : memref<125xi32, #tpu.memory_space<vmem>>) semaphore(%arg16 : memref<!tpu.dma_semaphore, #tpu.memory_space<semaphore_mem>>)
      } else {
      }
    }
    %scan3A_29 = arith.constant 20 : i32
    %dma_wait3A = arith.constant 0 : i32
    %dma_wait3A_30 = arith.constant 0 : i32
    %dma_wait3A_31 = tpu.memref_slice %arg8[%dma_wait3A, %dma_wait3A_30] : memref<80x125xi32, #tpu.memory_space<vmem>> -> memref<1x125xi32, #tpu.memory_space<vmem>>
    %dma_wait3A_32 = tpu.memref_squeeze %dma_wait3A_31 : memref<1x125xi32, #tpu.memory_space<vmem>> -> memref<125xi32, #tpu.memory_space<vmem>>
    %dma_wait3A_33 = arith.constant 0 : i32
    %dma_wait3A_34 = arith.constant 0 : i32
    %dma_wait3A_35 = tpu.memref_slice %arg13[%dma_wait3A_33, %dma_wait3A_34] : memref<10000x64xf32, #tpu.memory_space<vmem_shared>> -> memref<10000x64xf32, #tpu.memory_space<vmem_shared>>
    tpu.wait_indirect_dma semaphore(%arg18 : memref<!tpu.dma_semaphore, #tpu.memory_space<semaphore_mem>>) src(%arg9 : memref<125x64xf32, #tpu.memory_space<vmem>>) dst(%dma_wait3A_35 : memref<10000x64xf32, #tpu.memory_space<vmem_shared>>)
    %dma_wait3A_36 = arith.constant 0 : i32
    %dma_wait3A_37 = arith.constant 0 : i32
    %dma_wait3A_38 = tpu.memref_slice %arg8[%dma_wait3A_36, %dma_wait3A_37] : memref<80x125xi32, #tpu.memory_space<vmem>> -> memref<1x125xi32, #tpu.memory_space<vmem>>
    %dma_wait3A_39 = tpu.memref_squeeze %dma_wait3A_38 : memref<1x125xi32, #tpu.memory_space<vmem>> -> memref<125xi32, #tpu.memory_space<vmem>>
    %dma_wait3A_40 = arith.constant 0 : i32
    %dma_wait3A_41 = arith.constant 0 : i32
    %dma_wait3A_42 = tpu.memref_slice %arg13[%dma_wait3A_40, %dma_wait3A_41] : memref<10000x64xf32, #tpu.memory_space<vmem_shared>> -> memref<10000x64xf32, #tpu.memory_space<vmem_shared>>
    tpu.wait_indirect_dma semaphore(%arg19 : memref<!tpu.dma_semaphore, #tpu.memory_space<semaphore_mem>>) src(%arg10 : memref<125x64xf32, #tpu.memory_space<vmem>>) dst(%dma_wait3A_42 : memref<10000x64xf32, #tpu.memory_space<vmem_shared>>)
    %dma_wait3A_43 = arith.constant 0 : i32
    %dma_wait3A_44 = arith.constant 0 : i32
    %dma_wait3A_45 = tpu.memref_slice %arg8[%dma_wait3A_43, %dma_wait3A_44] : memref<80x125xi32, #tpu.memory_space<vmem>> -> memref<1x125xi32, #tpu.memory_space<vmem>>
    %dma_wait3A_46 = tpu.memref_squeeze %dma_wait3A_45 : memref<1x125xi32, #tpu.memory_space<vmem>> -> memref<125xi32, #tpu.memory_space<vmem>>
    %dma_wait3A_47 = arith.constant 0 : i32
    %dma_wait3A_48 = arith.constant 0 : i32
    %dma_wait3A_49 = tpu.memref_slice %arg13[%dma_wait3A_47, %dma_wait3A_48] : memref<10000x64xf32, #tpu.memory_space<vmem_shared>> -> memref<10000x64xf32, #tpu.memory_space<vmem_shared>>
    tpu.wait_indirect_dma semaphore(%arg20 : memref<!tpu.dma_semaphore, #tpu.memory_space<semaphore_mem>>) src(%arg11 : memref<125x64xf32, #tpu.memory_space<vmem>>) dst(%dma_wait3A_49 : memref<10000x64xf32, #tpu.memory_space<vmem_shared>>)
    %dma_wait3A_50 = arith.constant 0 : i32
    %dma_wait3A_51 = arith.constant 0 : i32
    %dma_wait3A_52 = tpu.memref_slice %arg8[%dma_wait3A_50, %dma_wait3A_51] : memref<80x125xi32, #tpu.memory_space<vmem>> -> memref<1x125xi32, #tpu.memory_space<vmem>>
    %dma_wait3A_53 = tpu.memref_squeeze %dma_wait3A_52 : memref<1x125xi32, #tpu.memory_space<vmem>> -> memref<125xi32, #tpu.memory_space<vmem>>
    %dma_wait3A_54 = arith.constant 0 : i32
    %dma_wait3A_55 = arith.constant 0 : i32
    %dma_wait3A_56 = tpu.memref_slice %arg13[%dma_wait3A_54, %dma_wait3A_55] : memref<10000x64xf32, #tpu.memory_space<vmem_shared>> -> memref<10000x64xf32, #tpu.memory_space<vmem_shared>>
    tpu.wait_indirect_dma semaphore(%arg21 : memref<!tpu.dma_semaphore, #tpu.memory_space<semaphore_mem>>) src(%arg12 : memref<125x64xf32, #tpu.memory_space<vmem>>) dst(%dma_wait3A_56 : memref<10000x64xf32, #tpu.memory_space<vmem_shared>>)
    %barrier3A_57 = arith.constant 0 : index
    tpu.barrier barrier_id(%barrier3A_57)
    %mul3A_58 = arith.constant 624 : i32
    %mul3A_59 = arith.muli %arg1, %mul3A_58 : i32
    %mul3A_60 = arith.constant 624 : i32
    %mul3A_61 = arith.muli %arg1, %mul3A_60 : i32
    "tpu.region"() ({
      %run_scoped3A = tpu.sem_alloc : memref<!tpu.dma_semaphore, #tpu.memory_space<semaphore_mem>>
      %dma_start3A_67 = arith.constant 0 : i32
      %dma_start3A_68 = tpu.memref_slice %arg6[%arg0, %mul3A_61, %dma_start3A_67] : memref<2x10000x64xf32, #tpu.memory_space<hbm>> -> memref<1x624x64xf32, #tpu.memory_space<hbm>>
      %dma_start3A_69 = tpu.memref_squeeze %dma_start3A_68 : memref<1x624x64xf32, #tpu.memory_space<hbm>> -> memref<624x64xf32, #tpu.memory_space<hbm>>
      %dma_start3A_70 = arith.constant 0 : i32
      %dma_start3A_71 = tpu.memref_slice %arg13[%mul3A_59, %dma_start3A_70] : memref<10000x64xf32, #tpu.memory_space<vmem_shared>> -> memref<624x64xf32, #tpu.memory_space<vmem_shared>>
      tpu.enqueue_dma source(%dma_start3A_71 : memref<624x64xf32, #tpu.memory_space<vmem_shared>>) target(%dma_start3A_69 : memref<624x64xf32, #tpu.memory_space<hbm>>) target_semaphore(%run_scoped3A : memref<!tpu.dma_semaphore, #tpu.memory_space<semaphore_mem>>)
      %dma_wait3A_72 = arith.constant 0 : i32
      %dma_wait3A_73 = tpu.memref_slice %arg6[%arg0, %mul3A_61, %dma_wait3A_72] : memref<2x10000x64xf32, #tpu.memory_space<hbm>> -> memref<1x624x64xf32, #tpu.memory_space<hbm>>
      %dma_wait3A_74 = tpu.memref_squeeze %dma_wait3A_73 : memref<1x624x64xf32, #tpu.memory_space<hbm>> -> memref<624x64xf32, #tpu.memory_space<hbm>>
      %dma_wait3A_75 = arith.constant 0 : i32
      %dma_wait3A_76 = tpu.memref_slice %arg13[%mul3A_59, %dma_wait3A_75] : memref<10000x64xf32, #tpu.memory_space<vmem_shared>> -> memref<624x64xf32, #tpu.memory_space<vmem_shared>>
      tpu.wait_dma2 semaphore(%run_scoped3A : memref<!tpu.dma_semaphore, #tpu.memory_space<semaphore_mem>>) src(%dma_wait3A_76 : memref<624x64xf32, #tpu.memory_space<vmem_shared>>) dst(%dma_wait3A_74 : memref<624x64xf32, #tpu.memory_space<hbm>>)
      tpu.yield
    }) : () -> ()
    %eq3A_62 = arith.constant 15 : i32
    %eq3A_63 = arith.cmpi eq, %arg1, %eq3A_62 : i32
    %convert_element_type3A_64 = arith.extui %eq3A_63 : i1 to i32
    %cond3A_65 = arith.constant 0 : i32
    %cond3A_66 = arith.cmpi ne, %convert_element_type3A_64, %cond3A_65 : i32
    scf.if %cond3A_66 {
      "tpu.region"() ({
        %run_scoped3A = tpu.sem_alloc : memref<!tpu.dma_semaphore, #tpu.memory_space<semaphore_mem>>
        %dma_start3A_67 = arith.constant 9984 : i32
        %dma_start3A_68 = arith.constant 0 : i32
        %dma_start3A_69 = tpu.memref_slice %arg6[%arg0, %dma_start3A_67, %dma_start3A_68] : memref<2x10000x64xf32, #tpu.memory_space<hbm>> -> memref<1x16x64xf32, #tpu.memory_space<hbm>>
        %dma_start3A_70 = tpu.memref_squeeze %dma_start3A_69 : memref<1x16x64xf32, #tpu.memory_space<hbm>> -> memref<16x64xf32, #tpu.memory_space<hbm>>
        %dma_start3A_71 = arith.constant 9984 : i32
        %dma_start3A_72 = arith.constant 0 : i32
        %dma_start3A_73 = tpu.memref_slice %arg13[%dma_start3A_71, %dma_start3A_72] : memref<10000x64xf32, #tpu.memory_space<vmem_shared>> -> memref<16x64xf32, #tpu.memory_space<vmem_shared>>
        tpu.enqueue_dma source(%dma_start3A_73 : memref<16x64xf32, #tpu.memory_space<vmem_shared>>) target(%dma_start3A_70 : memref<16x64xf32, #tpu.memory_space<hbm>>) target_semaphore(%run_scoped3A : memref<!tpu.dma_semaphore, #tpu.memory_space<semaphore_mem>>)
        %dma_wait3A_74 = arith.constant 9984 : i32
        %dma_wait3A_75 = arith.constant 0 : i32
        %dma_wait3A_76 = tpu.memref_slice %arg6[%arg0, %dma_wait3A_74, %dma_wait3A_75] : memref<2x10000x64xf32, #tpu.memory_space<hbm>> -> memref<1x16x64xf32, #tpu.memory_space<hbm>>
        %dma_wait3A_77 = tpu.memref_squeeze %dma_wait3A_76 : memref<1x16x64xf32, #tpu.memory_space<hbm>> -> memref<16x64xf32, #tpu.memory_space<hbm>>
        %dma_wait3A_78 = arith.constant 9984 : i32
        %dma_wait3A_79 = arith.constant 0 : i32
        %dma_wait3A_80 = tpu.memref_slice %arg13[%dma_wait3A_78, %dma_wait3A_79] : memref<10000x64xf32, #tpu.memory_space<vmem_shared>> -> memref<16x64xf32, #tpu.memory_space<vmem_shared>>
        tpu.wait_dma2 semaphore(%run_scoped3A : memref<!tpu.dma_semaphore, #tpu.memory_space<semaphore_mem>>) src(%dma_wait3A_80 : memref<16x64xf32, #tpu.memory_space<vmem_shared>>) dst(%dma_wait3A_77 : memref<16x64xf32, #tpu.memory_space<hbm>>)
        tpu.yield
      }) : () -> ()
    } else {
    }
    return
  }
}

module attributes {stable_mosaic.version = 14 : i64} {
  func.func @_prep_body(%arg0: i32, %arg1: memref<1000x128xf32, #tpu.memory_space<vmem>>, %arg2: memref<128x128xf32, #tpu.memory_space<vmem>>, %arg3: memref<1x128xf32, #tpu.memory_space<vmem>>, %arg4: memref<1000x64xf32, #tpu.memory_space<vmem>>, %arg5: memref<1000x64xf32, #tpu.memory_space<vmem>>) attributes {dimension_semantics = [#tpu.dimension_semantics<arbitrary>], iteration_bounds = array<i64: 10>, scalar_prefetch = 0 : i64, scratch_operands = 0 : i64, tpu.core_type = #tpu.core_type<tc>, window_params = [{transform_indices = @transform_0, window_bounds = array<i64: 1000, 128>}, {pipeline_mode = #tpu.pipeline_mode<synchronous>, transform_indices = @transform_1, window_bounds = array<i64: 128, 128>}, {pipeline_mode = #tpu.pipeline_mode<synchronous>, transform_indices = @transform_2, window_bounds = array<i64: 1, 128>}, {transform_indices = @transform_3, window_bounds = array<i64: 1000, 64>}, {transform_indices = @transform_4, window_bounds = array<i64: 1000, 64>}]} {
    %get3A = arith.constant 0 : index
    %get3A_0 = arith.constant 0 : index
    %get3A_1 = vector.load %arg1[%get3A, %get3A_0] : memref<1000x128xf32, #tpu.memory_space<vmem>>, vector<1000x128xf32>
    %get3A_2 = arith.constant 0 : index
    %get3A_3 = arith.constant 0 : index
    %get3A_4 = vector.load %arg2[%get3A_2, %get3A_3] : memref<128x128xf32, #tpu.memory_space<vmem>>, vector<128x128xf32>
    %dot_general3A = arith.constant dense<0.000000e+00> : vector<1000x128xf32>
    %dot_general3A_5 = tpu.matmul %get3A_1, %get3A_4, %dot_general3A {dimension_numbers = #tpu.dot_dimension_numbers<[1], [0], [0], [1], [0, 0, 1, 1], [], []>, transpose_lhs_hint = false} : vector<1000x128xf32>, vector<128x128xf32>, vector<1000x128xf32> -> vector<1000x128xf32>
    %get3A_6 = arith.constant 0 : index
    %get3A_7 = arith.constant 0 : index
    %get3A_8 = vector.load %arg3[%get3A_6, %get3A_7] : memref<1x128xf32, #tpu.memory_space<vmem>>, vector<1x128xf32>
    %add3A = vector.broadcast %get3A_8 : vector<1x128xf32> to vector<1000x128xf32>
    %add3A_9 = arith.addf %dot_general3A_5, %add3A : vector<1000x128xf32>
    %slice3A = vector.extract_strided_slice %add3A_9 {offsets = [0, 0], sizes = [1000, 64], strides = [1, 1]} : vector<1000x128xf32> to vector<1000x64xf32>
    %swap3A = arith.constant 0 : index
    %swap3A_10 = arith.constant 0 : index
    %swap3A_11 = vector.load %arg4[%swap3A, %swap3A_10] : memref<1000x64xf32, #tpu.memory_space<vmem>>, vector<1000x64xf32>
    tpu.vector_store %arg4[%swap3A, %swap3A_10], %slice3A {strides = array<i32>} : memref<1000x64xf32, #tpu.memory_space<vmem>>, vector<1000x64xf32>,
    %slice3A_12 = vector.extract_strided_slice %add3A_9 {offsets = [0, 64], sizes = [1000, 64], strides = [1, 1]} : vector<1000x128xf32> to vector<1000x64xf32>
    %swap3A_13 = arith.constant 0 : index
    %swap3A_14 = arith.constant 0 : index
    %swap3A_15 = vector.load %arg5[%swap3A_13, %swap3A_14] : memref<1000x64xf32, #tpu.memory_space<vmem>>, vector<1000x64xf32>
    tpu.vector_store %arg5[%swap3A_13, %swap3A_14], %slice3A_12 {strides = array<i32>} : memref<1000x64xf32, #tpu.memory_space<vmem>>, vector<1000x64xf32>,
    return
  }
  func.func @transform_0(%arg0: i32) -> (i32, i32) {
    %c0_i32 = arith.constant 0 : i32
    %c0_i32_0 = arith.constant 0 : i32
    return %arg0, %c0_i32 : i32, i32
  }
  func.func @transform_1(%arg0: i32) -> (i32, i32) {
    %c0_i32 = arith.constant 0 : i32
    %c0_i32_0 = arith.constant 0 : i32
    %c0_i32_1 = arith.constant 0 : i32
    return %c0_i32, %c0_i32_0 : i32, i32
  }
  func.func @transform_2(%arg0: i32) -> (i32, i32) {
    %c0_i32 = arith.constant 0 : i32
    %c0_i32_0 = arith.constant 0 : i32
    %c0_i32_1 = arith.constant 0 : i32
    return %c0_i32, %c0_i32_0 : i32, i32
  }
  func.func @transform_3(%arg0: i32) -> (i32, i32) {
    %c0_i32 = arith.constant 0 : i32
    %c0_i32_0 = arith.constant 0 : i32
    return %arg0, %c0_i32 : i32, i32
  }
  func.func @transform_4(%arg0: i32) -> (i32, i32) {
    %c0_i32 = arith.constant 0 : i32
    %c0_i32_0 = arith.constant 0 : i32
    return %arg0, %c0_i32 : i32, i32
  }
}

module attributes {stable_mosaic.version = 14 : i64} {
  func.func @_update_body(%arg0: i32, %arg1: memref<2x1000x64xf32, #tpu.memory_space<vmem>>, %arg2: memref<2x1000x16xf32, #tpu.memory_space<vmem>>, %arg3: memref<16x64xf32, #tpu.memory_space<vmem>>, %arg4: memref<1000x64xf32, #tpu.memory_space<vmem>>, %arg5: memref<64x64xf32, #tpu.memory_space<vmem>>, %arg6: memref<1x64xf32, #tpu.memory_space<vmem>>, %arg7: memref<1000x64xf32, #tpu.memory_space<vmem>>, %arg8: memref<1000x64xf32, #tpu.memory_space<vmem>>) attributes {dimension_semantics = [#tpu.dimension_semantics<arbitrary>], iteration_bounds = array<i64: 10>, scalar_prefetch = 0 : i64, scratch_operands = 0 : i64, tpu.core_type = #tpu.core_type<tc>, window_params = [{transform_indices = @transform_0, window_bounds = array<i64: 2, 1000, 64>}, {transform_indices = @transform_1, window_bounds = array<i64: 2, 1000, 16>}, {pipeline_mode = #tpu.pipeline_mode<synchronous>, transform_indices = @transform_2, window_bounds = array<i64: 16, 64>}, {transform_indices = @transform_3, window_bounds = array<i64: 1000, 64>}, {pipeline_mode = #tpu.pipeline_mode<synchronous>, transform_indices = @transform_4, window_bounds = array<i64: 64, 64>}, {pipeline_mode = #tpu.pipeline_mode<synchronous>, transform_indices = @transform_5, window_bounds = array<i64: 1, 64>}, {transform_indices = @transform_6, window_bounds = array<i64: 1000, 64>}, {transform_indices = @transform_7, window_bounds = array<i64: 1000, 64>}]} {
    %get3A = arith.constant 0 : index
    %get3A_0 = arith.constant 0 : index
    %get3A_1 = arith.constant 0 : index
    %get3A_2 = vector.load %arg2[%get3A, %get3A_0, %get3A_1] : memref<2x1000x16xf32, #tpu.memory_space<vmem>>, vector<1x1000x16xf32>
    %get3A_3 = vector.shape_cast %get3A_2 : vector<1x1000x16xf32> to vector<1000x16xf32>
    %get3A_4 = arith.constant 1 : index
    %get3A_5 = arith.constant 0 : index
    %get3A_6 = arith.constant 0 : index
    %get3A_7 = vector.load %arg2[%get3A_4, %get3A_5, %get3A_6] : memref<2x1000x16xf32, #tpu.memory_space<vmem>>, vector<1x1000x16xf32>
    %get3A_8 = vector.shape_cast %get3A_7 : vector<1x1000x16xf32> to vector<1000x16xf32>
    %add3A = arith.addf %get3A_3, %get3A_8 : vector<1000x16xf32>
    %get3A_9 = arith.constant 0 : index
    %get3A_10 = arith.constant 0 : index
    %get3A_11 = vector.load %arg3[%get3A_9, %get3A_10] : memref<16x64xf32, #tpu.memory_space<vmem>>, vector<16x64xf32>
    %dot_general3A = arith.constant dense<0.000000e+00> : vector<1000x64xf32>
    %dot_general3A_12 = tpu.matmul %add3A, %get3A_11, %dot_general3A {dimension_numbers = #tpu.dot_dimension_numbers<[1], [0], [0], [1], [0, 0, 1, 1], [], []>, transpose_lhs_hint = false} : vector<1000x16xf32>, vector<16x64xf32>, vector<1000x64xf32> -> vector<1000x64xf32>
    %get3A_13 = arith.constant 0 : index
    %get3A_14 = arith.constant 0 : index
    %get3A_15 = arith.constant 0 : index
    %get3A_16 = vector.load %arg1[%get3A_13, %get3A_14, %get3A_15] : memref<2x1000x64xf32, #tpu.memory_space<vmem>>, vector<1x1000x64xf32>
    %get3A_17 = vector.shape_cast %get3A_16 : vector<1x1000x64xf32> to vector<1000x64xf32>
    %get3A_18 = arith.constant 1 : index
    %get3A_19 = arith.constant 0 : index
    %get3A_20 = arith.constant 0 : index
    %get3A_21 = vector.load %arg1[%get3A_18, %get3A_19, %get3A_20] : memref<2x1000x64xf32, #tpu.memory_space<vmem>>, vector<1x1000x64xf32>
    %get3A_22 = vector.shape_cast %get3A_21 : vector<1x1000x64xf32> to vector<1000x64xf32>
    %add3A_23 = arith.addf %get3A_17, %get3A_22 : vector<1000x64xf32>
    %add3A_24 = arith.addf %add3A_23, %dot_general3A_12 : vector<1000x64xf32>
    %get3A_25 = arith.constant 0 : index
    %get3A_26 = arith.constant 0 : index
    %get3A_27 = vector.load %arg4[%get3A_25, %get3A_26] : memref<1000x64xf32, #tpu.memory_space<vmem>>, vector<1000x64xf32>
    %add3A_28 = arith.addf %add3A_24, %get3A_27 : vector<1000x64xf32>
    %max3A = arith.constant 0.000000e+00 : f32
    %max3A_29 = vector.broadcast %max3A : f32 to vector<1000x64xf32>
    %max3A_30 = arith.maximumf %add3A_28, %max3A_29 : vector<1000x64xf32>
    %swap3A = arith.constant 0 : index
    %swap3A_31 = arith.constant 0 : index
    %swap3A_32 = vector.load %arg7[%swap3A, %swap3A_31] : memref<1000x64xf32, #tpu.memory_space<vmem>>, vector<1000x64xf32>
    tpu.vector_store %arg7[%swap3A, %swap3A_31], %max3A_30 {strides = array<i32>} : memref<1000x64xf32, #tpu.memory_space<vmem>>, vector<1000x64xf32>,
    %get3A_33 = arith.constant 0 : index
    %get3A_34 = arith.constant 0 : index
    %get3A_35 = vector.load %arg5[%get3A_33, %get3A_34] : memref<64x64xf32, #tpu.memory_space<vmem>>, vector<64x64xf32>
    %dot_general3A_36 = arith.constant dense<0.000000e+00> : vector<1000x64xf32>
    %dot_general3A_37 = tpu.matmul %max3A_30, %get3A_35, %dot_general3A_36 {dimension_numbers = #tpu.dot_dimension_numbers<[1], [0], [0], [1], [0, 0, 1, 1], [], []>, transpose_lhs_hint = false} : vector<1000x64xf32>, vector<64x64xf32>, vector<1000x64xf32> -> vector<1000x64xf32>
    %get3A_38 = arith.constant 0 : index
    %get3A_39 = arith.constant 0 : index
    %get3A_40 = vector.load %arg6[%get3A_38, %get3A_39] : memref<1x64xf32, #tpu.memory_space<vmem>>, vector<1x64xf32>
    %add3A_41 = vector.broadcast %get3A_40 : vector<1x64xf32> to vector<1000x64xf32>
    %add3A_42 = arith.addf %dot_general3A_37, %add3A_41 : vector<1000x64xf32>
    %swap3A_43 = arith.constant 0 : index
    %swap3A_44 = arith.constant 0 : index
    %swap3A_45 = vector.load %arg8[%swap3A_43, %swap3A_44] : memref<1000x64xf32, #tpu.memory_space<vmem>>, vector<1000x64xf32>
    tpu.vector_store %arg8[%swap3A_43, %swap3A_44], %add3A_42 {strides = array<i32>} : memref<1000x64xf32, #tpu.memory_space<vmem>>, vector<1000x64xf32>,
    return
  }
  func.func @transform_0(%arg0: i32) -> (i32, i32, i32) {
    %c0_i32 = arith.constant 0 : i32
    %c0_i32_0 = arith.constant 0 : i32
    %c0_i32_1 = arith.constant 0 : i32
    return %c0_i32, %arg0, %c0_i32_0 : i32, i32, i32
  }
  func.func @transform_1(%arg0: i32) -> (i32, i32, i32) {
    %c0_i32 = arith.constant 0 : i32
    %c0_i32_0 = arith.constant 0 : i32
    %c0_i32_1 = arith.constant 0 : i32
    return %c0_i32, %arg0, %c0_i32_0 : i32, i32, i32
  }
  func.func @transform_2(%arg0: i32) -> (i32, i32) {
    %c0_i32 = arith.constant 0 : i32
    %c0_i32_0 = arith.constant 0 : i32
    %c0_i32_1 = arith.constant 0 : i32
    return %c0_i32, %c0_i32_0 : i32, i32
  }
  func.func @transform_3(%arg0: i32) -> (i32, i32) {
    %c0_i32 = arith.constant 0 : i32
    %c0_i32_0 = arith.constant 0 : i32
    return %arg0, %c0_i32 : i32, i32
  }
  func.func @transform_4(%arg0: i32) -> (i32, i32) {
    %c0_i32 = arith.constant 0 : i32
    %c0_i32_0 = arith.constant 0 : i32
    %c0_i32_1 = arith.constant 0 : i32
    return %c0_i32, %c0_i32_0 : i32, i32
  }
  func.func @transform_5(%arg0: i32) -> (i32, i32) {
    %c0_i32 = arith.constant 0 : i32
    %c0_i32_0 = arith.constant 0 : i32
    %c0_i32_1 = arith.constant 0 : i32
    return %c0_i32, %c0_i32_0 : i32, i32
  }
  func.func @transform_6(%arg0: i32) -> (i32, i32) {
    %c0_i32 = arith.constant 0 : i32
    %c0_i32_0 = arith.constant 0 : i32
    return %arg0, %c0_i32 : i32, i32
  }
  func.func @transform_7(%arg0: i32) -> (i32, i32) {
    %c0_i32 = arith.constant 0 : i32
    %c0_i32_0 = arith.constant 0 : i32
    return %arg0, %c0_i32 : i32, i32
  }
}

module attributes {stable_mosaic.version = 14 : i64} {
  func.func @_final_body(%arg0: i32, %arg1: memref<2x1000x64xf32, #tpu.memory_space<vmem>>, %arg2: memref<2x1000x16xf32, #tpu.memory_space<vmem>>, %arg3: memref<16x64xf32, #tpu.memory_space<vmem>>, %arg4: memref<1000x64xf32, #tpu.memory_space<vmem>>, %arg5: memref<1x1x1000xi32, #tpu.memory_space<vmem>>, %arg6: memref<64x128xf32, #tpu.memory_space<vmem>>, %arg7: memref<64x128xf32, #tpu.memory_space<vmem>>, %arg8: memref<128x64xf32, #tpu.memory_space<vmem>>, %arg9: memref<1x64xf32, #tpu.memory_space<vmem>>, %arg10: memref<128x64xf32, #tpu.memory_space<vmem>>, %arg11: memref<1x64xf32, #tpu.memory_space<vmem>>, %arg12: memref<192x64xf32, #tpu.memory_space<vmem>>, %arg13: memref<1x64xf32, #tpu.memory_space<vmem>>, %arg14: memref<64x1xf32, #tpu.memory_space<vmem>>, %arg15: memref<1x1xf32, #tpu.memory_space<vmem>>, %arg16: memref<64x1xf32, #tpu.memory_space<vmem>>, %arg17: memref<64x128xf32, #tpu.memory_space<vmem>>) attributes {dimension_semantics = [#tpu.dimension_semantics<arbitrary>], iteration_bounds = array<i64: 10>, scalar_prefetch = 0 : i64, scratch_operands = 1 : i64, tpu.core_type = #tpu.core_type<tc>, window_params = [{transform_indices = @transform_0, window_bounds = array<i64: 2, 1000, 64>}, {transform_indices = @transform_1, window_bounds = array<i64: 2, 1000, 16>}, {pipeline_mode = #tpu.pipeline_mode<synchronous>, transform_indices = @transform_2, window_bounds = array<i64: 16, 64>}, {transform_indices = @transform_3, window_bounds = array<i64: 1000, 64>}, {transform_indices = @transform_4, window_bounds = array<i64: 1, 1, 1000>}, {pipeline_mode = #tpu.pipeline_mode<synchronous>, transform_indices = @transform_5, window_bounds = array<i64: 64, 128>}, {pipeline_mode = #tpu.pipeline_mode<synchronous>, transform_indices = @transform_6, window_bounds = array<i64: 64, 128>}, {pipeline_mode = #tpu.pipeline_mode<synchronous>, transform_indices = @transform_7, window_bounds = array<i64: 128, 64>}, {pipeline_mode = #tpu.pipeline_mode<synchronous>, transform_indices = @transform_8, window_bounds = array<i64: 1, 64>}, {pipeline_mode = #tpu.pipeline_mode<synchronous>, transform_indices = @transform_9, window_bounds = array<i64: 128, 64>}, {pipeline_mode = #tpu.pipeline_mode<synchronous>, transform_indices = @transform_10, window_bounds = array<i64: 1, 64>}, {pipeline_mode = #tpu.pipeline_mode<synchronous>, transform_indices = @transform_11, window_bounds = array<i64: 192, 64>}, {pipeline_mode = #tpu.pipeline_mode<synchronous>, transform_indices = @transform_12, window_bounds = array<i64: 1, 64>}, {pipeline_mode = #tpu.pipeline_mode<synchronous>, transform_indices = @transform_13, window_bounds = array<i64: 64, 1>}, {pipeline_mode = #tpu.pipeline_mode<synchronous>, transform_indices = @transform_14, window_bounds = array<i64: 1, 1>}, {pipeline_mode = #tpu.pipeline_mode<synchronous>, transform_indices = @transform_15, window_bounds = array<i64: 64, 1>}]} {
    %eq3A = arith.constant 0 : i32
    %eq3A_0 = arith.cmpi eq, %arg0, %eq3A : i32
    %convert_element_type3A = arith.extui %eq3A_0 : i1 to i32
    %cond3A = arith.constant 0 : i32
    %cond3A_1 = arith.cmpi ne, %convert_element_type3A, %cond3A : i32
    scf.if %cond3A_1 {
      %broadcast_in_dim3A_59 = arith.constant 0.000000e+00 : f32
      %broadcast_in_dim3A_60 = vector.broadcast %broadcast_in_dim3A_59 : f32 to vector<64x128xf32>
      %swap3A_61 = arith.constant 0 : index
      %swap3A_62 = arith.constant 0 : index
      %swap3A_63 = vector.load %arg17[%swap3A_61, %swap3A_62] : memref<64x128xf32, #tpu.memory_space<vmem>>, vector<64x128xf32>
      tpu.vector_store %arg17[%swap3A_61, %swap3A_62], %broadcast_in_dim3A_60 {strides = array<i32>} : memref<64x128xf32, #tpu.memory_space<vmem>>, vector<64x128xf32>,
    } else {
    }
    %get3A = arith.constant 0 : index
    %get3A_2 = arith.constant 0 : index
    %get3A_3 = arith.constant 0 : index
    %get3A_4 = vector.load %arg2[%get3A, %get3A_2, %get3A_3] : memref<2x1000x16xf32, #tpu.memory_space<vmem>>, vector<1x1000x16xf32>
    %get3A_5 = vector.shape_cast %get3A_4 : vector<1x1000x16xf32> to vector<1000x16xf32>
    %get3A_6 = arith.constant 1 : index
    %get3A_7 = arith.constant 0 : index
    %get3A_8 = arith.constant 0 : index
    %get3A_9 = vector.load %arg2[%get3A_6, %get3A_7, %get3A_8] : memref<2x1000x16xf32, #tpu.memory_space<vmem>>, vector<1x1000x16xf32>
    %get3A_10 = vector.shape_cast %get3A_9 : vector<1x1000x16xf32> to vector<1000x16xf32>
    %add3A = arith.addf %get3A_5, %get3A_10 : vector<1000x16xf32>
    %get3A_11 = arith.constant 0 : index
    %get3A_12 = arith.constant 0 : index
    %get3A_13 = vector.load %arg3[%get3A_11, %get3A_12] : memref<16x64xf32, #tpu.memory_space<vmem>>, vector<16x64xf32>
    %dot_general3A = arith.constant dense<0.000000e+00> : vector<1000x64xf32>
    %dot_general3A_14 = tpu.matmul %add3A, %get3A_13, %dot_general3A {dimension_numbers = #tpu.dot_dimension_numbers<[1], [0], [0], [1], [0, 0, 1, 1], [], []>, transpose_lhs_hint = false} : vector<1000x16xf32>, vector<16x64xf32>, vector<1000x64xf32> -> vector<1000x64xf32>
    %get3A_15 = arith.constant 0 : index
    %get3A_16 = arith.constant 0 : index
    %get3A_17 = arith.constant 0 : index
    %get3A_18 = vector.load %arg1[%get3A_15, %get3A_16, %get3A_17] : memref<2x1000x64xf32, #tpu.memory_space<vmem>>, vector<1x1000x64xf32>
    %get3A_19 = vector.shape_cast %get3A_18 : vector<1x1000x64xf32> to vector<1000x64xf32>
    %get3A_20 = arith.constant 1 : index
    %get3A_21 = arith.constant 0 : index
    %get3A_22 = arith.constant 0 : index
    %get3A_23 = vector.load %arg1[%get3A_20, %get3A_21, %get3A_22] : memref<2x1000x64xf32, #tpu.memory_space<vmem>>, vector<1x1000x64xf32>
    %get3A_24 = vector.shape_cast %get3A_23 : vector<1x1000x64xf32> to vector<1000x64xf32>
    %add3A_25 = arith.addf %get3A_19, %get3A_24 : vector<1000x64xf32>
    %add3A_26 = arith.addf %add3A_25, %dot_general3A_14 : vector<1000x64xf32>
    %get3A_27 = arith.constant 0 : index
    %get3A_28 = arith.constant 0 : index
    %get3A_29 = vector.load %arg4[%get3A_27, %get3A_28] : memref<1000x64xf32, #tpu.memory_space<vmem>>, vector<1000x64xf32>
    %add3A_30 = arith.addf %add3A_26, %get3A_29 : vector<1000x64xf32>
    %max3A = arith.constant 0.000000e+00 : f32
    %max3A_31 = vector.broadcast %max3A : f32 to vector<1000x64xf32>
    %max3A_32 = arith.maximumf %add3A_30, %max3A_31 : vector<1000x64xf32>
    %get3A_33 = arith.constant 0 : index
    %get3A_34 = arith.constant 0 : index
    %get3A_35 = arith.constant 0 : index
    %get3A_36 = vector.load %arg5[%get3A_33, %get3A_34, %get3A_35] : memref<1x1x1000xi32, #tpu.memory_space<vmem>>, vector<1x1x1000xi32>
    %get3A_37 = vector.shape_cast %get3A_36 : vector<1x1x1000xi32> to vector<1000xi32>
    %broadcast_in_dim3A = vector.shape_cast %get3A_37 : vector<1000xi32> to vector<1x1000xi32>
    %iota3A = tpu.iota {dimensions = array<i32: 0>} : vector<64x1000xi32>
    %eq3A_38 = vector.broadcast %broadcast_in_dim3A : vector<1x1000xi32> to vector<64x1000xi32>
    %eq3A_39 = arith.cmpi eq, %eq3A_38, %iota3A : vector<64x1000xi32>
    %convert_element_type3A_40 = arith.extui %eq3A_39 : vector<64x1000xi1> to vector<64x1000xi32>
    %convert_element_type3A_41 = arith.sitofp %convert_element_type3A_40 : vector<64x1000xi32> to vector<64x1000xf32>
    %broadcast_in_dim3A_42 = arith.constant 1.000000e+00 : f32
    %broadcast_in_dim3A_43 = vector.broadcast %broadcast_in_dim3A_42 : f32 to vector<1000x1xf32>
    %broadcast_in_dim3A_44 = arith.constant 0.000000e+00 : f32
    %broadcast_in_dim3A_45 = vector.broadcast %broadcast_in_dim3A_44 : f32 to vector<1000x63xf32>
    %concatenate3A = tpu.concatenate %max3A_32, %broadcast_in_dim3A_43, %broadcast_in_dim3A_45 in 1 : vector<1000x64xf32>, vector<1000x1xf32>, vector<1000x63xf32> -> vector<1000x128xf32>
    %get3A_46 = arith.constant 0 : index
    %get3A_47 = arith.constant 0 : index
    %get3A_48 = vector.load %arg17[%get3A_46, %get3A_47] : memref<64x128xf32, #tpu.memory_space<vmem>>, vector<64x128xf32>
    %dot_general3A_49 = arith.constant dense<0.000000e+00> : vector<64x128xf32>
    %dot_general3A_50 = tpu.matmul %convert_element_type3A_41, %concatenate3A, %dot_general3A_49 {dimension_numbers = #tpu.dot_dimension_numbers<[1], [0], [0], [1], [0, 0, 1, 1], [], []>, transpose_lhs_hint = false} : vector<64x1000xf32>, vector<1000x128xf32>, vector<64x128xf32> -> vector<64x128xf32>
    %add3A_51 = arith.addf %get3A_48, %dot_general3A_50 : vector<64x128xf32>
    %swap3A = arith.constant 0 : index
    %swap3A_52 = arith.constant 0 : index
    %swap3A_53 = vector.load %arg17[%swap3A, %swap3A_52] : memref<64x128xf32, #tpu.memory_space<vmem>>, vector<64x128xf32>
    tpu.vector_store %arg17[%swap3A, %swap3A_52], %add3A_51 {strides = array<i32>} : memref<64x128xf32, #tpu.memory_space<vmem>>, vector<64x128xf32>,
    %eq3A_54 = arith.constant 9 : i32
    %eq3A_55 = arith.cmpi eq, %arg0, %eq3A_54 : i32
    %convert_element_type3A_56 = arith.extui %eq3A_55 : i1 to i32
    %cond3A_57 = arith.constant 0 : i32
    %cond3A_58 = arith.cmpi ne, %convert_element_type3A_56, %cond3A_57 : i32
    scf.if %cond3A_58 {
      %get3A_59 = arith.constant 0 : index
      %get3A_60 = arith.constant 0 : index
      %get3A_61 = vector.load %arg17[%get3A_59, %get3A_60] : memref<64x128xf32, #tpu.memory_space<vmem>>, vector<64x64xf32>
      %get3A_62 = arith.constant 0 : index
      %get3A_63 = arith.constant 64 : index
      %get3A_64 = vector.load %arg17[%get3A_62, %get3A_63] : memref<64x128xf32, #tpu.memory_space<vmem>>, vector<64x1xf32>
      %max3A_65 = arith.constant 1.000000e+00 : f32
      %max3A_66 = vector.broadcast %max3A_65 : f32 to vector<64x1xf32>
      %max3A_67 = arith.maximumf %get3A_64, %max3A_66 : vector<64x1xf32>
      %div3A = vector.broadcast %max3A_67 : vector<64x1xf32> to vector<64x64xf32>
      %div3A_68 = arith.divf %get3A_61, %div3A : vector<64x64xf32>
      %get3A_69 = arith.constant 0 : index
      %get3A_70 = arith.constant 0 : index
      %get3A_71 = vector.load %arg6[%get3A_69, %get3A_70] : memref<64x128xf32, #tpu.memory_space<vmem>>, vector<64x128xf32>
      %get3A_72 = arith.constant 0 : index
      %get3A_73 = arith.constant 0 : index
      %get3A_74 = vector.load %arg8[%get3A_72, %get3A_73] : memref<128x64xf32, #tpu.memory_space<vmem>>, vector<128x64xf32>
      %dot_general3A_75 = arith.constant dense<0.000000e+00> : vector<64x64xf32>
      %dot_general3A_76 = tpu.matmul %get3A_71, %get3A_74, %dot_general3A_75 {dimension_numbers = #tpu.dot_dimension_numbers<[1], [0], [0], [1], [0, 0, 1, 1], [], []>, transpose_lhs_hint = false} : vector<64x128xf32>, vector<128x64xf32>, vector<64x64xf32> -> vector<64x64xf32>
      %get3A_77 = arith.constant 0 : index
      %get3A_78 = arith.constant 0 : index
      %get3A_79 = vector.load %arg9[%get3A_77, %get3A_78] : memref<1x64xf32, #tpu.memory_space<vmem>>, vector<1x64xf32>
      %add3A_80 = vector.broadcast %get3A_79 : vector<1x64xf32> to vector<64x64xf32>
      %add3A_81 = arith.addf %dot_general3A_76, %add3A_80 : vector<64x64xf32>
      %get3A_82 = arith.constant 0 : index
      %get3A_83 = arith.constant 0 : index
      %get3A_84 = vector.load %arg7[%get3A_82, %get3A_83] : memref<64x128xf32, #tpu.memory_space<vmem>>, vector<64x128xf32>
      %get3A_85 = arith.constant 0 : index
      %get3A_86 = arith.constant 0 : index
      %get3A_87 = vector.load %arg10[%get3A_85, %get3A_86] : memref<128x64xf32, #tpu.memory_space<vmem>>, vector<128x64xf32>
      %dot_general3A_88 = arith.constant dense<0.000000e+00> : vector<64x64xf32>
      %dot_general3A_89 = tpu.matmul %get3A_84, %get3A_87, %dot_general3A_88 {dimension_numbers = #tpu.dot_dimension_numbers<[1], [0], [0], [1], [0, 0, 1, 1], [], []>, transpose_lhs_hint = false} : vector<64x128xf32>, vector<128x64xf32>, vector<64x64xf32> -> vector<64x64xf32>
      %get3A_90 = arith.constant 0 : index
      %get3A_91 = arith.constant 0 : index
      %get3A_92 = vector.load %arg11[%get3A_90, %get3A_91] : memref<1x64xf32, #tpu.memory_space<vmem>>, vector<1x64xf32>
      %add3A_93 = vector.broadcast %get3A_92 : vector<1x64xf32> to vector<64x64xf32>
      %add3A_94 = arith.addf %dot_general3A_89, %add3A_93 : vector<64x64xf32>
      %concatenate3A_95 = tpu.concatenate %div3A_68, %add3A_81, %add3A_94 in 1 : vector<64x64xf32>, vector<64x64xf32>, vector<64x64xf32> -> vector<64x192xf32>
      %get3A_96 = arith.constant 0 : index
      %get3A_97 = arith.constant 0 : index
      %get3A_98 = vector.load %arg12[%get3A_96, %get3A_97] : memref<192x64xf32, #tpu.memory_space<vmem>>, vector<192x64xf32>
      %dot_general3A_99 = arith.constant dense<0.000000e+00> : vector<64x64xf32>
      %dot_general3A_100 = tpu.matmul %concatenate3A_95, %get3A_98, %dot_general3A_99 {dimension_numbers = #tpu.dot_dimension_numbers<[1], [0], [0], [1], [0, 0, 1, 1], [], []>, transpose_lhs_hint = false} : vector<64x192xf32>, vector<192x64xf32>, vector<64x64xf32> -> vector<64x64xf32>
      %get3A_101 = arith.constant 0 : index
      %get3A_102 = arith.constant 0 : index
      %get3A_103 = vector.load %arg13[%get3A_101, %get3A_102] : memref<1x64xf32, #tpu.memory_space<vmem>>, vector<1x64xf32>
      %add3A_104 = vector.broadcast %get3A_103 : vector<1x64xf32> to vector<64x64xf32>
      %add3A_105 = arith.addf %dot_general3A_100, %add3A_104 : vector<64x64xf32>
      %get3A_106 = arith.constant 0 : index
      %get3A_107 = arith.constant 0 : index
      %get3A_108 = vector.load %arg14[%get3A_106, %get3A_107] : memref<64x1xf32, #tpu.memory_space<vmem>>, vector<64x1xf32>
      %dot_general3A_109 = arith.constant dense<0.000000e+00> : vector<64x1xf32>
      %dot_general3A_110 = tpu.matmul %add3A_105, %get3A_108, %dot_general3A_109 {dimension_numbers = #tpu.dot_dimension_numbers<[1], [0], [0], [1], [0, 0, 1, 1], [], []>, transpose_lhs_hint = false} : vector<64x64xf32>, vector<64x1xf32>, vector<64x1xf32> -> vector<64x1xf32>
      %get3A_111 = arith.constant 0 : index
      %get3A_112 = arith.constant 0 : index
      %get3A_113 = vector.load %arg15[%get3A_111, %get3A_112] : memref<1x1xf32, #tpu.memory_space<vmem>>, vector<1x1xf32>
      %add3A_114 = vector.broadcast %get3A_113 : vector<1x1xf32> to vector<64x1xf32>
      %add3A_115 = arith.addf %dot_general3A_110, %add3A_114 : vector<64x1xf32>
      %swap3A_116 = arith.constant 0 : index
      %swap3A_117 = arith.constant 0 : index
      %swap3A_118 = vector.load %arg16[%swap3A_116, %swap3A_117] : memref<64x1xf32, #tpu.memory_space<vmem>>, vector<64x1xf32>
      tpu.vector_store %arg16[%swap3A_116, %swap3A_117], %add3A_115 {strides = array<i32>} : memref<64x1xf32, #tpu.memory_space<vmem>>, vector<64x1xf32>,
    } else {
    }
    return
  }
  func.func @transform_0(%arg0: i32) -> (i32, i32, i32) {
    %c0_i32 = arith.constant 0 : i32
    %c0_i32_0 = arith.constant 0 : i32
    %c0_i32_1 = arith.constant 0 : i32
    return %c0_i32, %arg0, %c0_i32_0 : i32, i32, i32
  }
  func.func @transform_1(%arg0: i32) -> (i32, i32, i32) {
    %c0_i32 = arith.constant 0 : i32
    %c0_i32_0 = arith.constant 0 : i32
    %c0_i32_1 = arith.constant 0 : i32
    return %c0_i32, %arg0, %c0_i32_0 : i32, i32, i32
  }
  func.func @transform_2(%arg0: i32) -> (i32, i32) {
    %c0_i32 = arith.constant 0 : i32
    %c0_i32_0 = arith.constant 0 : i32
    %c0_i32_1 = arith.constant 0 : i32
    return %c0_i32, %c0_i32_0 : i32, i32
  }
  func.func @transform_3(%arg0: i32) -> (i32, i32) {
    %c0_i32 = arith.constant 0 : i32
    %c0_i32_0 = arith.constant 0 : i32
    return %arg0, %c0_i32 : i32, i32
  }
  func.func @transform_4(%arg0: i32) -> (i32, i32, i32) {
    %c0_i32 = arith.constant 0 : i32
    %c0_i32_0 = arith.constant 0 : i32
    %c0_i32_1 = arith.constant 0 : i32
    return %arg0, %c0_i32, %c0_i32_0 : i32, i32, i32
  }
  func.func @transform_5(%arg0: i32) -> (i32, i32) {
    %c0_i32 = arith.constant 0 : i32
    %c0_i32_0 = arith.constant 0 : i32
    %c0_i32_1 = arith.constant 0 : i32
    return %c0_i32, %c0_i32_0 : i32, i32
  }
  func.func @transform_6(%arg0: i32) -> (i32, i32) {
    %c0_i32 = arith.constant 0 : i32
    %c0_i32_0 = arith.constant 0 : i32
    %c0_i32_1 = arith.constant 0 : i32
    return %c0_i32, %c0_i32_0 : i32, i32
  }
  func.func @transform_7(%arg0: i32) -> (i32, i32) {
    %c0_i32 = arith.constant 0 : i32
    %c0_i32_0 = arith.constant 0 : i32
    %c0_i32_1 = arith.constant 0 : i32
    return %c0_i32, %c0_i32_0 : i32, i32
  }
  func.func @transform_8(%arg0: i32) -> (i32, i32) {
    %c0_i32 = arith.constant 0 : i32
    %c0_i32_0 = arith.constant 0 : i32
    %c0_i32_1 = arith.constant 0 : i32
    return %c0_i32, %c0_i32_0 : i32, i32
  }
  func.func @transform_9(%arg0: i32) -> (i32, i32) {
    %c0_i32 = arith.constant 0 : i32
    %c0_i32_0 = arith.constant 0 : i32
    %c0_i32_1 = arith.constant 0 : i32
    return %c0_i32, %c0_i32_0 : i32, i32
  }
  func.func @transform_10(%arg0: i32) -> (i32, i32) {
    %c0_i32 = arith.constant 0 : i32
    %c0_i32_0 = arith.constant 0 : i32
    %c0_i32_1 = arith.constant 0 : i32
    return %c0_i32, %c0_i32_0 : i32, i32
  }
  func.func @transform_11(%arg0: i32) -> (i32, i32) {
    %c0_i32 = arith.constant 0 : i32
    %c0_i32_0 = arith.constant 0 : i32
    %c0_i32_1 = arith.constant 0 : i32
    return %c0_i32, %c0_i32_0 : i32, i32
  }
  func.func @transform_12(%arg0: i32) -> (i32, i32) {
    %c0_i32 = arith.constant 0 : i32
    %c0_i32_0 = arith.constant 0 : i32
    %c0_i32_1 = arith.constant 0 : i32
    return %c0_i32, %c0_i32_0 : i32, i32
  }
  func.func @transform_13(%arg0: i32) -> (i32, i32) {
    %c0_i32 = arith.constant 0 : i32
    %c0_i32_0 = arith.constant 0 : i32
    %c0_i32_1 = arith.constant 0 : i32
    return %c0_i32, %c0_i32_0 : i32, i32
  }
  func.func @transform_14(%arg0: i32) -> (i32, i32) {
    %c0_i32 = arith.constant 0 : i32
    %c0_i32_0 = arith.constant 0 : i32
    %c0_i32_1 = arith.constant 0 : i32
    return %c0_i32, %c0_i32_0 : i32, i32
  }
  func.func @transform_15(%arg0: i32) -> (i32, i32) {
    %c0_i32 = arith.constant 0 : i32
    %c0_i32_0 = arith.constant 0 : i32
    %c0_i32_1 = arith.constant 0 : i32
    return %c0_i32, %c0_i32_0 : i32, i32
  }
}

</mosaic_0001>

<sc_bundles>
// kernel: kernel.10.cloned.1.call-start
scs
__scs_entry_jumppad:
0x0: {  	(pc) =	sbr.rel $0x88, $3  }
0x1: {  	(tag) =	ssettag $0x0;
	lr =	simm.s32 $0x1  }
0x2: {  	[smem:$0x3F84] =	sst lr;
	_ =	strace $0xD0000000  }
0x3: {  	_ = 	snop  }
0x4: {  	_ = 	snop  }
0x5: {  	_ = 	snop  }
0x6: {  	_ = 	snop  }
0x7: {  	_ = 	snop  }
__scs_overlays_trampoline_lowered:
0x8: {  	[smem:$0x3F93] =	sst s0  }
0x9: {  	[smem:$0x3F94] =	sst s1  }
0xa: {  	[smem:$0x3F95] =	sst s2  }
0xb: {  	[smem:$0x3F96] =	sst s3  }
0xc: {  	[smem:$0x3F97] =	sst s4  }
0xd: {  	[smem:$0x3F98] =	sst s5  }
0xe: {  	[smem:$0x3F99] =	sst s6  }
0xf: {  	[smem:$0x3F9A] =	sst s7  }
0x10: {  	[smem:$0x3F9B] =	sst s8  }
0x11: {  	[smem:$0x3F9C] =	sst s9;
	s0 =	simm.s32 @!p0 $0x0  }
0x12: {  	s1 =	sld [smem:$0x3F82];
	s0 =	simm.s32 @p0 $0x1  }
0x13: {  	[smem:$0x3F9D] =	sst s0;
	s0 =	simm.s32 @!p1 $0x0  }
0x14: {  	s2 =	sld [smem:$0x3F81];
	s0 =	simm.s32 @p1 $0x1  }
0x15: {  	[smem:$0x3F9E] =	sst s0;
	s0 =	simm.s32 @!p2 $0x0  }
0x16: {  	s3 =	sld [smem:$0x3FDB];
	s0 =	simm.s32 @p2 $0x1  }
0x17: {  	s4 =	simm.s32 $0x1BF5;
	[smem:$0x3FA0] =	sst s0  }
0x18: {  	s0 =	sld [smem:$0x3F83];
	_ =	swait.ge [sflag:s4], $0x0  }
0x19: {  	s7 =	sld [smem:$0x3F84]  }
0x1a: {  	s8 =	sadd.s32 $0xFFFFE003, lr  }
0x1b: {  	s9 =	sadd.s32 $0xFFFFFEF7, lr;
	s5 =	simm.s32 $0xFFFFFFFF;
	p2 =	slt.u32 s8, $0xFFFFF086  }
0x1c: {  	p1 =	slt.u32 s9, $0xF7A;
	s5 =	simm.s32 @!p2 $0x0  }
0x1d: {  	s5 =	simm.s32 @p1 $0x1;
	p0 =	seq.s32 s7, s2  }
0x1e: {  	s7 =	smul.u32 @!p0 $0xF7A, s2;
	p2 =	seq.s32 @!p0 s5, $0x0  }
0x1f: {  	s9 =	smul.u32 $0xF7A, s1;
	s8 =	simm.s32 @!p0 $0x1BF5;
	p2 =	por !p2, p0  }
0x20: {  	[sflag:s8] =	ssyncset.s32 @!p0 $0xFFFFF086;
	s6 =	sadd.s32 @!p0 s3, s7;
	s7 =	simm.s32 @!p0 $0x108  }
0x21: {  	s3 =	sadd.s32 s3, s9;
	s6 =	sadd.s32 @!p0 $0x88, s6;
	s7 =	simm.s32 @p2 $0x1082  }
0x22: {  	[simem:s7], [sflag:s8] =	dma.local @!p0 [hbm:s6], $0xF7A  }
0x23: {  	s9 =	sor.u32 $0xD0000000, s2;
	s6 =	simm.s32 $0x108;
	_ =	swait.ge @!p0 [sflag:s8], $0x0  }
0x24: {  	s3 =	sadd.s32 $0x88, s3;
	s6 =	simm.s32 @!p1 $0x1082;
	[sflag:s4] =	ssyncset.s32 $0xFFFFF086  }
0x25: {  	[simem:s6], [sflag:s4] =	dma.local [hbm:s3], $0xF7A  }
0x26: {  	[smem:$0x3F84] =	sst s1;
	(tag) =	ssettag s2;
	_ =	strace s9  }
0x27: {  	s1 =	sld [smem:$0x3F94]  }
0x28: {  	s2 =	sld [smem:$0x3F95]  }
0x29: {  	s4 =	sld [smem:$0x3F97]  }
0x2a: {  	p0 =	seq.s32 s5, $0x0;
	s5 =	sld [smem:$0x3F98]  }
0x2b: {  	s6 =	sld [smem:$0x3F99]  }
0x2c: {  	s7 =	sld [smem:$0x3F9A]  }
0x2d: {  	s3 =	simm.s32 $0x108;
	s8 =	sld [smem:$0x3F9B]  }
0x2e: {  	s3 =	simm.s32 @!p0 $0x1082;
	s9 =	sld [smem:$0x3F9C]  }
0x2f: {  	lr =	sadd.s32 s0, s3;
	s0 =	sld [smem:$0x3F93]  }
0x30: {  	s3 =	sld [smem:$0x3F96]  }
0x31: {  	[smem:$0x3F9F] =	sst s10  }
0x32: {  	s10 =	sld [smem:$0x3F9D];
	_ =	sdelay $0x3  }
0x33: {  	p0 =	seq.s32 s10, $0x1;
	s10 =	sld [smem:$0x3F9F];
	_ =	sdelay $0x3  }
0x34: {  	[smem:$0x3F9F] =	sst s10  }
0x35: {  	s10 =	sld [smem:$0x3F9E];
	_ =	sdelay $0x3  }
0x36: {  	p1 =	seq.s32 s10, $0x1;
	s10 =	sld [smem:$0x3F9F];
	_ =	sdelay $0x3  }
0x37: {  	[smem:$0x3F9F] =	sst s10  }
0x38: {  	s10 =	sld [smem:$0x3FA0]  }
0x39: {  	_ = 	snop;
	(pc) =	sbr.ind lr, $3  }
0x3a: {  	_ = 	snop  }
0x3b: {  	_ = 	snop  }
0x3c: {  	p2 =	seq.s32 s10, $0x1;
	s10 =	sld [smem:$0x3F9F]  }
0x3d: {  	_ =	shalt  }
0x3e: {  	_ =	shalt  }
0x3f: {  	_ =	shalt  }
0x40: {  	_ =	shalt  }
0x41: {  	_ =	shalt  }
0x42: {  	_ =	shalt  }
0x43: {  	_ =	shalt  }
0x44: {  	_ =	shalt  }
0x45: {  	_ =	shalt  }
0x46: {  	_ =	shalt  }
0x47: {  	_ =	shalt  }
0x48: {  	_ =	shalt  }
0x49: {  	_ =	shalt  }
0x4a: {  	_ =	shalt  }
0x4b: {  	_ =	shalt  }
0x4c: {  	_ =	shalt  }
0x4d: {  	_ =	shalt  }
0x4e: {  	_ =	shalt  }
0x4f: {  	_ =	shalt  }
0x50: {  	_ =	shalt  }
0x51: {  	_ =	shalt  }
0x52: {  	_ =	shalt  }
0x53: {  	_ =	shalt  }
0x54: {  	_ =	shalt  }
0x55: {  	_ =	shalt  }
0x56: {  	_ =	shalt  }
0x57: {  	_ =	shalt  }
0x58: {  	_ =	shalt  }
0x59: {  	_ =	shalt  }
0x5a: {  	_ =	shalt  }
0x5b: {  	_ =	shalt  }
0x5c: {  	_ =	shalt  }
0x5d: {  	_ =	shalt  }
0x5e: {  	_ =	shalt  }
0x5f: {  	_ =	shalt  }
0x60: {  	_ =	shalt  }
0x61: {  	_ =	shalt  }
0x62: {  	_ =	shalt  }
0x63: {  	_ =	shalt  }
0x64: {  	_ =	shalt  }
0x65: {  	_ =	shalt  }
0x66: {  	_ =	shalt  }
0x67: {  	_ =	shalt  }
0x68: {  	_ =	shalt  }
0x69: {  	_ =	shalt  }
0x6a: {  	_ =	shalt  }
0x6b: {  	_ =	shalt  }
0x6c: {  	_ =	shalt  }
0x6d: {  	_ =	shalt  }
0x6e: {  	_ =	shalt  }
0x6f: {  	_ =	shalt  }
0x70: {  	_ =	shalt  }
0x71: {  	_ =	shalt  }
0x72: {  	_ =	shalt  }
0x73: {  	_ =	shalt  }
0x74: {  	_ =	shalt  }
0x75: {  	_ =	shalt  }
0x76: {  	_ =	shalt  }
0x77: {  	_ =	shalt  }
0x78: {  	_ =	shalt  }
0x79: {  	_ =	shalt  }
0x7a: {  	_ =	shalt  }
0x7b: {  	_ =	shalt  }
0x7c: {  	_ =	shalt  }
0x7d: {  	_ =	shalt  }
0x7e: {  	_ =	shalt  }
0x7f: {  	_ =	shalt  }
0x80: {  	_ =	shalt  }
0x81: {  	_ =	shalt  }
0x82: {  	_ =	shalt  }
0x83: {  	_ =	shalt  }
0x84: {  	_ =	shalt  }
0x85: {  	_ =	shalt  }
0x86: {  	_ =	shalt  }
0x87: {  	_ =	shalt  }
.Lfunc_end0:
.L_simem_size_0:
called_computation_lowered:
.L_overlay_start_0:
0x88: {  	s2 =	sld [smem:$0x3FD9]  }
0x89: {  	s3 =	sld [smem:$0x3FFE];
	_ =	sdelay $0x1  }
0x8a: {  	s1 =	srdreg.scid  }
0x8b: {  	s0 =	sand.u32 $0x1, s1  }
0x8c: {  	s17 =	sshll.u32 s0, $0xA;
	s2 =	sadd.s32 s3, s2  }
0x8d: {  	s2 =	sadd.s32 s2, s17  }
0x8e: {  	[smem:$0x3FAB] =	sst s2  }
0x8f: {  	_ = 	snop  }
0x90: {  	(tm) =	ssettm $0x1  }
0x91: {  	s18 =	sld [smem:$0x3FFB];
	_ =	sdelay $0x3  }
0x92: {  	_ =	strace s18  }
0x93: {  	s2 =	sld [smem:$0x3FFC];
	_ =	sdelay $0x3  }
0x94: {  	_ =	strace s2  }
0x95: {  	s2 =	sld [smem:$0x3FFD];
	_ =	sdelay $0x3  }
0x96: {  	_ =	strace s2  }
0x97: {  	_ =	strace $0x8FFFFFFF  }
0x98: {  	s19 =	sld [smem:$0x3FDB];
	_ =	sdelay $0x1  }
0x99: {  	s20 =	simm.s32 $_scs_section_size  }
0x9a: {  	s4 =	simm.s32 $_size__tile_overlayer_lowered;
	s5 =	simm.s32 $_tile_overlayer_lowered  }
0x9b: {  	s6 =	simm.s32 $0x1BFF;
	s21 =	sshll.u32 s5, $0x1;
	s3 =	sadd.s32 s20, s19  }
0x9c: {  	s22 =	simm.s32 $0x0;
	s4 =	sshll.u32 s4, $0x1;
	s5 =	sadd.s32 s21, s3  }
0x9d: {  	[timem:s22], [sflag:s6] =	dma.local [hbm:s5], s4  }
0x9e: {  	_ =	swait.ge [sflag:s6], s4  }
0x9f: {  	s4 =	ssub.s32 $0x0, s4;
	[sflag:s6] =	ssyncset.done $0x0  }
0xa0: {  	[sflag:s6] =	ssyncadd.s32 s4;
	_ =	sdelay $0x1  }
0xa1: {  	s23 =	simm.s32 $0x1B8B  }
0xa2: {  	_ =	swait.ge [sflag:s23], $0x1  }
0xa3: {  	[sflag:s23] =	ssyncset.done $0x0  }
0xa4: {  	[sflag:s23] =	ssyncadd.s32 $0xFFFFFFFF  }
0xa5: {  	s4 =	sld [smem:$0x0]  }
0xa6: {  	s5 =	sand.u32 $0xFFFFFFFE, s1  }
0xa7: {  	p0 =	sne.s32 s1, s5  }
0xa8: {  	s5 =	sshll.u32 @p0 s5, $0xE  }
0xa9: {  	s5 =	sadd.s32 @p0 $0x11B8D, s5;
	s6 =	sshll.u32 @p0 s4, $0x11  }
0xaa: {  	s5 =	sor.u32 @p0 s6, s5  }
0xab: {  	[sflag:s5] =	ssyncadd.remote.s32 @p0 $0x1;
	_ =	sdelay $0x1  }
0xac: {  	s5 =	simm.s32 @p0 $0x1B8D  }
0xad: {  	_ =	swait.eq @p0 [sflag:s5], $0x1  }
0xae: {  	[sflag:s5] =	ssyncadd.s32 @p0 $0xFFFFFFFF  }
0xaf: {  	s6 =	sshll.u32 @!p0 s1, $0xE  }
0xb0: {  	s6 =	sor.u32 @!p0 $0x4000, s6;
	s5 =	simm.s32 @!p0 $0x1B8D  }
0xb1: {  	s4 =	sshll.u32 @!p0 s4, $0x11;
	s6 =	sadd.s32 @!p0 $0x11B8D, s6;
	_ =	swait.eq @!p0 [sflag:s5], $0x1  }
0xb2: {  	s4 =	sor.u32 @!p0 s4, s6;
	[sflag:s5] =	ssyncadd.s32 @!p0 $0xFFFFFFFF  }
0xb3: {  	s25 =	simm.s32 $0x1B8E;
	s24 =	sld [smem:$0x3FFE];
	[sflag:s4] =	ssyncadd.remote.s32 @!p0 $0x1  }
0xb4: {  	s26 =	simm.s32 $execute0_lowered;
	[smem:$0x3FD2] =	sst s25  }
0xb5: {  	s5 =	sshll.u32 s26, $0x1;
	_ =	strace $0x80000049;
	[dreg:$0x1] =	wrdreg $0xFFFFFFFF  }
0xb6: {  	s28 =	simm.s32 $_size_execute0_lowered;
	s3 =	sadd.s32 s3, s5;
	[dreg:$0x0] =	wrdreg $0x0  }
0xb7: {  	s5 =	sshll.u32 s28, $0x1;
	[dreg:$0x2] =	wrdreg s3  }
0xb8: {  	[dreg:$0x3] =	wrdreg s5  }
0xb9: {  	[dreg:$0x4] =	wrdreg $0xC0  }
0xba: {  	_ =	task [dreg:s22], $0x5FFFF  }
0xbb: {  	[dreg:$0x1] =	wrdreg $0xFFFFFFFF  }
0xbc: {  	[dreg:$0x0] =	wrdreg $0x60  }
0xbd: {  	[dreg:$0x2] =	wrdreg s24  }
0xbe: {  	[dreg:$0x3] =	wrdreg $0x47400  }
0xbf: {  	[dreg:$0x4] =	wrdreg $0x9  }
0xc0: {  	_ =	task.clear_ibuf [dreg:s22], $0x5FFFF;
	_ =	strace $0x90000049  }
0xc1: {  	s29 =	simm.s32 $0x9;
	_ =	strace $0x8000004B  }
0xc2: {  	_ =	swait.ge [sflag:s29], $0x1  }
0xc3: {  	[sflag:s29] =	ssyncadd.s32 $0xFFFFFFFF  }
0xc4: {  	_ =	strace $0x9000004B  }
0xc5: {  	_ =	sfence  }
0xc6: {  	s30 =	sld [smem:$0x0];
	_ =	sdelay $0x2  }
0xc7: {  	s31 =	sshll.u32 s1, $0xD;
	s1 =	sshrl.u32 s1, $0x2  }
0xc8: {  	s4 =	sand.u32 $0x4000, s31;
	s1 =	sadd.s32 s1, s30  }
0xc9: {  	s0 =	sor.u32 s4, s0;
	s1 =	sshll.u32 s1, $0x11  }
0xca: {  	s0 =	sor.u32 s1, s0  }
0xcb: {  	s0 =	sadd.s32 $0x8F2B, s0  }
0xcc: {  	[sflag:s0] =	ssyncadd.remote.s32 $0x1  }
0xcd: {  	_ =	sfence.sel $0xFFFF  }
0xce: {  	[dreg:$0x0] =	wrdreg $0xFFFFFFFF;
	(pc) =	sbr.abs _section_cstart, $3  }
0xcf: {  	[dreg:$0x1] =	wrdreg $0xFFFFFFFF  }
0xd0: {  	_ =	task.clear_ibuf [dreg:s22], $0x2FFFF;
	_ =	strace $0x9FFFFFFF  }
0xd1: {  	(tm) =	ssettm $0x7FFFFFFF  }
tec
execute0_lowered:
.L_overlay_start_1:
0x0: {  	(tag) =	ssettag $0x1  }
0x1: {  	s0 =	srdreg.scid;
	s1 =	rddreg [dreg:$0x0]  }
0x2: {  	s13 =	stileid.u32;
	s2 =	rddreg [dreg:$0x1]  }
0x3: {  	s28 =	simm.s32 $0x2;
	s29 =	simm.s32 $0x4;
	s30 =	simm.s32 $0x5  }
0x4: {  	s31 =	simm.s32 $0x6;
	s0 =	sand.u32 $0x1, s0;
	s9 =	smul.u32 $0x2700, s13  }
0x5: {  	s4 =	sadd.s32 $0x57C200, s1;
	s16 =	sshll.u32 s13, $0x6;
	s18 =	smul.u32 $0x27100, s13  }
0x6: {  	s14 =	sadd.s32 $0x27000, s2;
	p0 =	sne.s32 s13, $0xF;
	s12 =	smul.u32 $0x27100, s0  }
0x7: {  	s3 =	sshll.u32 s0, $0x4;
	s8 =	ssub.s32 $0x2, s0;
	s0 =	smul.u32 $0x271000, s0  }
0x8: {  	s6 =	sor.u32 s13, s3;
	s3 =	simm.s32 $0x0;
	s10 =	sshrl.u32 s8, $0x1  }
0x9: {  	s15 =	sadd.s32 s9, s2;
	s5 =	smul.u32 $0x500, s6;
	[smem:$0x7FF] =	sst s3  }
0xa: {  	s11 =	smul.u32 $0x27100, s6;
	s8 =	ssub.s32 s8, s10;
	s6 =	sor.u32 $0x1C09, s16  }
0xb: {  	s9 =	sadd.s32 s9, s12;
	s19 =	sshrl.u32 s12, $0x3;
	s0 =	sadd.s32 s18, s0  }
0xc: {  	s18 =	sshrl.u32 s15, $0x3;
	_ =	strace $0x8000004A;
	s9 =	sshrl.u32 s9, $0x3  }
0xd: {  	s21 =	sadd.s32 $0x2EE0, s0;
	s22 =	smax.u32 s8, $0x1;
	s23 =	sadd.s32 $0x2710, s0  }
0xe: {  	s25 =	sadd.s32 $0x1770, s0;
	s0 =	sadd.s32 $0x1F40, s0;
	s8 =	simm.s32 $0x0  }
0xf: {  	s7 =	sadd.s32 s5, s1;
	s5 =	sadd.s32 $0x7C200, s1;
	s1 =	sadd.s32 $0x7C800, s1  }
0x10: {  	s11 =	sshrl.u32 s11, $0x3;
	[dreg:$0x9] =	wrdreg s22;
	s24 =	sshrl.u32 s23, $0x3  }
0x11: {  	[dreg:$0xc] =	wrdreg s0;
	s26 =	sshrl.u32 s25, $0x3;
	s7 =	sadd.s32 $0x5000, s7  }
0x12: {  	s22 =	simm.s32 $0x2FD0;
	s11 =	sadd.s32 s4, s11;
	[dreg:$0x4] =	wrdreg s7  }
0x13: {  	s23 =	simm.s32 $0x37A0;
	s0 =	sadd.s32 s26, s4;
	[dreg:$0x3] =	wrdreg s11  }
0x14: {  	s25 =	simm.s32 $0x7D;
	s17 =	sadd.s32 $0xFA, s11;
	[dreg:$0xd] =	wrdreg s0  }
0x15: {  	s26 =	simm.s32 $0x3F70;
	s11 =	sadd.s32 $0x1F4, s11;
	[dreg:$0x5] =	wrdreg s17  }
0x16: {  	s0 =	simm.s32 $0x8;
	[dreg:$0x6] =	wrdreg s11;
	s11 =	sadd.s32 s1, s19  }
.Ltmp0:
0x17: {  	s1 =	sadd.s32 s1, s9;
	s19 =	simm.s32 $0x9;
	(pc) =	sbr.rel .LBB2_1-.Ltmp0, $4  }
0x18: {  	[dreg:$0x7] =	wrdreg s1;
	s20 =	sadd.s32 $0x4E00, s11;
	s1 =	sshrl.u32 s21, $0x3  }
0x19: {  	s21 =	simm.s32 $0x2800;
	[dreg:$0x8] =	wrdreg s20;
	s1 =	sadd.s32 s1, s4  }
0x1a: {  	s20 =	sshrl.u32 @!p0 s14, $0x3;
	[dreg:$0xa] =	wrdreg s1;
	s1 =	sadd.s32 s24, s4  }
0x1b: {  	s24 =	simm.s32 $0x1;
	[dreg:$0xb] =	wrdreg s1;
	s1 =	simm.s32 $0x7  }
.LBB2_4:
0x1c: {  	_ =	swait.ge [sflag:s30], $0x7D0  }
0x1d: {  	[sflag:s30] =	ssyncset.done $0x0  }
0x1e: {  	[sflag:s30] =	ssyncadd.s32 $0xFFFFF830  }
0x1f: {  	_ =	swait.ge [sflag:s31], $0x7D0  }
0x20: {  	[sflag:s31] =	ssyncset.done $0x0  }
0x21: {  	[sflag:s31] =	ssyncadd.s32 $0xFFFFF830  }
0x22: {  	_ =	swait.ge [sflag:s1], $0x7D0  }
0x23: {  	[sflag:s1] =	ssyncset.done $0x0  }
0x24: {  	[sflag:s1] =	ssyncadd.s32 $0xFFFFF830  }
0x25: {  	_ =	swait.ge [sflag:s0], $0x7D0  }
0x26: {  	[sflag:s0] =	ssyncset.done $0x0  }
0x27: {  	[sflag:s0] =	ssyncadd.s32 $0xFFFFF830  }
0x28: {  	[bflag:$0x0] =	sbarrier.arrive $0xFFFF  }
0x29: {  	s7 =	rddreg [dreg:$0x7]  }
0x2a: {  	[hbm:s7], [sflag:s6] =	dma.local [spmem:s18], $0x4E0  }
0x2b: {  	_ =	swait.ge [sflag:s19], $0x4E0  }
0x2c: {  	[sflag:s19] =	ssyncset.done $0x0  }
0x2d: {  	s7 =	rddreg [dreg:$0x8];
	[sflag:s19] =	ssyncadd.s32 $0xFFFFFB20  }
0x2e: {  	[hbm:s7], [sflag:s6] =	dma.local @!p0 [spmem:s20], $0x20  }
0x2f: {  	s7 =	simm.s32 @!p0 $0x9  }
0x30: {  	_ =	swait.ge @!p0 [sflag:s7], $0x20  }
0x31: {  	s8 =	sadd.s32 $0x1, s8;
	s9 =	rddreg [dreg:$0x9]  }
0x32: {  	p1 =	sne.s32 s8, s9  }
.Ltmp1:
0x33: {  	_ = 	snop;
	(pc) =	sbr.rel @!p1 .LBB2_5-.Ltmp1, $3  }
0x34: {  	_ =	sdelay $0x1  }
0x35: {  	[sflag:s7] =	ssyncset.done @!p0 $0x0  }
0x36: {  	[sflag:s7] =	ssyncadd.s32 @!p0 $0xFFFFFFE0  }
.LBB2_1:
0x37: {  	[spmem:s18], [sflag:s6] =	dma.local [hbm:s5], $0x4E0  }
0x38: {  	_ =	swait.ge [sflag:s19], $0x4E0  }
0x39: {  	[sflag:s19] =	ssyncset.done $0x0  }
0x3a: {  	s10 =	simm.s32 @!p0 $0x9;
	[sflag:s19] =	ssyncadd.s32 $0xFFFFFB20  }
0x3b: {  	[spmem:s20], [sflag:s6] =	dma.local @!p0 [hbm:s5], $0x20  }
0x3c: {  	_ =	swait.ge @!p0 [sflag:s10], $0x20  }
0x3d: {  	[sflag:s10] =	ssyncset.done @!p0 $0x0  }
0x3e: {  	s7 =	rddreg [dreg:$0x4];
	[sflag:s10] =	ssyncadd.s32 @!p0 $0xFFFFFFE0  }
0x3f: {  	[tilespmem:s3], [sflag:$0x9] =	stream.linear.gather [hbm4b:s7+s3], $0x2800, $0x38;
	[tilespmem:$0x6E50] =	vst v63  }
0x40: {  	_ =	swait.ge [sflag:s19], $0x2800  }
0x41: {  	[sflag:s19] =	ssyncset.done $0x0  }
0x42: {  	[sflag:s19] =	ssyncadd.s32 $0xFFFFD800  }
0x43: {  	[bflag:$0x0] =	sbarrier.arrive $0xFFFF  }
0x44: {  	s15 =	rddreg [dreg:$0x3]  }
0x45: {  	s16 =	rddreg [dreg:$0x5]  }
0x46: {  	s17 =	rddreg [dreg:$0x6]  }
0x47: {  	s14 =	rddreg [dreg:$0xa]  }
0x48: {  	[tilespmem:s21], [sflag:$0x1] =	stream.linear.gather [hbm4b:s15+s3], $0x7D0, $0x38;
	[tilespmem:$0x6E50] =	vst v63  }
0x49: {  	s15 =	rddreg [dreg:$0xb]  }
0x4a: {  	[tilespmem:s22], [sflag:$0x2] =	stream.linear.gather [hbm4b:s16+s3], $0x7D0, $0x38;
	[tilespmem:$0x6E50] =	vst v63  }
0x4b: {  	s16 =	rddreg [dreg:$0xc]  }
0x4c: {  	[tilespmem:s23], [sflag:$0x3] =	stream.linear.gather [hbm4b:s17+s3], $0x7D0, $0x38;
	[tilespmem:$0x6E50] =	vst v63  }
0x4d: {  	s10 =	simm.s32 $0x0;
	s17 =	rddreg [dreg:$0xd]  }
.LBB2_2:
0x4e: {  	_ =	swait.ge [sflag:s24], $0x7D0  }
0x4f: {  	p1 =	seq.s32 s10, $0x0;
	[sflag:s24] =	ssyncset.done $0x0  }
0x50: {  	s13 =	sshra.s32 s10, $0x2;
	s12 =	simm.s32 @!p1 $0x8;
	[sflag:s24] =	ssyncadd.s32 $0xFFFFF830  }
0x51: {  	[spmem:s2] =	stream.indirect.scatter.add.f32 [tilespmem:s21], [sflag:$0x5], $0x10, s13, s25, $0xb8;
	[tilespmem:$0x6E50] =	vst v63  }
0x52: {  	_ =	swait.ge @!p1 [sflag:s12], $0x7D0  }
0x53: {  	[sflag:s12] =	ssyncset.done @!p1 $0x0  }
0x54: {  	[sflag:s12] =	ssyncadd.s32 @!p1 $0xFFFFF830  }
0x55: {  	[tilespmem:s26], [sflag:$0x4] =	stream.linear.gather [hbm4b:s17+s3], $0x7D0, $0x38;
	[tilespmem:$0x6E50] =	vst v63  }
0x56: {  	_ =	swait.ge [sflag:s28], $0x7D0  }
0x57: {  	p1 =	seq.s32 s10, $0x9800;
	[sflag:s28] =	ssyncset.done $0x0  }
0x58: {  	s11 =	sadd.s32 $0x80, s13;
	s12 =	simm.s32 @p1 $0x3;
	[sflag:s28] =	ssyncadd.s32 $0xFFFFF830  }
0x59: {  	[spmem:s2] =	stream.indirect.scatter.add.f32 [tilespmem:s22], [sflag:$0x6], $0x10, s11, s25, $0xb8;
	[tilespmem:$0x6E50] =	vst v63  }
0x5a: {  	_ =	swait.ge @p1 [sflag:s12], $0x7D0  }
0x5b: {  	[sflag:s12] =	ssyncset.done @p1 $0x0  }
0x5c: {  	[sflag:s12] =	ssyncadd.s32 @p1 $0xFFFFF830;
	s12 =	sshra.s32 @p1 s10, $0x2  }
0x5d: {  	s7 =	simm.s32 @p1 $0x37A0;
	s11 =	simm.s32 @p1 $0x7D;
	s12 =	sadd.s32 @p1 $0x100, s12  }
0x5e: {  	[spmem:s2] =	stream.indirect.scatter.add.f32 @p1 [tilespmem:s7], [sflag:$0x7], $0x10, s12, s11, $0xb8;
	[tilespmem:$0x6E50] =	vst v63  }
0x5f: {  	s7 =	simm.s32 @!p1 $0x5  }
0x60: {  	_ =	swait.ge @!p1 [sflag:s7], $0x7D0  }
0x61: {  	[sflag:s7] =	ssyncset.done @!p1 $0x0  }
0x62: {  	[sflag:s7] =	ssyncadd.s32 @!p1 $0xFFFFF830;
	s7 =	sshrl.u32 @!p1 s16, $0x3  }
0x63: {  	s11 =	simm.s32 @!p1 $0x0;
	s12 =	simm.s32 @!p1 $0x2800;
	s7 =	sadd.s32 @!p1 s4, s7  }
0x64: {  	[tilespmem:s12], [sflag:$0x1] =	stream.linear.gather @!p1 [hbm4b:s7+s11], $0x7D0, $0x38;
	[tilespmem:$0x6E50] =	vst v63  }
0x65: {  	s7 =	simm.s32 @!p1 $0x3  }
0x66: {  	_ =	swait.ge @!p1 [sflag:s7], $0x7D0  }
0x67: {  	[sflag:s7] =	ssyncset.done @!p1 $0x0  }
0x68: {  	[sflag:s7] =	ssyncadd.s32 @!p1 $0xFFFFF830;
	s7 =	sshra.s32 @!p1 s10, $0x2  }
0x69: {  	s9 =	simm.s32 @!p1 $0x37A0;
	s12 =	simm.s32 @!p1 $0x7D;
	s7 =	sadd.s32 @!p1 $0x100, s7  }
0x6a: {  	[spmem:s2] =	stream.indirect.scatter.add.f32 @!p1 [tilespmem:s9], [sflag:$0x7], $0x10, s7, s12, $0xb8;
	[tilespmem:$0x6E50] =	vst v63  }
0x6b: {  	s7 =	simm.s32 @!p1 $0x6  }
0x6c: {  	_ =	swait.ge @!p1 [sflag:s7], $0x7D0  }
0x6d: {  	[sflag:s7] =	ssyncset.done @!p1 $0x0  }
0x6e: {  	[sflag:s7] =	ssyncadd.s32 @!p1 $0xFFFFF830;
	s7 =	simm.s32 @!p1 $0x2FD0  }
0x6f: {  	[tilespmem:s7], [sflag:$0x2] =	stream.linear.gather @!p1 [hbm4b:s15+s11], $0x7D0, $0x38;
	[tilespmem:$0x6E50] =	vst v63  }
.Ltmp2:
0x70: {  	_ = 	snop;
	(pc) =	sbr.rel @p1 .LBB2_4-.Ltmp2, $4  }
0x71: {  	_ =	swait.ge [sflag:s29], $0x7D0  }
0x72: {  	[sflag:s29] =	ssyncset.done $0x0  }
0x73: {  	s13 =	sadd.s32 $0x180, s13;
	[sflag:s29] =	ssyncadd.s32 $0xFFFFF830  }
0x74: {  	[spmem:s2] =	stream.indirect.scatter.add.f32 [tilespmem:s26], [sflag:$0x8], $0x10, s13, s25, $0xb8;
	[tilespmem:$0x6E50] =	vst v63  }
.Ltmp3:
0x75: {  	_ =	swait.ge [sflag:s1], $0x7D0;
	(pc) =	sbr.rel .LBB2_2-.Ltmp3, $4  }
0x76: {  	[sflag:s1] =	ssyncset.done $0x0  }
0x77: {  	s15 =	sadd.s32 $0x3E8, s15;
	s16 =	sadd.s32 $0x1F40, s16;
	[sflag:s1] =	ssyncadd.s32 $0xFFFFF830  }
0x78: {  	[tilespmem:s23], [sflag:$0x3] =	stream.linear.gather [hbm4b:s14+s3], $0x7D0, $0x38;
	[tilespmem:$0x6E50] =	vst v63  }
0x79: {  	s10 =	sadd.s32 $0x800, s10;
	s17 =	sadd.s32 $0x3E8, s17;
	s14 =	sadd.s32 $0x3E8, s14  }
.LBB2_5:
0x7a: {  	_ =	sfence.sel $0x180000  }
0x7b: {  	[bflag:$0x0] =	sbarrier.arrive $0xFFFF  }
0x7c: {  	_ =	strace $0x9000004A  }
0x7d: {  	s0 =	stileid.u32;
	[bflag:$0x2] =	sbarrier.arrive $0xFFFF  }
0x7e: {  	p0 =	sne.s32 s0, $0x0;
	s0 =	rddreg [dreg:$0x2]  }
0x7f: {  	s0 =	sadd.s32 @!p0 $0x100000, s0  }
0x80: {  	[sflag:s0] =	ssyncadd.tile.s32 @!p0 $0x1;
	_ =	shalt  }
.Lfunc_end2:
_tile_overlayer_lowered:
.L_overlay_start_2:
0x81: {  	(tag) =	ssettag $0x2  }
0x82: {  	s0 =	rddreg [dreg:$0x0];
	s2 =	stileid.u32  }
0x83: {  	s1 =	rddreg [dreg:$0x1];
	p0 =	sne.s32 s2, $0x0  }
0x84: {  	s3 =	rddreg [dreg:$0x2];
	[bflag:$0x3] =	sbarrier.arrive $0xFFFF;
	s2 =	simm.s32 @!p0 $0x1C09  }
0x85: {  	[timem:s3], [sflag:s2] =	dma.local @!p0 [hbm:s0], s1  }
0x86: {  	s0 =	simm.s32 @!p0 $0x9  }
0x87: {  	_ =	swait.ge @!p0 [sflag:s0], s1  }
0x88: {  	s1 =	ssub.s32 @!p0 $0x0, s1;
	[sflag:s0] =	ssyncset.done @!p0 $0x0  }
0x89: {  	[sflag:s0] =	ssyncadd.s32 @!p0 s1  }
0x8a: {  	[bflag:$0x3] =	sbarrier.arrive $0xFFFF  }
0x8b: {  	_ =	shalt  }

// kernel: kernel.13.cloned.1.call-start
scs
__scs_entry_jumppad:
0x0: {  	(pc) =	sbr.rel $0x88, $3  }
0x1: {  	(tag) =	ssettag $0x0;
	lr =	simm.s32 $0x1  }
0x2: {  	[smem:$0x3F84] =	sst lr;
	_ =	strace $0xD0000000  }
0x3: {  	_ = 	snop  }
0x4: {  	_ = 	snop  }
0x5: {  	_ = 	snop  }
0x6: {  	_ = 	snop  }
0x7: {  	_ = 	snop  }
__scs_overlays_trampoline_lowered:
0x8: {  	[smem:$0x3F93] =	sst s0  }
0x9: {  	[smem:$0x3F94] =	sst s1  }
0xa: {  	[smem:$0x3F95] =	sst s2  }
0xb: {  	[smem:$0x3F96] =	sst s3  }
0xc: {  	[smem:$0x3F97] =	sst s4  }
0xd: {  	[smem:$0x3F98] =	sst s5  }
0xe: {  	[smem:$0x3F99] =	sst s6  }
0xf: {  	[smem:$0x3F9A] =	sst s7  }
0x10: {  	[smem:$0x3F9B] =	sst s8  }
0x11: {  	[smem:$0x3F9C] =	sst s9;
	s0 =	simm.s32 @!p0 $0x0  }
0x12: {  	s1 =	sld [smem:$0x3F82];
	s0 =	simm.s32 @p0 $0x1  }
0x13: {  	[smem:$0x3F9D] =	sst s0;
	s0 =	simm.s32 @!p1 $0x0  }
0x14: {  	s2 =	sld [smem:$0x3F81];
	s0 =	simm.s32 @p1 $0x1  }
0x15: {  	[smem:$0x3F9E] =	sst s0;
	s0 =	simm.s32 @!p2 $0x0  }
0x16: {  	s3 =	sld [smem:$0x3FDB];
	s0 =	simm.s32 @p2 $0x1  }
0x17: {  	s4 =	simm.s32 $0x1BF5;
	[smem:$0x3FA0] =	sst s0  }
0x18: {  	s0 =	sld [smem:$0x3F83];
	_ =	swait.ge [sflag:s4], $0x0  }
0x19: {  	s7 =	sld [smem:$0x3F84]  }
0x1a: {  	s8 =	sadd.s32 $0xFFFFE003, lr  }
0x1b: {  	s9 =	sadd.s32 $0xFFFFFEF7, lr;
	s5 =	simm.s32 $0xFFFFFFFF;
	p2 =	slt.u32 s8, $0xFFFFF086  }
0x1c: {  	p1 =	slt.u32 s9, $0xF7A;
	s5 =	simm.s32 @!p2 $0x0  }
0x1d: {  	s5 =	simm.s32 @p1 $0x1;
	p0 =	seq.s32 s7, s2  }
0x1e: {  	s7 =	smul.u32 @!p0 $0xF7A, s2;
	p2 =	seq.s32 @!p0 s5, $0x0  }
0x1f: {  	s9 =	smul.u32 $0xF7A, s1;
	s8 =	simm.s32 @!p0 $0x1BF5;
	p2 =	por !p2, p0  }
0x20: {  	[sflag:s8] =	ssyncset.s32 @!p0 $0xFFFFF086;
	s6 =	sadd.s32 @!p0 s3, s7;
	s7 =	simm.s32 @!p0 $0x108  }
0x21: {  	s3 =	sadd.s32 s3, s9;
	s6 =	sadd.s32 @!p0 $0x88, s6;
	s7 =	simm.s32 @p2 $0x1082  }
0x22: {  	[simem:s7], [sflag:s8] =	dma.local @!p0 [hbm:s6], $0xF7A  }
0x23: {  	s9 =	sor.u32 $0xD0000000, s2;
	s6 =	simm.s32 $0x108;
	_ =	swait.ge @!p0 [sflag:s8], $0x0  }
0x24: {  	s3 =	sadd.s32 $0x88, s3;
	s6 =	simm.s32 @!p1 $0x1082;
	[sflag:s4] =	ssyncset.s32 $0xFFFFF086  }
0x25: {  	[simem:s6], [sflag:s4] =	dma.local [hbm:s3], $0xF7A  }
0x26: {  	[smem:$0x3F84] =	sst s1;
	(tag) =	ssettag s2;
	_ =	strace s9  }
0x27: {  	s1 =	sld [smem:$0x3F94]  }
0x28: {  	s2 =	sld [smem:$0x3F95]  }
0x29: {  	s4 =	sld [smem:$0x3F97]  }
0x2a: {  	p0 =	seq.s32 s5, $0x0;
	s5 =	sld [smem:$0x3F98]  }
0x2b: {  	s6 =	sld [smem:$0x3F99]  }
0x2c: {  	s7 =	sld [smem:$0x3F9A]  }
0x2d: {  	s3 =	simm.s32 $0x108;
	s8 =	sld [smem:$0x3F9B]  }
0x2e: {  	s3 =	simm.s32 @!p0 $0x1082;
	s9 =	sld [smem:$0x3F9C]  }
0x2f: {  	lr =	sadd.s32 s0, s3;
	s0 =	sld [smem:$0x3F93]  }
0x30: {  	s3 =	sld [smem:$0x3F96]  }
0x31: {  	[smem:$0x3F9F] =	sst s10  }
0x32: {  	s10 =	sld [smem:$0x3F9D];
	_ =	sdelay $0x3  }
0x33: {  	p0 =	seq.s32 s10, $0x1;
	s10 =	sld [smem:$0x3F9F];
	_ =	sdelay $0x3  }
0x34: {  	[smem:$0x3F9F] =	sst s10  }
0x35: {  	s10 =	sld [smem:$0x3F9E];
	_ =	sdelay $0x3  }
0x36: {  	p1 =	seq.s32 s10, $0x1;
	s10 =	sld [smem:$0x3F9F];
	_ =	sdelay $0x3  }
0x37: {  	[smem:$0x3F9F] =	sst s10  }
0x38: {  	s10 =	sld [smem:$0x3FA0]  }
0x39: {  	_ = 	snop;
	(pc) =	sbr.ind lr, $3  }
0x3a: {  	_ = 	snop  }
0x3b: {  	_ = 	snop  }
0x3c: {  	p2 =	seq.s32 s10, $0x1;
	s10 =	sld [smem:$0x3F9F]  }
0x3d: {  	_ =	shalt  }
0x3e: {  	_ =	shalt  }
0x3f: {  	_ =	shalt  }
0x40: {  	_ =	shalt  }
0x41: {  	_ =	shalt  }
0x42: {  	_ =	shalt  }
0x43: {  	_ =	shalt  }
0x44: {  	_ =	shalt  }
0x45: {  	_ =	shalt  }
0x46: {  	_ =	shalt  }
0x47: {  	_ =	shalt  }
0x48: {  	_ =	shalt  }
0x49: {  	_ =	shalt  }
0x4a: {  	_ =	shalt  }
0x4b: {  	_ =	shalt  }
0x4c: {  	_ =	shalt  }
0x4d: {  	_ =	shalt  }
0x4e: {  	_ =	shalt  }
0x4f: {  	_ =	shalt  }
0x50: {  	_ =	shalt  }
0x51: {  	_ =	shalt  }
0x52: {  	_ =	shalt  }
0x53: {  	_ =	shalt  }
0x54: {  	_ =	shalt  }
0x55: {  	_ =	shalt  }
0x56: {  	_ =	shalt  }
0x57: {  	_ =	shalt  }
0x58: {  	_ =	shalt  }
0x59: {  	_ =	shalt  }
0x5a: {  	_ =	shalt  }
0x5b: {  	_ =	shalt  }
0x5c: {  	_ =	shalt  }
0x5d: {  	_ =	shalt  }
0x5e: {  	_ =	shalt  }
0x5f: {  	_ =	shalt  }
0x60: {  	_ =	shalt  }
0x61: {  	_ =	shalt  }
0x62: {  	_ =	shalt  }
0x63: {  	_ =	shalt  }
0x64: {  	_ =	shalt  }
0x65: {  	_ =	shalt  }
0x66: {  	_ =	shalt  }
0x67: {  	_ =	shalt  }
0x68: {  	_ =	shalt  }
0x69: {  	_ =	shalt  }
0x6a: {  	_ =	shalt  }
0x6b: {  	_ =	shalt  }
0x6c: {  	_ =	shalt  }
0x6d: {  	_ =	shalt  }
0x6e: {  	_ =	shalt  }
0x6f: {  	_ =	shalt  }
0x70: {  	_ =	shalt  }
0x71: {  	_ =	shalt  }
0x72: {  	_ =	shalt  }
0x73: {  	_ =	shalt  }
0x74: {  	_ =	shalt  }
0x75: {  	_ =	shalt  }
0x76: {  	_ =	shalt  }
0x77: {  	_ =	shalt  }
0x78: {  	_ =	shalt  }
0x79: {  	_ =	shalt  }
0x7a: {  	_ =	shalt  }
0x7b: {  	_ =	shalt  }
0x7c: {  	_ =	shalt  }
0x7d: {  	_ =	shalt  }
0x7e: {  	_ =	shalt  }
0x7f: {  	_ =	shalt  }
0x80: {  	_ =	shalt  }
0x81: {  	_ =	shalt  }
0x82: {  	_ =	shalt  }
0x83: {  	_ =	shalt  }
0x84: {  	_ =	shalt  }
0x85: {  	_ =	shalt  }
0x86: {  	_ =	shalt  }
0x87: {  	_ =	shalt  }
.Lfunc_end0:
.L_simem_size_0:
called_computation.1_lowered:
.L_overlay_start_0:
0x88: {  	s2 =	sld [smem:$0x3FD9]  }
0x89: {  	s3 =	sld [smem:$0x3FFE];
	_ =	sdelay $0x1  }
0x8a: {  	s1 =	srdreg.scid  }
0x8b: {  	s0 =	sand.u32 $0x1, s1  }
0x8c: {  	s16 =	sshll.u32 s0, $0xA;
	s2 =	sadd.s32 s3, s2  }
0x8d: {  	s2 =	sadd.s32 s2, s16  }
0x8e: {  	[smem:$0x3FAB] =	sst s2  }
0x8f: {  	_ = 	snop  }
0x90: {  	(tm) =	ssettm $0x1  }
0x91: {  	s17 =	sld [smem:$0x3FFB];
	_ =	sdelay $0x3  }
0x92: {  	_ =	strace s17  }
0x93: {  	s2 =	sld [smem:$0x3FFC];
	_ =	sdelay $0x3  }
0x94: {  	_ =	strace s2  }
0x95: {  	s2 =	sld [smem:$0x3FFD];
	_ =	sdelay $0x3  }
0x96: {  	_ =	strace s2  }
0x97: {  	_ =	strace $0x8FFFFFFF  }
0x98: {  	s18 =	sld [smem:$0x3FDB];
	_ =	sdelay $0x1  }
0x99: {  	s19 =	simm.s32 $_scs_section_size  }
0x9a: {  	s4 =	simm.s32 $_size__tile_overlayer_lowered;
	s5 =	simm.s32 $_tile_overlayer_lowered  }
0x9b: {  	s22 =	simm.s32 $0x1BFF;
	s21 =	sshll.u32 s5, $0x1;
	s2 =	sadd.s32 s19, s18  }
0x9c: {  	s6 =	simm.s32 $0x0;
	s20 =	sshll.u32 s4, $0x1;
	s4 =	sadd.s32 s21, s2  }
0x9d: {  	[timem:s6], [sflag:s22] =	dma.local [hbm:s4], s20  }
0x9e: {  	_ =	swait.ge [sflag:s22], s20  }
0x9f: {  	s3 =	ssub.s32 $0x0, s20;
	[sflag:s22] =	ssyncset.done $0x0  }
0xa0: {  	[sflag:s22] =	ssyncadd.s32 s3;
	_ =	sdelay $0x1  }
0xa1: {  	s23 =	simm.s32 $0x1B8B  }
0xa2: {  	_ =	swait.ge [sflag:s23], $0x1  }
0xa3: {  	[sflag:s23] =	ssyncset.done $0x0  }
0xa4: {  	s25 =	simm.s32 $0x1B8E;
	s24 =	sld [smem:$0x3FFE];
	[sflag:s23] =	ssyncadd.s32 $0xFFFFFFFF  }
0xa5: {  	s26 =	simm.s32 $execute0_lowered;
	[smem:$0x3FD2] =	sst s25  }
0xa6: {  	s4 =	sshll.u32 s26, $0x1;
	_ =	strace $0x80000046;
	[dreg:$0x1] =	wrdreg $0xFFFFFFFF  }
0xa7: {  	s28 =	simm.s32 $_size_execute0_lowered;
	s2 =	sadd.s32 s2, s4;
	[dreg:$0x0] =	wrdreg $0x0  }
0xa8: {  	s4 =	sshll.u32 s28, $0x1;
	[dreg:$0x2] =	wrdreg s2  }
0xa9: {  	[dreg:$0x3] =	wrdreg s4  }
0xaa: {  	[dreg:$0x4] =	wrdreg $0xC0  }
0xab: {  	_ =	task [dreg:s6], $0x5FFFF  }
0xac: {  	[dreg:$0x1] =	wrdreg $0xFFFFFFFF  }
0xad: {  	[dreg:$0x0] =	wrdreg $0x60  }
0xae: {  	[dreg:$0x2] =	wrdreg s24  }
0xaf: {  	[dreg:$0x3] =	wrdreg $0xCD000  }
0xb0: {  	[dreg:$0x4] =	wrdreg $0xA  }
0xb1: {  	_ =	task.clear_ibuf [dreg:s6], $0x5FFFF;
	_ =	strace $0x90000046  }
0xb2: {  	s29 =	simm.s32 $0xA;
	_ =	strace $0x80000048  }
0xb3: {  	_ =	swait.ge [sflag:s29], $0x1  }
0xb4: {  	[sflag:s29] =	ssyncadd.s32 $0xFFFFFFFF  }
0xb5: {  	_ =	strace $0x90000048  }
0xb6: {  	_ =	sfence  }
0xb7: {  	s30 =	sld [smem:$0x0];
	_ =	sdelay $0x2  }
0xb8: {  	s31 =	sshll.u32 s1, $0xD;
	s1 =	sshrl.u32 s1, $0x2  }
0xb9: {  	s3 =	sand.u32 $0x4000, s31;
	s1 =	sadd.s32 s1, s30  }
0xba: {  	s0 =	sor.u32 s3, s0;
	s1 =	sshll.u32 s1, $0x11  }
0xbb: {  	s0 =	sor.u32 s1, s0  }
0xbc: {  	s0 =	sadd.s32 $0x8F2B, s0  }
0xbd: {  	[sflag:s0] =	ssyncadd.remote.s32 $0x1  }
0xbe: {  	_ =	sfence.sel $0xFFFF  }
0xbf: {  	[dreg:$0x0] =	wrdreg $0xFFFFFFFF;
	(pc) =	sbr.abs _section_cstart, $3  }
0xc0: {  	[dreg:$0x1] =	wrdreg $0xFFFFFFFF  }
0xc1: {  	_ =	task.clear_ibuf [dreg:s6], $0x2FFFF;
	_ =	strace $0x9FFFFFFF  }
0xc2: {  	(tm) =	ssettm $0x7FFFFFFF  }
0xc3: {  	_ =	shalt  }
tec
execute0_lowered:
.L_overlay_start_1:
0x0: {  	(tag) =	ssettag $0x1  }
0x1: {  	s0 =	srdreg.scid;
	s1 =	rddreg [dreg:$0x0]  }
0x2: {  	s13 =	stileid.u32;
	s2 =	rddreg [dreg:$0x1];
	s15 =	simm.s32 $0x2800  }
0x3: {  	s16 =	simm.s32 $0x7D;
	s17 =	simm.s32 $0x5000;
	s19 =	simm.s32 $0x6F40  }
0x4: {  	s21 =	simm.s32 $0x8E80;
	s28 =	simm.s32 $0x5;
	s30 =	simm.s32 $0x3  }
0x5: {  	s18 =	simm.s32 $0x4;
	s29 =	simm.s32 $0x8;
	s31 =	simm.s32 $0x0  }
0x6: {  	s0 =	sand.u32 $0x1, s0;
	s7 =	smul.u32 $0x9C00, s13;
	s22 =	sshll.u32 s13, $0x6  }
0x7: {  	s14 =	sadd.s32 $0x9C000, s2;
	p0 =	sne.s32 s13, $0xF;
	s3 =	sshll.u32 s0, $0x4  }
0x8: {  	s6 =	ssub.s32 $0x2, s0;
	s0 =	smul.u32 $0x9C400, s0;
	s14 =	sshrl.u32 @!p0 s14, $0x3  }
0x9: {  	s4 =	sor.u32 s13, s3;
	s3 =	simm.s32 $0x0;
	s9 =	sshrl.u32 s6, $0x1  }
0xa: {  	s12 =	sadd.s32 s7, s2;
	s13 =	simm.s32 $0x9;
	s5 =	smul.u32 $0x500, s4  }
0xb: {  	[smem:$0x7FF] =	sst s3;
	s4 =	sadd.s32 $0x40200, s1;
	s11 =	ssub.s32 s6, s9  }
0xc: {  	s6 =	sor.u32 $0x1C09, s22;
	s23 =	sadd.s32 s7, s0;
	s0 =	sshrl.u32 s0, $0x3  }
0xd: {  	s12 =	sshrl.u32 s12, $0x3;
	s22 =	simm.s32 $0x1;
	_ =	strace $0x80000047  }
0xe: {  	s9 =	sshrl.u32 s23, $0x3;
	s11 =	smax.u32 s11, $0x1;
	s8 =	sadd.s32 s5, s1  }
.Ltmp0:
0xf: {  	s5 =	sadd.s32 $0x53C00, s1;
	s24 =	sadd.s32 $0xF000, s8;
	(pc) =	sbr.rel .LBB2_1-.Ltmp0, $4  }
0x10: {  	s1 =	sadd.s32 $0x55000, s1;
	s25 =	sadd.s32 $0x5000, s8;
	[dreg:$0x3] =	wrdreg s24  }
0x11: {  	s23 =	simm.s32 $0x7;
	s26 =	sadd.s32 s1, s9;
	[dreg:$0x4] =	wrdreg s25  }
0x12: {  	s0 =	sadd.s32 s1, s0;
	s1 =	simm.s32 $0x6;
	[dreg:$0x5] =	wrdreg s26  }
0x13: {  	s10 =	sadd.s32 $0x13800, s0;
	s24 =	simm.s32 $0xADC0;
	s25 =	simm.s32 $0x2  }
.LBB2_4:
0x14: {  	_ =	swait.ge [sflag:s28], $0x1F40  }
0x15: {  	[sflag:s28] =	ssyncset.done $0x0  }
0x16: {  	[sflag:s28] =	ssyncadd.s32 $0xFFFFE0C0  }
0x17: {  	_ =	swait.ge [sflag:s1], $0x1F40  }
0x18: {  	[sflag:s1] =	ssyncset.done $0x0  }
0x19: {  	[sflag:s1] =	ssyncadd.s32 $0xFFFFE0C0  }
0x1a: {  	_ =	swait.ge [sflag:s23], $0x1F40  }
0x1b: {  	[sflag:s23] =	ssyncset.done $0x0  }
0x1c: {  	[sflag:s23] =	ssyncadd.s32 $0xFFFFE0C0  }
0x1d: {  	_ =	swait.ge [sflag:s29], $0x1F40  }
0x1e: {  	[sflag:s29] =	ssyncset.done $0x0  }
0x1f: {  	[sflag:s29] =	ssyncadd.s32 $0xFFFFE0C0  }
0x20: {  	[bflag:$0x0] =	sbarrier.arrive $0xFFFF  }
0x21: {  	s0 =	rddreg [dreg:$0x5]  }
0x22: {  	[hbm:s0], [sflag:s6] =	dma.local [spmem:s12], $0x1380  }
0x23: {  	s31 =	sadd.s32 $0x1, s31;
	_ =	swait.ge [sflag:s13], $0x1380  }
0x24: {  	p1 =	sne.s32 s31, s11;
	[sflag:s13] =	ssyncset.done $0x0  }
.Ltmp1:
0x25: {  	s0 =	simm.s32 @!p0 $0x9;
	[sflag:s13] =	ssyncadd.s32 $0xFFFFEC80;
	(pc) =	sbr.rel @!p1 .LBB2_5-.Ltmp1, $4  }
0x26: {  	[hbm:s10], [sflag:s6] =	dma.local @!p0 [spmem:s14], $0x80  }
0x27: {  	_ =	swait.ge @!p0 [sflag:s0], $0x80  }
0x28: {  	[sflag:s0] =	ssyncset.done @!p0 $0x0  }
0x29: {  	[sflag:s0] =	ssyncadd.s32 @!p0 $0xFFFFFF80  }
.LBB2_1:
0x2a: {  	[spmem:s12], [sflag:s6] =	dma.local [hbm:s5], $0x1380  }
0x2b: {  	_ =	swait.ge [sflag:s13], $0x1380  }
0x2c: {  	[sflag:s13] =	ssyncset.done $0x0  }
0x2d: {  	s0 =	simm.s32 @!p0 $0x9;
	[sflag:s13] =	ssyncadd.s32 $0xFFFFEC80  }
0x2e: {  	[spmem:s14], [sflag:s6] =	dma.local @!p0 [hbm:s5], $0x80  }
0x2f: {  	_ =	swait.ge @!p0 [sflag:s0], $0x80  }
0x30: {  	[sflag:s0] =	ssyncset.done @!p0 $0x0  }
0x31: {  	s26 =	rddreg [dreg:$0x3];
	[sflag:s0] =	ssyncadd.s32 @!p0 $0xFFFFFF80  }
0x32: {  	[tilespmem:s3], [sflag:$0x9] =	stream.linear.gather [hbm4b:s26+s3], $0x2800, $0x38;
	[tilespmem:$0x16940] =	vst v63  }
0x33: {  	_ =	swait.ge [sflag:s13], $0x2800  }
0x34: {  	[sflag:s13] =	ssyncset.done $0x0  }
0x35: {  	s7 =	rddreg [dreg:$0x4];
	[sflag:s13] =	ssyncadd.s32 $0xFFFFD800  }
0x36: {  	[tilespmem:s15], [sflag:$0x9] =	stream.linear.gather [hbm4b:s7+s3], $0x2800, $0x38;
	[tilespmem:$0x16940] =	vst v63  }
0x37: {  	_ =	swait.ge [sflag:s13], $0x2800  }
0x38: {  	[sflag:s13] =	ssyncset.done $0x0  }
0x39: {  	[sflag:s13] =	ssyncadd.s32 $0xFFFFD800  }
0x3a: {  	[bflag:$0x0] =	sbarrier.arrive $0xFFFF  }
0x3b: {  	[tilespmem:s17], [sflag:$0x1] =	stream.indirect.gather [hbm4b:s4+s16], $0x40, s3, s16, $0xb8;
	[tilespmem:$0x16940] =	vst v63  }
0x3c: {  	s8 =	simm.s32 $0x80  }
0x3d: {  	[tilespmem:s19], [sflag:$0x2] =	stream.indirect.gather [hbm4b:s4+s16], $0x40, s8, s16, $0xb8;
	[tilespmem:$0x16940] =	vst v63  }
0x3e: {  	s9 =	simm.s32 $0x100  }
0x3f: {  	[tilespmem:s21], [sflag:$0x3] =	stream.indirect.gather [hbm4b:s4+s16], $0x40, s9, s16, $0xb8;
	[tilespmem:$0x16940] =	vst v63  }
0x40: {  	_ =	swait.ge [sflag:s22], $0x1F40  }
0x41: {  	[sflag:s22] =	ssyncset.done $0x0  }
0x42: {  	[sflag:s22] =	ssyncadd.s32 $0xFFFFE0C0  }
0x43: {  	[spmem:s2] =	stream.indirect.scatter.add.f32 [tilespmem:s17], [sflag:$0x5], $0x40, s15, s16, $0xb8;
	[tilespmem:$0x16940] =	vst v63  }
0x44: {  	s20 =	simm.s32 $0x180  }
0x45: {  	[tilespmem:s24], [sflag:$0x4] =	stream.indirect.gather [hbm4b:s4+s16], $0x40, s20, s16, $0xb8;
	[tilespmem:$0x16940] =	vst v63  }
0x46: {  	_ =	swait.ge [sflag:s25], $0x1F40  }
0x47: {  	[sflag:s25] =	ssyncset.done $0x0  }
0x48: {  	s26 =	simm.s32 $0x2880;
	[sflag:s25] =	ssyncadd.s32 $0xFFFFE0C0  }
0x49: {  	[spmem:s2] =	stream.indirect.scatter.add.f32 [tilespmem:s19], [sflag:$0x6], $0x40, s26, s16, $0xb8;
	[tilespmem:$0x16940] =	vst v63  }
0x4a: {  	_ =	swait.ge [sflag:s28], $0x1F40  }
0x4b: {  	[sflag:s28] =	ssyncset.done $0x0  }
0x4c: {  	s7 =	simm.s32 $0x200;
	[sflag:s28] =	ssyncadd.s32 $0xFFFFE0C0  }
0x4d: {  	[tilespmem:s17], [sflag:$0x1] =	stream.indirect.gather [hbm4b:s4+s16], $0x40, s7, s16, $0xb8;
	[tilespmem:$0x16940] =	vst v63  }
0x4e: {  	_ =	swait.ge [sflag:s30], $0x1F40  }
0x4f: {  	[sflag:s30] =	ssyncset.done $0x0  }
0x50: {  	s8 =	simm.s32 $0x2900;
	[sflag:s30] =	ssyncadd.s32 $0xFFFFE0C0  }
0x51: {  	[spmem:s2] =	stream.indirect.scatter.add.f32 [tilespmem:s21], [sflag:$0x7], $0x40, s8, s16, $0xb8;
	[tilespmem:$0x16940] =	vst v63  }
0x52: {  	_ =	swait.ge [sflag:s1], $0x1F40  }
0x53: {  	[sflag:s1] =	ssyncset.done $0x0  }
0x54: {  	s9 =	simm.s32 $0x280;
	[sflag:s1] =	ssyncadd.s32 $0xFFFFE0C0  }
0x55: {  	[tilespmem:s19], [sflag:$0x2] =	stream.indirect.gather [hbm4b:s4+s16], $0x40, s9, s16, $0xb8;
	[tilespmem:$0x16940] =	vst v63  }
0x56: {  	_ =	swait.ge [sflag:s18], $0x1F40  }
0x57: {  	[sflag:s18] =	ssyncset.done $0x0  }
0x58: {  	s20 =	simm.s32 $0x2980;
	[sflag:s18] =	ssyncadd.s32 $0xFFFFE0C0  }
0x59: {  	[spmem:s2] =	stream.indirect.scatter.add.f32 [tilespmem:s24], [sflag:$0x8], $0x40, s20, s16, $0xb8;
	[tilespmem:$0x16940] =	vst v63  }
0x5a: {  	_ =	swait.ge [sflag:s23], $0x1F40  }
0x5b: {  	[sflag:s23] =	ssyncset.done $0x0  }
0x5c: {  	s0 =	simm.s32 $0x0;
	s26 =	simm.s32 $0x300;
	[sflag:s23] =	ssyncadd.s32 $0xFFFFE0C0  }
0x5d: {  	[tilespmem:s21], [sflag:$0x3] =	stream.indirect.gather [hbm4b:s4+s16], $0x40, s26, s16, $0xb8;
	[tilespmem:$0x16940] =	vst v63  }
.LBB2_2:
0x5e: {  	_ =	swait.ge [sflag:s22], $0x1F40  }
0x5f: {  	s20 =	sshra.s32 s0, $0x2;
	[sflag:s22] =	ssyncset.done $0x0  }
0x60: {  	s26 =	sadd.s32 $0x2A00, s20;
	[sflag:s22] =	ssyncadd.s32 $0xFFFFE0C0  }
0x61: {  	[spmem:s2] =	stream.indirect.scatter.add.f32 [tilespmem:s17], [sflag:$0x5], $0x40, s26, s16, $0xb8;
	[tilespmem:$0x16940] =	vst v63  }
0x62: {  	_ =	swait.ge [sflag:s29], $0x1F40  }
0x63: {  	[sflag:s29] =	ssyncset.done $0x0  }
0x64: {  	s8 =	sadd.s32 $0x380, s20;
	[sflag:s29] =	ssyncadd.s32 $0xFFFFE0C0  }
0x65: {  	[tilespmem:s24], [sflag:$0x4] =	stream.indirect.gather [hbm4b:s4+s16], $0x40, s8, s16, $0xb8;
	[tilespmem:$0x16940] =	vst v63  }
0x66: {  	_ =	swait.ge [sflag:s25], $0x1F40  }
0x67: {  	p1 =	seq.s32 s0, $0x9000;
	[sflag:s25] =	ssyncset.done $0x0  }
0x68: {  	s9 =	sadd.s32 $0x2A80, s20;
	s26 =	simm.s32 @p1 $0x3;
	[sflag:s25] =	ssyncadd.s32 $0xFFFFE0C0  }
0x69: {  	[spmem:s2] =	stream.indirect.scatter.add.f32 [tilespmem:s19], [sflag:$0x6], $0x40, s9, s16, $0xb8;
	[tilespmem:$0x16940] =	vst v63  }
0x6a: {  	_ =	swait.ge @p1 [sflag:s26], $0x1F40  }
0x6b: {  	[sflag:s26] =	ssyncset.done @p1 $0x0  }
0x6c: {  	[sflag:s26] =	ssyncadd.s32 @p1 $0xFFFFE0C0;
	s26 =	sshra.s32 @p1 s0, $0x2  }
0x6d: {  	s7 =	simm.s32 @p1 $0x7D;
	s8 =	simm.s32 @p1 $0x8E80;
	s26 =	sadd.s32 @p1 $0x2B00, s26  }
0x6e: {  	[spmem:s2] =	stream.indirect.scatter.add.f32 @p1 [tilespmem:s8], [sflag:$0x7], $0x40, s26, s7, $0xb8;
	[tilespmem:$0x16940] =	vst v63  }
0x6f: {  	s7 =	simm.s32 @!p1 $0x5  }
0x70: {  	_ =	swait.ge @!p1 [sflag:s7], $0x1F40  }
0x71: {  	[sflag:s7] =	ssyncset.done @!p1 $0x0  }
0x72: {  	[sflag:s7] =	ssyncadd.s32 @!p1 $0xFFFFE0C0;
	s7 =	sshra.s32 @!p1 s0, $0x2  }
0x73: {  	s9 =	simm.s32 @!p1 $0x5000;
	s26 =	simm.s32 @!p1 $0x7D;
	s8 =	sadd.s32 @!p1 $0x400, s7  }
0x74: {  	[tilespmem:s9], [sflag:$0x1] =	stream.indirect.gather @!p1 [hbm4b:s4+s26], $0x40, s8, s26, $0xb8;
	[tilespmem:$0x16940] =	vst v63  }
0x75: {  	s8 =	simm.s32 @!p1 $0x3  }
0x76: {  	_ =	swait.ge @!p1 [sflag:s8], $0x1F40  }
0x77: {  	[sflag:s8] =	ssyncset.done @!p1 $0x0  }
0x78: {  	s9 =	simm.s32 @!p1 $0x8E80;
	[sflag:s8] =	ssyncadd.s32 @!p1 $0xFFFFE0C0;
	s8 =	sadd.s32 @!p1 $0x2B00, s7  }
0x79: {  	[spmem:s2] =	stream.indirect.scatter.add.f32 @!p1 [tilespmem:s9], [sflag:$0x7], $0x40, s8, s26, $0xb8;
	[tilespmem:$0x16940] =	vst v63  }
0x7a: {  	s8 =	simm.s32 @!p1 $0x6  }
0x7b: {  	_ =	swait.ge @!p1 [sflag:s8], $0x1F40  }
0x7c: {  	[sflag:s8] =	ssyncset.done @!p1 $0x0  }
0x7d: {  	s7 =	sadd.s32 @!p1 $0x480, s7;
	[sflag:s8] =	ssyncadd.s32 @!p1 $0xFFFFE0C0;
	s8 =	simm.s32 @!p1 $0x6F40  }
0x7e: {  	[tilespmem:s8], [sflag:$0x2] =	stream.indirect.gather @!p1 [hbm4b:s4+s26], $0x40, s7, s26, $0xb8;
	[tilespmem:$0x16940] =	vst v63  }
.Ltmp2:
0x7f: {  	_ = 	snop;
	(pc) =	sbr.rel @p1 .LBB2_4-.Ltmp2, $4  }
0x80: {  	_ =	swait.ge [sflag:s18], $0x1F40  }
0x81: {  	[sflag:s18] =	ssyncset.done $0x0  }
0x82: {  	s26 =	sadd.s32 $0x2B80, s20;
	[sflag:s18] =	ssyncadd.s32 $0xFFFFE0C0  }
0x83: {  	[spmem:s2] =	stream.indirect.scatter.add.f32 [tilespmem:s24], [sflag:$0x8], $0x40, s26, s16, $0xb8;
	[tilespmem:$0x16940] =	vst v63  }
.Ltmp3:
0x84: {  	(pc) =	sbr.rel .LBB2_2-.Ltmp3, $4  }
0x85: {  	_ =	swait.ge [sflag:s23], $0x1F40  }
0x86: {  	[sflag:s23] =	ssyncset.done $0x0  }
0x87: {  	s7 =	sadd.s32 $0x500, s20;
	s0 =	sadd.s32 $0x800, s0;
	[sflag:s23] =	ssyncadd.s32 $0xFFFFE0C0  }
0x88: {  	[tilespmem:s21], [sflag:$0x3] =	stream.indirect.gather [hbm4b:s4+s16], $0x40, s7, s16, $0xb8;
	[tilespmem:$0x16940] =	vst v63  }
.LBB2_5:
0x89: {  	_ =	sfence.sel $0x180000  }
0x8a: {  	[bflag:$0x0] =	sbarrier.arrive $0xFFFF  }
0x8b: {  	_ =	strace $0x90000047  }
0x8c: {  	s0 =	stileid.u32;
	[bflag:$0x2] =	sbarrier.arrive $0xFFFF  }
0x8d: {  	p0 =	sne.s32 s0, $0x0;
	s0 =	rddreg [dreg:$0x2]  }
0x8e: {  	s0 =	sadd.s32 @!p0 $0x100000, s0  }
0x8f: {  	[sflag:s0] =	ssyncadd.tile.s32 @!p0 $0x1;
	_ =	shalt  }
.Lfunc_end2:
_tile_overlayer_lowered:
.L_overlay_start_2:
0x90: {  	(tag) =	ssettag $0x2  }
0x91: {  	s0 =	rddreg [dreg:$0x0];
	s2 =	stileid.u32  }
0x92: {  	s1 =	rddreg [dreg:$0x1];
	p0 =	sne.s32 s2, $0x0  }
0x93: {  	s3 =	rddreg [dreg:$0x2];
	[bflag:$0x3] =	sbarrier.arrive $0xFFFF;
	s2 =	simm.s32 @!p0 $0x1C09  }
0x94: {  	[timem:s3], [sflag:s2] =	dma.local @!p0 [hbm:s0], s1  }
0x95: {  	s0 =	simm.s32 @!p0 $0x9  }
0x96: {  	_ =	swait.ge @!p0 [sflag:s0], s1  }
0x97: {  	s1 =	ssub.s32 @!p0 $0x0, s1;
	[sflag:s0] =	ssyncset.done @!p0 $0x0  }
0x98: {  	[sflag:s0] =	ssyncadd.s32 @!p0 s1  }
0x99: {  	[bflag:$0x3] =	sbarrier.arrive $0xFFFF  }
0x9a: {  	_ =	shalt  }

// kernel: kernel.16.cloned.1.call-start
scs
__scs_entry_jumppad:
0x0: {  	(pc) =	sbr.rel $0x88, $3  }
0x1: {  	(tag) =	ssettag $0x0;
	lr =	simm.s32 $0x1  }
0x2: {  	[smem:$0x3F84] =	sst lr;
	_ =	strace $0xD0000000  }
0x3: {  	_ = 	snop  }
0x4: {  	_ = 	snop  }
0x5: {  	_ = 	snop  }
0x6: {  	_ = 	snop  }
0x7: {  	_ = 	snop  }
__scs_overlays_trampoline_lowered:
0x8: {  	[smem:$0x3F93] =	sst s0  }
0x9: {  	[smem:$0x3F94] =	sst s1  }
0xa: {  	[smem:$0x3F95] =	sst s2  }
0xb: {  	[smem:$0x3F96] =	sst s3  }
0xc: {  	[smem:$0x3F97] =	sst s4  }
0xd: {  	[smem:$0x3F98] =	sst s5  }
0xe: {  	[smem:$0x3F99] =	sst s6  }
0xf: {  	[smem:$0x3F9A] =	sst s7  }
0x10: {  	[smem:$0x3F9B] =	sst s8  }
0x11: {  	[smem:$0x3F9C] =	sst s9;
	s0 =	simm.s32 @!p0 $0x0  }
0x12: {  	s1 =	sld [smem:$0x3F82];
	s0 =	simm.s32 @p0 $0x1  }
0x13: {  	[smem:$0x3F9D] =	sst s0;
	s0 =	simm.s32 @!p1 $0x0  }
0x14: {  	s2 =	sld [smem:$0x3F81];
	s0 =	simm.s32 @p1 $0x1  }
0x15: {  	[smem:$0x3F9E] =	sst s0;
	s0 =	simm.s32 @!p2 $0x0  }
0x16: {  	s3 =	sld [smem:$0x3FDB];
	s0 =	simm.s32 @p2 $0x1  }
0x17: {  	s4 =	simm.s32 $0x1BF5;
	[smem:$0x3FA0] =	sst s0  }
0x18: {  	s0 =	sld [smem:$0x3F83];
	_ =	swait.ge [sflag:s4], $0x0  }
0x19: {  	s7 =	sld [smem:$0x3F84]  }
0x1a: {  	s8 =	sadd.s32 $0xFFFFE003, lr  }
0x1b: {  	s9 =	sadd.s32 $0xFFFFFEF7, lr;
	s5 =	simm.s32 $0xFFFFFFFF;
	p2 =	slt.u32 s8, $0xFFFFF086  }
0x1c: {  	p1 =	slt.u32 s9, $0xF7A;
	s5 =	simm.s32 @!p2 $0x0  }
0x1d: {  	s5 =	simm.s32 @p1 $0x1;
	p0 =	seq.s32 s7, s2  }
0x1e: {  	s7 =	smul.u32 @!p0 $0xF7A, s2;
	p2 =	seq.s32 @!p0 s5, $0x0  }
0x1f: {  	s9 =	smul.u32 $0xF7A, s1;
	s8 =	simm.s32 @!p0 $0x1BF5;
	p2 =	por !p2, p0  }
0x20: {  	[sflag:s8] =	ssyncset.s32 @!p0 $0xFFFFF086;
	s6 =	sadd.s32 @!p0 s3, s7;
	s7 =	simm.s32 @!p0 $0x108  }
0x21: {  	s3 =	sadd.s32 s3, s9;
	s6 =	sadd.s32 @!p0 $0x88, s6;
	s7 =	simm.s32 @p2 $0x1082  }
0x22: {  	[simem:s7], [sflag:s8] =	dma.local @!p0 [hbm:s6], $0xF7A  }
0x23: {  	s9 =	sor.u32 $0xD0000000, s2;
	s6 =	simm.s32 $0x108;
	_ =	swait.ge @!p0 [sflag:s8], $0x0  }
0x24: {  	s3 =	sadd.s32 $0x88, s3;
	s6 =	simm.s32 @!p1 $0x1082;
	[sflag:s4] =	ssyncset.s32 $0xFFFFF086  }
0x25: {  	[simem:s6], [sflag:s4] =	dma.local [hbm:s3], $0xF7A  }
0x26: {  	[smem:$0x3F84] =	sst s1;
	(tag) =	ssettag s2;
	_ =	strace s9  }
0x27: {  	s1 =	sld [smem:$0x3F94]  }
0x28: {  	s2 =	sld [smem:$0x3F95]  }
0x29: {  	s4 =	sld [smem:$0x3F97]  }
0x2a: {  	p0 =	seq.s32 s5, $0x0;
	s5 =	sld [smem:$0x3F98]  }
0x2b: {  	s6 =	sld [smem:$0x3F99]  }
0x2c: {  	s7 =	sld [smem:$0x3F9A]  }
0x2d: {  	s3 =	simm.s32 $0x108;
	s8 =	sld [smem:$0x3F9B]  }
0x2e: {  	s3 =	simm.s32 @!p0 $0x1082;
	s9 =	sld [smem:$0x3F9C]  }
0x2f: {  	lr =	sadd.s32 s0, s3;
	s0 =	sld [smem:$0x3F93]  }
0x30: {  	s3 =	sld [smem:$0x3F96]  }
0x31: {  	[smem:$0x3F9F] =	sst s10  }
0x32: {  	s10 =	sld [smem:$0x3F9D];
	_ =	sdelay $0x3  }
0x33: {  	p0 =	seq.s32 s10, $0x1;
	s10 =	sld [smem:$0x3F9F];
	_ =	sdelay $0x3  }
0x34: {  	[smem:$0x3F9F] =	sst s10  }
0x35: {  	s10 =	sld [smem:$0x3F9E];
	_ =	sdelay $0x3  }
0x36: {  	p1 =	seq.s32 s10, $0x1;
	s10 =	sld [smem:$0x3F9F];
	_ =	sdelay $0x3  }
0x37: {  	[smem:$0x3F9F] =	sst s10  }
0x38: {  	s10 =	sld [smem:$0x3FA0]  }
0x39: {  	_ = 	snop;
	(pc) =	sbr.ind lr, $3  }
0x3a: {  	_ = 	snop  }
0x3b: {  	_ = 	snop  }
0x3c: {  	p2 =	seq.s32 s10, $0x1;
	s10 =	sld [smem:$0x3F9F]  }
0x3d: {  	_ =	shalt  }
0x3e: {  	_ =	shalt  }
0x3f: {  	_ =	shalt  }
0x40: {  	_ =	shalt  }
0x41: {  	_ =	shalt  }
0x42: {  	_ =	shalt  }
0x43: {  	_ =	shalt  }
0x44: {  	_ =	shalt  }
0x45: {  	_ =	shalt  }
0x46: {  	_ =	shalt  }
0x47: {  	_ =	shalt  }
0x48: {  	_ =	shalt  }
0x49: {  	_ =	shalt  }
0x4a: {  	_ =	shalt  }
0x4b: {  	_ =	shalt  }
0x4c: {  	_ =	shalt  }
0x4d: {  	_ =	shalt  }
0x4e: {  	_ =	shalt  }
0x4f: {  	_ =	shalt  }
0x50: {  	_ =	shalt  }
0x51: {  	_ =	shalt  }
0x52: {  	_ =	shalt  }
0x53: {  	_ =	shalt  }
0x54: {  	_ =	shalt  }
0x55: {  	_ =	shalt  }
0x56: {  	_ =	shalt  }
0x57: {  	_ =	shalt  }
0x58: {  	_ =	shalt  }
0x59: {  	_ =	shalt  }
0x5a: {  	_ =	shalt  }
0x5b: {  	_ =	shalt  }
0x5c: {  	_ =	shalt  }
0x5d: {  	_ =	shalt  }
0x5e: {  	_ =	shalt  }
0x5f: {  	_ =	shalt  }
0x60: {  	_ =	shalt  }
0x61: {  	_ =	shalt  }
0x62: {  	_ =	shalt  }
0x63: {  	_ =	shalt  }
0x64: {  	_ =	shalt  }
0x65: {  	_ =	shalt  }
0x66: {  	_ =	shalt  }
0x67: {  	_ =	shalt  }
0x68: {  	_ =	shalt  }
0x69: {  	_ =	shalt  }
0x6a: {  	_ =	shalt  }
0x6b: {  	_ =	shalt  }
0x6c: {  	_ =	shalt  }
0x6d: {  	_ =	shalt  }
0x6e: {  	_ =	shalt  }
0x6f: {  	_ =	shalt  }
0x70: {  	_ =	shalt  }
0x71: {  	_ =	shalt  }
0x72: {  	_ =	shalt  }
0x73: {  	_ =	shalt  }
0x74: {  	_ =	shalt  }
0x75: {  	_ =	shalt  }
0x76: {  	_ =	shalt  }
0x77: {  	_ =	shalt  }
0x78: {  	_ =	shalt  }
0x79: {  	_ =	shalt  }
0x7a: {  	_ =	shalt  }
0x7b: {  	_ =	shalt  }
0x7c: {  	_ =	shalt  }
0x7d: {  	_ =	shalt  }
0x7e: {  	_ =	shalt  }
0x7f: {  	_ =	shalt  }
0x80: {  	_ =	shalt  }
0x81: {  	_ =	shalt  }
0x82: {  	_ =	shalt  }
0x83: {  	_ =	shalt  }
0x84: {  	_ =	shalt  }
0x85: {  	_ =	shalt  }
0x86: {  	_ =	shalt  }
0x87: {  	_ =	shalt  }
.Lfunc_end0:
.L_simem_size_0:
called_computation.2_lowered:
.L_overlay_start_0:
0x88: {  	s2 =	sld [smem:$0x3FD9]  }
0x89: {  	s3 =	sld [smem:$0x3FFE];
	_ =	sdelay $0x1  }
0x8a: {  	s1 =	srdreg.scid  }
0x8b: {  	s0 =	sand.u32 $0x1, s1  }
0x8c: {  	s16 =	sshll.u32 s0, $0xA;
	s2 =	sadd.s32 s3, s2  }
0x8d: {  	s2 =	sadd.s32 s2, s16  }
0x8e: {  	[smem:$0x3FAB] =	sst s2  }
0x8f: {  	_ = 	snop  }
0x90: {  	(tm) =	ssettm $0x1  }
0x91: {  	s17 =	sld [smem:$0x3FFB];
	_ =	sdelay $0x3  }
0x92: {  	_ =	strace s17  }
0x93: {  	s2 =	sld [smem:$0x3FFC];
	_ =	sdelay $0x3  }
0x94: {  	_ =	strace s2  }
0x95: {  	s2 =	sld [smem:$0x3FFD];
	_ =	sdelay $0x3  }
0x96: {  	_ =	strace s2  }
0x97: {  	_ =	strace $0x8FFFFFFF  }
0x98: {  	s18 =	sld [smem:$0x3FDB];
	_ =	sdelay $0x1  }
0x99: {  	s19 =	simm.s32 $_scs_section_size  }
0x9a: {  	s4 =	simm.s32 $_size__tile_overlayer_lowered;
	s5 =	simm.s32 $_tile_overlayer_lowered  }
0x9b: {  	s22 =	simm.s32 $0x1BFF;
	s21 =	sshll.u32 s5, $0x1;
	s2 =	sadd.s32 s19, s18  }
0x9c: {  	s6 =	simm.s32 $0x0;
	s20 =	sshll.u32 s4, $0x1;
	s4 =	sadd.s32 s21, s2  }
0x9d: {  	[timem:s6], [sflag:s22] =	dma.local [hbm:s4], s20  }
0x9e: {  	_ =	swait.ge [sflag:s22], s20  }
0x9f: {  	s3 =	ssub.s32 $0x0, s20;
	[sflag:s22] =	ssyncset.done $0x0  }
0xa0: {  	[sflag:s22] =	ssyncadd.s32 s3;
	_ =	sdelay $0x1  }
0xa1: {  	s23 =	simm.s32 $0x1B8B  }
0xa2: {  	_ =	swait.ge [sflag:s23], $0x1  }
0xa3: {  	[sflag:s23] =	ssyncset.done $0x0  }
0xa4: {  	s25 =	simm.s32 $0x1B8E;
	s24 =	sld [smem:$0x3FFE];
	[sflag:s23] =	ssyncadd.s32 $0xFFFFFFFF  }
0xa5: {  	s26 =	simm.s32 $execute0_lowered;
	[smem:$0x3FD2] =	sst s25  }
0xa6: {  	s4 =	sshll.u32 s26, $0x1;
	_ =	strace $0x8000004C;
	[dreg:$0x1] =	wrdreg $0xFFFFFFFF  }
0xa7: {  	s28 =	simm.s32 $_size_execute0_lowered;
	s2 =	sadd.s32 s2, s4;
	[dreg:$0x0] =	wrdreg $0x0  }
0xa8: {  	s4 =	sshll.u32 s28, $0x1;
	[dreg:$0x2] =	wrdreg s2  }
0xa9: {  	[dreg:$0x3] =	wrdreg s4  }
0xaa: {  	[dreg:$0x4] =	wrdreg $0xC0  }
0xab: {  	_ =	task [dreg:s6], $0x5FFFF  }
0xac: {  	[dreg:$0x1] =	wrdreg $0xFFFFFFFF  }
0xad: {  	[dreg:$0x0] =	wrdreg $0x60  }
0xae: {  	[dreg:$0x2] =	wrdreg s24  }
0xaf: {  	[dreg:$0x3] =	wrdreg $0xCD000  }
0xb0: {  	[dreg:$0x4] =	wrdreg $0x9  }
0xb1: {  	_ =	task.clear_ibuf [dreg:s6], $0x5FFFF;
	_ =	strace $0x9000004C  }
0xb2: {  	s29 =	simm.s32 $0x9;
	_ =	strace $0x8000004E  }
0xb3: {  	_ =	swait.ge [sflag:s29], $0x1  }
0xb4: {  	[sflag:s29] =	ssyncadd.s32 $0xFFFFFFFF  }
0xb5: {  	_ =	strace $0x9000004E  }
0xb6: {  	_ =	sfence  }
0xb7: {  	s30 =	sld [smem:$0x0];
	_ =	sdelay $0x2  }
0xb8: {  	s31 =	sshll.u32 s1, $0xD;
	s1 =	sshrl.u32 s1, $0x2  }
0xb9: {  	s3 =	sand.u32 $0x4000, s31;
	s1 =	sadd.s32 s1, s30  }
0xba: {  	s0 =	sor.u32 s3, s0;
	s1 =	sshll.u32 s1, $0x11  }
0xbb: {  	s0 =	sor.u32 s1, s0  }
0xbc: {  	s0 =	sadd.s32 $0x8F2B, s0  }
0xbd: {  	[sflag:s0] =	ssyncadd.remote.s32 $0x1  }
0xbe: {  	_ =	sfence.sel $0xFFFF  }
0xbf: {  	[dreg:$0x0] =	wrdreg $0xFFFFFFFF;
	(pc) =	sbr.abs _section_cstart, $3  }
0xc0: {  	[dreg:$0x1] =	wrdreg $0xFFFFFFFF  }
0xc1: {  	_ =	task.clear_ibuf [dreg:s6], $0x2FFFF;
	_ =	strace $0x9FFFFFFF  }
0xc2: {  	(tm) =	ssettm $0x7FFFFFFF  }
0xc3: {  	_ =	shalt  }
tec
execute0_lowered:
.L_overlay_start_1:
0x0: {  	(tag) =	ssettag $0x1  }
0x1: {  	s0 =	srdreg.scid;
	s1 =	rddreg [dreg:$0x0]  }
0x2: {  	s13 =	stileid.u32;
	s2 =	rddreg [dreg:$0x1];
	s15 =	simm.s32 $0x2800  }
0x3: {  	s16 =	simm.s32 $0x7D;
	s17 =	simm.s32 $0x5000;
	s19 =	simm.s32 $0x6F40  }
0x4: {  	s21 =	simm.s32 $0x8E80;
	s28 =	simm.s32 $0x5;
	s30 =	simm.s32 $0x3  }
0x5: {  	s18 =	simm.s32 $0x4;
	s29 =	simm.s32 $0x8;
	s31 =	simm.s32 $0x0  }
0x6: {  	s0 =	sand.u32 $0x1, s0;
	s7 =	smul.u32 $0x9C00, s13;
	s22 =	sshll.u32 s13, $0x6  }
0x7: {  	s14 =	sadd.s32 $0x9C000, s2;
	p0 =	sne.s32 s13, $0xF;
	s3 =	sshll.u32 s0, $0x4  }
0x8: {  	s6 =	ssub.s32 $0x2, s0;
	s0 =	smul.u32 $0x9C400, s0;
	s14 =	sshrl.u32 @!p0 s14, $0x3  }
0x9: {  	s4 =	sor.u32 s13, s3;
	s3 =	simm.s32 $0x0;
	s9 =	sshrl.u32 s6, $0x1  }
0xa: {  	s12 =	sadd.s32 s7, s2;
	s13 =	simm.s32 $0x9;
	s5 =	smul.u32 $0x500, s4  }
0xb: {  	[smem:$0x7FF] =	sst s3;
	s4 =	sadd.s32 $0x19000, s1;
	s11 =	ssub.s32 s6, s9  }
0xc: {  	s6 =	sor.u32 $0x1C09, s22;
	s23 =	sadd.s32 s7, s0;
	s0 =	sshrl.u32 s0, $0x3  }
0xd: {  	s12 =	sshrl.u32 s12, $0x3;
	s22 =	simm.s32 $0x1;
	_ =	strace $0x8000004D  }
0xe: {  	s9 =	sshrl.u32 s23, $0x3;
	s11 =	smax.u32 s11, $0x1;
	s8 =	sadd.s32 s5, s1  }
.Ltmp0:
0xf: {  	s5 =	sadd.s32 $0x53C00, s1;
	s24 =	sadd.s32 $0xF000, s8;
	(pc) =	sbr.rel .LBB2_1-.Ltmp0, $4  }
0x10: {  	s1 =	sadd.s32 $0x55000, s1;
	s25 =	sadd.s32 $0x5000, s8;
	[dreg:$0x3] =	wrdreg s24  }
0x11: {  	s23 =	simm.s32 $0x7;
	s26 =	sadd.s32 s1, s9;
	[dreg:$0x4] =	wrdreg s25  }
0x12: {  	s0 =	sadd.s32 s1, s0;
	s1 =	simm.s32 $0x6;
	[dreg:$0x5] =	wrdreg s26  }
0x13: {  	s10 =	sadd.s32 $0x13800, s0;
	s24 =	simm.s32 $0xADC0;
	s25 =	simm.s32 $0x2  }
.LBB2_4:
0x14: {  	_ =	swait.ge [sflag:s28], $0x1F40  }
0x15: {  	[sflag:s28] =	ssyncset.done $0x0  }
0x16: {  	[sflag:s28] =	ssyncadd.s32 $0xFFFFE0C0  }
0x17: {  	_ =	swait.ge [sflag:s1], $0x1F40  }
0x18: {  	[sflag:s1] =	ssyncset.done $0x0  }
0x19: {  	[sflag:s1] =	ssyncadd.s32 $0xFFFFE0C0  }
0x1a: {  	_ =	swait.ge [sflag:s23], $0x1F40  }
0x1b: {  	[sflag:s23] =	ssyncset.done $0x0  }
0x1c: {  	[sflag:s23] =	ssyncadd.s32 $0xFFFFE0C0  }
0x1d: {  	_ =	swait.ge [sflag:s29], $0x1F40  }
0x1e: {  	[sflag:s29] =	ssyncset.done $0x0  }
0x1f: {  	[sflag:s29] =	ssyncadd.s32 $0xFFFFE0C0  }
0x20: {  	[bflag:$0x0] =	sbarrier.arrive $0xFFFF  }
0x21: {  	s0 =	rddreg [dreg:$0x5]  }
0x22: {  	[hbm:s0], [sflag:s6] =	dma.local [spmem:s12], $0x1380  }
0x23: {  	s31 =	sadd.s32 $0x1, s31;
	_ =	swait.ge [sflag:s13], $0x1380  }
0x24: {  	p1 =	sne.s32 s31, s11;
	[sflag:s13] =	ssyncset.done $0x0  }
.Ltmp1:
0x25: {  	s0 =	simm.s32 @!p0 $0x9;
	[sflag:s13] =	ssyncadd.s32 $0xFFFFEC80;
	(pc) =	sbr.rel @!p1 .LBB2_5-.Ltmp1, $4  }
0x26: {  	[hbm:s10], [sflag:s6] =	dma.local @!p0 [spmem:s14], $0x80  }
0x27: {  	_ =	swait.ge @!p0 [sflag:s0], $0x80  }
0x28: {  	[sflag:s0] =	ssyncset.done @!p0 $0x0  }
0x29: {  	[sflag:s0] =	ssyncadd.s32 @!p0 $0xFFFFFF80  }
.LBB2_1:
0x2a: {  	[spmem:s12], [sflag:s6] =	dma.local [hbm:s5], $0x1380  }
0x2b: {  	_ =	swait.ge [sflag:s13], $0x1380  }
0x2c: {  	[sflag:s13] =	ssyncset.done $0x0  }
0x2d: {  	s0 =	simm.s32 @!p0 $0x9;
	[sflag:s13] =	ssyncadd.s32 $0xFFFFEC80  }
0x2e: {  	[spmem:s14], [sflag:s6] =	dma.local @!p0 [hbm:s5], $0x80  }
0x2f: {  	_ =	swait.ge @!p0 [sflag:s0], $0x80  }
0x30: {  	[sflag:s0] =	ssyncset.done @!p0 $0x0  }
0x31: {  	s26 =	rddreg [dreg:$0x3];
	[sflag:s0] =	ssyncadd.s32 @!p0 $0xFFFFFF80  }
0x32: {  	[tilespmem:s3], [sflag:$0x9] =	stream.linear.gather [hbm4b:s26+s3], $0x2800, $0x38;
	[tilespmem:$0x16940] =	vst v63  }
0x33: {  	_ =	swait.ge [sflag:s13], $0x2800  }
0x34: {  	[sflag:s13] =	ssyncset.done $0x0  }
0x35: {  	s7 =	rddreg [dreg:$0x4];
	[sflag:s13] =	ssyncadd.s32 $0xFFFFD800  }
0x36: {  	[tilespmem:s15], [sflag:$0x9] =	stream.linear.gather [hbm4b:s7+s3], $0x2800, $0x38;
	[tilespmem:$0x16940] =	vst v63  }
0x37: {  	_ =	swait.ge [sflag:s13], $0x2800  }
0x38: {  	[sflag:s13] =	ssyncset.done $0x0  }
0x39: {  	[sflag:s13] =	ssyncadd.s32 $0xFFFFD800  }
0x3a: {  	[bflag:$0x0] =	sbarrier.arrive $0xFFFF  }
0x3b: {  	[tilespmem:s17], [sflag:$0x1] =	stream.indirect.gather [hbm4b:s4+s16], $0x40, s3, s16, $0xb8;
	[tilespmem:$0x16940] =	vst v63  }
0x3c: {  	s8 =	simm.s32 $0x80  }
0x3d: {  	[tilespmem:s19], [sflag:$0x2] =	stream.indirect.gather [hbm4b:s4+s16], $0x40, s8, s16, $0xb8;
	[tilespmem:$0x16940] =	vst v63  }
0x3e: {  	s9 =	simm.s32 $0x100  }
0x3f: {  	[tilespmem:s21], [sflag:$0x3] =	stream.indirect.gather [hbm4b:s4+s16], $0x40, s9, s16, $0xb8;
	[tilespmem:$0x16940] =	vst v63  }
0x40: {  	_ =	swait.ge [sflag:s22], $0x1F40  }
0x41: {  	[sflag:s22] =	ssyncset.done $0x0  }
0x42: {  	[sflag:s22] =	ssyncadd.s32 $0xFFFFE0C0  }
0x43: {  	[spmem:s2] =	stream.indirect.scatter.add.f32 [tilespmem:s17], [sflag:$0x5], $0x40, s15, s16, $0xb8;
	[tilespmem:$0x16940] =	vst v63  }
0x44: {  	s20 =	simm.s32 $0x180  }
0x45: {  	[tilespmem:s24], [sflag:$0x4] =	stream.indirect.gather [hbm4b:s4+s16], $0x40, s20, s16, $0xb8;
	[tilespmem:$0x16940] =	vst v63  }
0x46: {  	_ =	swait.ge [sflag:s25], $0x1F40  }
0x47: {  	[sflag:s25] =	ssyncset.done $0x0  }
0x48: {  	s26 =	simm.s32 $0x2880;
	[sflag:s25] =	ssyncadd.s32 $0xFFFFE0C0  }
0x49: {  	[spmem:s2] =	stream.indirect.scatter.add.f32 [tilespmem:s19], [sflag:$0x6], $0x40, s26, s16, $0xb8;
	[tilespmem:$0x16940] =	vst v63  }
0x4a: {  	_ =	swait.ge [sflag:s28], $0x1F40  }
0x4b: {  	[sflag:s28] =	ssyncset.done $0x0  }
0x4c: {  	s7 =	simm.s32 $0x200;
	[sflag:s28] =	ssyncadd.s32 $0xFFFFE0C0  }
0x4d: {  	[tilespmem:s17], [sflag:$0x1] =	stream.indirect.gather [hbm4b:s4+s16], $0x40, s7, s16, $0xb8;
	[tilespmem:$0x16940] =	vst v63  }
0x4e: {  	_ =	swait.ge [sflag:s30], $0x1F40  }
0x4f: {  	[sflag:s30] =	ssyncset.done $0x0  }
0x50: {  	s8 =	simm.s32 $0x2900;
	[sflag:s30] =	ssyncadd.s32 $0xFFFFE0C0  }
0x51: {  	[spmem:s2] =	stream.indirect.scatter.add.f32 [tilespmem:s21], [sflag:$0x7], $0x40, s8, s16, $0xb8;
	[tilespmem:$0x16940] =	vst v63  }
0x52: {  	_ =	swait.ge [sflag:s1], $0x1F40  }
0x53: {  	[sflag:s1] =	ssyncset.done $0x0  }
0x54: {  	s9 =	simm.s32 $0x280;
	[sflag:s1] =	ssyncadd.s32 $0xFFFFE0C0  }
0x55: {  	[tilespmem:s19], [sflag:$0x2] =	stream.indirect.gather [hbm4b:s4+s16], $0x40, s9, s16, $0xb8;
	[tilespmem:$0x16940] =	vst v63  }
0x56: {  	_ =	swait.ge [sflag:s18], $0x1F40  }
0x57: {  	[sflag:s18] =	ssyncset.done $0x0  }
0x58: {  	s20 =	simm.s32 $0x2980;
	[sflag:s18] =	ssyncadd.s32 $0xFFFFE0C0  }
0x59: {  	[spmem:s2] =	stream.indirect.scatter.add.f32 [tilespmem:s24], [sflag:$0x8], $0x40, s20, s16, $0xb8;
	[tilespmem:$0x16940] =	vst v63  }
0x5a: {  	_ =	swait.ge [sflag:s23], $0x1F40  }
0x5b: {  	[sflag:s23] =	ssyncset.done $0x0  }
0x5c: {  	s0 =	simm.s32 $0x0;
	s26 =	simm.s32 $0x300;
	[sflag:s23] =	ssyncadd.s32 $0xFFFFE0C0  }
0x5d: {  	[tilespmem:s21], [sflag:$0x3] =	stream.indirect.gather [hbm4b:s4+s16], $0x40, s26, s16, $0xb8;
	[tilespmem:$0x16940] =	vst v63  }
.LBB2_2:
0x5e: {  	_ =	swait.ge [sflag:s22], $0x1F40  }
0x5f: {  	s20 =	sshra.s32 s0, $0x2;
	[sflag:s22] =	ssyncset.done $0x0  }
0x60: {  	s26 =	sadd.s32 $0x2A00, s20;
	[sflag:s22] =	ssyncadd.s32 $0xFFFFE0C0  }
0x61: {  	[spmem:s2] =	stream.indirect.scatter.add.f32 [tilespmem:s17], [sflag:$0x5], $0x40, s26, s16, $0xb8;
	[tilespmem:$0x16940] =	vst v63  }
0x62: {  	_ =	swait.ge [sflag:s29], $0x1F40  }
0x63: {  	[sflag:s29] =	ssyncset.done $0x0  }
0x64: {  	s8 =	sadd.s32 $0x380, s20;
	[sflag:s29] =	ssyncadd.s32 $0xFFFFE0C0  }
0x65: {  	[tilespmem:s24], [sflag:$0x4] =	stream.indirect.gather [hbm4b:s4+s16], $0x40, s8, s16, $0xb8;
	[tilespmem:$0x16940] =	vst v63  }
0x66: {  	_ =	swait.ge [sflag:s25], $0x1F40  }
0x67: {  	p1 =	seq.s32 s0, $0x9000;
	[sflag:s25] =	ssyncset.done $0x0  }
0x68: {  	s9 =	sadd.s32 $0x2A80, s20;
	s26 =	simm.s32 @p1 $0x3;
	[sflag:s25] =	ssyncadd.s32 $0xFFFFE0C0  }
0x69: {  	[spmem:s2] =	stream.indirect.scatter.add.f32 [tilespmem:s19], [sflag:$0x6], $0x40, s9, s16, $0xb8;
	[tilespmem:$0x16940] =	vst v63  }
0x6a: {  	_ =	swait.ge @p1 [sflag:s26], $0x1F40  }
0x6b: {  	[sflag:s26] =	ssyncset.done @p1 $0x0  }
0x6c: {  	[sflag:s26] =	ssyncadd.s32 @p1 $0xFFFFE0C0;
	s26 =	sshra.s32 @p1 s0, $0x2  }
0x6d: {  	s7 =	simm.s32 @p1 $0x7D;
	s8 =	simm.s32 @p1 $0x8E80;
	s26 =	sadd.s32 @p1 $0x2B00, s26  }
0x6e: {  	[spmem:s2] =	stream.indirect.scatter.add.f32 @p1 [tilespmem:s8], [sflag:$0x7], $0x40, s26, s7, $0xb8;
	[tilespmem:$0x16940] =	vst v63  }
0x6f: {  	s7 =	simm.s32 @!p1 $0x5  }
0x70: {  	_ =	swait.ge @!p1 [sflag:s7], $0x1F40  }
0x71: {  	[sflag:s7] =	ssyncset.done @!p1 $0x0  }
0x72: {  	[sflag:s7] =	ssyncadd.s32 @!p1 $0xFFFFE0C0;
	s7 =	sshra.s32 @!p1 s0, $0x2  }
0x73: {  	s9 =	simm.s32 @!p1 $0x5000;
	s26 =	simm.s32 @!p1 $0x7D;
	s8 =	sadd.s32 @!p1 $0x400, s7  }
0x74: {  	[tilespmem:s9], [sflag:$0x1] =	stream.indirect.gather @!p1 [hbm4b:s4+s26], $0x40, s8, s26, $0xb8;
	[tilespmem:$0x16940] =	vst v63  }
0x75: {  	s8 =	simm.s32 @!p1 $0x3  }
0x76: {  	_ =	swait.ge @!p1 [sflag:s8], $0x1F40  }
0x77: {  	[sflag:s8] =	ssyncset.done @!p1 $0x0  }
0x78: {  	s9 =	simm.s32 @!p1 $0x8E80;
	[sflag:s8] =	ssyncadd.s32 @!p1 $0xFFFFE0C0;
	s8 =	sadd.s32 @!p1 $0x2B00, s7  }
0x79: {  	[spmem:s2] =	stream.indirect.scatter.add.f32 @!p1 [tilespmem:s9], [sflag:$0x7], $0x40, s8, s26, $0xb8;
	[tilespmem:$0x16940] =	vst v63  }
0x7a: {  	s8 =	simm.s32 @!p1 $0x6  }
0x7b: {  	_ =	swait.ge @!p1 [sflag:s8], $0x1F40  }
0x7c: {  	[sflag:s8] =	ssyncset.done @!p1 $0x0  }
0x7d: {  	s7 =	sadd.s32 @!p1 $0x480, s7;
	[sflag:s8] =	ssyncadd.s32 @!p1 $0xFFFFE0C0;
	s8 =	simm.s32 @!p1 $0x6F40  }
0x7e: {  	[tilespmem:s8], [sflag:$0x2] =	stream.indirect.gather @!p1 [hbm4b:s4+s26], $0x40, s7, s26, $0xb8;
	[tilespmem:$0x16940] =	vst v63  }
.Ltmp2:
0x7f: {  	_ = 	snop;
	(pc) =	sbr.rel @p1 .LBB2_4-.Ltmp2, $4  }
0x80: {  	_ =	swait.ge [sflag:s18], $0x1F40  }
0x81: {  	[sflag:s18] =	ssyncset.done $0x0  }
0x82: {  	s26 =	sadd.s32 $0x2B80, s20;
	[sflag:s18] =	ssyncadd.s32 $0xFFFFE0C0  }
0x83: {  	[spmem:s2] =	stream.indirect.scatter.add.f32 [tilespmem:s24], [sflag:$0x8], $0x40, s26, s16, $0xb8;
	[tilespmem:$0x16940] =	vst v63  }
.Ltmp3:
0x84: {  	(pc) =	sbr.rel .LBB2_2-.Ltmp3, $4  }
0x85: {  	_ =	swait.ge [sflag:s23], $0x1F40  }
0x86: {  	[sflag:s23] =	ssyncset.done $0x0  }
0x87: {  	s7 =	sadd.s32 $0x500, s20;
	s0 =	sadd.s32 $0x800, s0;
	[sflag:s23] =	ssyncadd.s32 $0xFFFFE0C0  }
0x88: {  	[tilespmem:s21], [sflag:$0x3] =	stream.indirect.gather [hbm4b:s4+s16], $0x40, s7, s16, $0xb8;
	[tilespmem:$0x16940] =	vst v63  }
.LBB2_5:
0x89: {  	_ =	sfence.sel $0x180000  }
0x8a: {  	[bflag:$0x0] =	sbarrier.arrive $0xFFFF  }
0x8b: {  	_ =	strace $0x9000004D  }
0x8c: {  	s0 =	stileid.u32;
	[bflag:$0x2] =	sbarrier.arrive $0xFFFF  }
0x8d: {  	p0 =	sne.s32 s0, $0x0;
	s0 =	rddreg [dreg:$0x2]  }
0x8e: {  	s0 =	sadd.s32 @!p0 $0x100000, s0  }
0x8f: {  	[sflag:s0] =	ssyncadd.tile.s32 @!p0 $0x1;
	_ =	shalt  }
.Lfunc_end2:
_tile_overlayer_lowered:
.L_overlay_start_2:
0x90: {  	(tag) =	ssettag $0x2  }
0x91: {  	s0 =	rddreg [dreg:$0x0];
	s2 =	stileid.u32  }
0x92: {  	s1 =	rddreg [dreg:$0x1];
	p0 =	sne.s32 s2, $0x0  }
0x93: {  	s3 =	rddreg [dreg:$0x2];
	[bflag:$0x3] =	sbarrier.arrive $0xFFFF;
	s2 =	simm.s32 @!p0 $0x1C09  }
0x94: {  	[timem:s3], [sflag:s2] =	dma.local @!p0 [hbm:s0], s1  }
0x95: {  	s0 =	simm.s32 @!p0 $0x9  }
0x96: {  	_ =	swait.ge @!p0 [sflag:s0], s1  }
0x97: {  	s1 =	ssub.s32 @!p0 $0x0, s1;
	[sflag:s0] =	ssyncset.done @!p0 $0x0  }
0x98: {  	[sflag:s0] =	ssyncadd.s32 @!p0 s1  }
0x99: {  	[bflag:$0x3] =	sbarrier.arrive $0xFFFF  }
0x9a: {  	_ =	shalt  }

// kernel: kernel.19.cloned.1.call-start
scs
__scs_entry_jumppad:
0x0: {  	(pc) =	sbr.rel $0x88, $3  }
0x1: {  	(tag) =	ssettag $0x0;
	lr =	simm.s32 $0x1  }
0x2: {  	[smem:$0x3F84] =	sst lr;
	_ =	strace $0xD0000000  }
0x3: {  	_ = 	snop  }
0x4: {  	_ = 	snop  }
0x5: {  	_ = 	snop  }
0x6: {  	_ = 	snop  }
0x7: {  	_ = 	snop  }
__scs_overlays_trampoline_lowered:
0x8: {  	[smem:$0x3F93] =	sst s0  }
0x9: {  	[smem:$0x3F94] =	sst s1  }
0xa: {  	[smem:$0x3F95] =	sst s2  }
0xb: {  	[smem:$0x3F96] =	sst s3  }
0xc: {  	[smem:$0x3F97] =	sst s4  }
0xd: {  	[smem:$0x3F98] =	sst s5  }
0xe: {  	[smem:$0x3F99] =	sst s6  }
0xf: {  	[smem:$0x3F9A] =	sst s7  }
0x10: {  	[smem:$0x3F9B] =	sst s8  }
0x11: {  	[smem:$0x3F9C] =	sst s9;
	s0 =	simm.s32 @!p0 $0x0  }
0x12: {  	s1 =	sld [smem:$0x3F82];
	s0 =	simm.s32 @p0 $0x1  }
0x13: {  	[smem:$0x3F9D] =	sst s0;
	s0 =	simm.s32 @!p1 $0x0  }
0x14: {  	s2 =	sld [smem:$0x3F81];
	s0 =	simm.s32 @p1 $0x1  }
0x15: {  	[smem:$0x3F9E] =	sst s0;
	s0 =	simm.s32 @!p2 $0x0  }
0x16: {  	s3 =	sld [smem:$0x3FDB];
	s0 =	simm.s32 @p2 $0x1  }
0x17: {  	s4 =	simm.s32 $0x1BF5;
	[smem:$0x3FA0] =	sst s0  }
0x18: {  	s0 =	sld [smem:$0x3F83];
	_ =	swait.ge [sflag:s4], $0x0  }
0x19: {  	s7 =	sld [smem:$0x3F84]  }
0x1a: {  	s8 =	sadd.s32 $0xFFFFE003, lr  }
0x1b: {  	s9 =	sadd.s32 $0xFFFFFEF7, lr;
	s5 =	simm.s32 $0xFFFFFFFF;
	p2 =	slt.u32 s8, $0xFFFFF086  }
0x1c: {  	p1 =	slt.u32 s9, $0xF7A;
	s5 =	simm.s32 @!p2 $0x0  }
0x1d: {  	s5 =	simm.s32 @p1 $0x1;
	p0 =	seq.s32 s7, s2  }
0x1e: {  	s7 =	smul.u32 @!p0 $0xF7A, s2;
	p2 =	seq.s32 @!p0 s5, $0x0  }
0x1f: {  	s9 =	smul.u32 $0xF7A, s1;
	s8 =	simm.s32 @!p0 $0x1BF5;
	p2 =	por !p2, p0  }
0x20: {  	[sflag:s8] =	ssyncset.s32 @!p0 $0xFFFFF086;
	s6 =	sadd.s32 @!p0 s3, s7;
	s7 =	simm.s32 @!p0 $0x108  }
0x21: {  	s3 =	sadd.s32 s3, s9;
	s6 =	sadd.s32 @!p0 $0x88, s6;
	s7 =	simm.s32 @p2 $0x1082  }
0x22: {  	[simem:s7], [sflag:s8] =	dma.local @!p0 [hbm:s6], $0xF7A  }
0x23: {  	s9 =	sor.u32 $0xD0000000, s2;
	s6 =	simm.s32 $0x108;
	_ =	swait.ge @!p0 [sflag:s8], $0x0  }
0x24: {  	s3 =	sadd.s32 $0x88, s3;
	s6 =	simm.s32 @!p1 $0x1082;
	[sflag:s4] =	ssyncset.s32 $0xFFFFF086  }
0x25: {  	[simem:s6], [sflag:s4] =	dma.local [hbm:s3], $0xF7A  }
0x26: {  	[smem:$0x3F84] =	sst s1;
	(tag) =	ssettag s2;
	_ =	strace s9  }
0x27: {  	s1 =	sld [smem:$0x3F94]  }
0x28: {  	s2 =	sld [smem:$0x3F95]  }
0x29: {  	s4 =	sld [smem:$0x3F97]  }
0x2a: {  	p0 =	seq.s32 s5, $0x0;
	s5 =	sld [smem:$0x3F98]  }
0x2b: {  	s6 =	sld [smem:$0x3F99]  }
0x2c: {  	s7 =	sld [smem:$0x3F9A]  }
0x2d: {  	s3 =	simm.s32 $0x108;
	s8 =	sld [smem:$0x3F9B]  }
0x2e: {  	s3 =	simm.s32 @!p0 $0x1082;
	s9 =	sld [smem:$0x3F9C]  }
0x2f: {  	lr =	sadd.s32 s0, s3;
	s0 =	sld [smem:$0x3F93]  }
0x30: {  	s3 =	sld [smem:$0x3F96]  }
0x31: {  	[smem:$0x3F9F] =	sst s10  }
0x32: {  	s10 =	sld [smem:$0x3F9D];
	_ =	sdelay $0x3  }
0x33: {  	p0 =	seq.s32 s10, $0x1;
	s10 =	sld [smem:$0x3F9F];
	_ =	sdelay $0x3  }
0x34: {  	[smem:$0x3F9F] =	sst s10  }
0x35: {  	s10 =	sld [smem:$0x3F9E];
	_ =	sdelay $0x3  }
0x36: {  	p1 =	seq.s32 s10, $0x1;
	s10 =	sld [smem:$0x3F9F];
	_ =	sdelay $0x3  }
0x37: {  	[smem:$0x3F9F] =	sst s10  }
0x38: {  	s10 =	sld [smem:$0x3FA0]  }
0x39: {  	_ = 	snop;
	(pc) =	sbr.ind lr, $3  }
0x3a: {  	_ = 	snop  }
0x3b: {  	_ = 	snop  }
0x3c: {  	p2 =	seq.s32 s10, $0x1;
	s10 =	sld [smem:$0x3F9F]  }
0x3d: {  	_ =	shalt  }
0x3e: {  	_ =	shalt  }
0x3f: {  	_ =	shalt  }
0x40: {  	_ =	shalt  }
0x41: {  	_ =	shalt  }
0x42: {  	_ =	shalt  }
0x43: {  	_ =	shalt  }
0x44: {  	_ =	shalt  }
0x45: {  	_ =	shalt  }
0x46: {  	_ =	shalt  }
0x47: {  	_ =	shalt  }
0x48: {  	_ =	shalt  }
0x49: {  	_ =	shalt  }
0x4a: {  	_ =	shalt  }
0x4b: {  	_ =	shalt  }
0x4c: {  	_ =	shalt  }
0x4d: {  	_ =	shalt  }
0x4e: {  	_ =	shalt  }
0x4f: {  	_ =	shalt  }
0x50: {  	_ =	shalt  }
0x51: {  	_ =	shalt  }
0x52: {  	_ =	shalt  }
0x53: {  	_ =	shalt  }
0x54: {  	_ =	shalt  }
0x55: {  	_ =	shalt  }
0x56: {  	_ =	shalt  }
0x57: {  	_ =	shalt  }
0x58: {  	_ =	shalt  }
0x59: {  	_ =	shalt  }
0x5a: {  	_ =	shalt  }
0x5b: {  	_ =	shalt  }
0x5c: {  	_ =	shalt  }
0x5d: {  	_ =	shalt  }
0x5e: {  	_ =	shalt  }
0x5f: {  	_ =	shalt  }
0x60: {  	_ =	shalt  }
0x61: {  	_ =	shalt  }
0x62: {  	_ =	shalt  }
0x63: {  	_ =	shalt  }
0x64: {  	_ =	shalt  }
0x65: {  	_ =	shalt  }
0x66: {  	_ =	shalt  }
0x67: {  	_ =	shalt  }
0x68: {  	_ =	shalt  }
0x69: {  	_ =	shalt  }
0x6a: {  	_ =	shalt  }
0x6b: {  	_ =	shalt  }
0x6c: {  	_ =	shalt  }
0x6d: {  	_ =	shalt  }
0x6e: {  	_ =	shalt  }
0x6f: {  	_ =	shalt  }
0x70: {  	_ =	shalt  }
0x71: {  	_ =	shalt  }
0x72: {  	_ =	shalt  }
0x73: {  	_ =	shalt  }
0x74: {  	_ =	shalt  }
0x75: {  	_ =	shalt  }
0x76: {  	_ =	shalt  }
0x77: {  	_ =	shalt  }
0x78: {  	_ =	shalt  }
0x79: {  	_ =	shalt  }
0x7a: {  	_ =	shalt  }
0x7b: {  	_ =	shalt  }
0x7c: {  	_ =	shalt  }
0x7d: {  	_ =	shalt  }
0x7e: {  	_ =	shalt  }
0x7f: {  	_ =	shalt  }
0x80: {  	_ =	shalt  }
0x81: {  	_ =	shalt  }
0x82: {  	_ =	shalt  }
0x83: {  	_ =	shalt  }
0x84: {  	_ =	shalt  }
0x85: {  	_ =	shalt  }
0x86: {  	_ =	shalt  }
0x87: {  	_ =	shalt  }
.Lfunc_end0:
.L_simem_size_0:
called_computation.3_lowered:
.L_overlay_start_0:
0x88: {  	s2 =	sld [smem:$0x3FD9]  }
0x89: {  	s3 =	sld [smem:$0x3FFE];
	_ =	sdelay $0x1  }
0x8a: {  	s1 =	srdreg.scid  }
0x8b: {  	s0 =	sand.u32 $0x1, s1  }
0x8c: {  	s16 =	sshll.u32 s0, $0xA;
	s2 =	sadd.s32 s3, s2  }
0x8d: {  	s2 =	sadd.s32 s2, s16  }
0x8e: {  	[smem:$0x3FAB] =	sst s2  }
0x8f: {  	_ = 	snop  }
0x90: {  	(tm) =	ssettm $0x1  }
0x91: {  	s17 =	sld [smem:$0x3FFB];
	_ =	sdelay $0x3  }
0x92: {  	_ =	strace s17  }
0x93: {  	s2 =	sld [smem:$0x3FFC];
	_ =	sdelay $0x3  }
0x94: {  	_ =	strace s2  }
0x95: {  	s2 =	sld [smem:$0x3FFD];
	_ =	sdelay $0x3  }
0x96: {  	_ =	strace s2  }
0x97: {  	_ =	strace $0x8FFFFFFF  }
0x98: {  	s18 =	sld [smem:$0x3FDB];
	_ =	sdelay $0x1  }
0x99: {  	s19 =	simm.s32 $_scs_section_size  }
0x9a: {  	s4 =	simm.s32 $_size__tile_overlayer_lowered;
	s5 =	simm.s32 $_tile_overlayer_lowered  }
0x9b: {  	s22 =	simm.s32 $0x1BFF;
	s21 =	sshll.u32 s5, $0x1;
	s2 =	sadd.s32 s19, s18  }
0x9c: {  	s6 =	simm.s32 $0x0;
	s20 =	sshll.u32 s4, $0x1;
	s4 =	sadd.s32 s21, s2  }
0x9d: {  	[timem:s6], [sflag:s22] =	dma.local [hbm:s4], s20  }
0x9e: {  	_ =	swait.ge [sflag:s22], s20  }
0x9f: {  	s3 =	ssub.s32 $0x0, s20;
	[sflag:s22] =	ssyncset.done $0x0  }
0xa0: {  	[sflag:s22] =	ssyncadd.s32 s3;
	_ =	sdelay $0x1  }
0xa1: {  	s23 =	simm.s32 $0x1B8B  }
0xa2: {  	_ =	swait.ge [sflag:s23], $0x1  }
0xa3: {  	[sflag:s23] =	ssyncset.done $0x0  }
0xa4: {  	s25 =	simm.s32 $0x1B8E;
	s24 =	sld [smem:$0x3FFE];
	[sflag:s23] =	ssyncadd.s32 $0xFFFFFFFF  }
0xa5: {  	s26 =	simm.s32 $execute0_lowered;
	[smem:$0x3FD2] =	sst s25  }
0xa6: {  	s4 =	sshll.u32 s26, $0x1;
	_ =	strace $0x8000004F;
	[dreg:$0x1] =	wrdreg $0xFFFFFFFF  }
0xa7: {  	s28 =	simm.s32 $_size_execute0_lowered;
	s2 =	sadd.s32 s2, s4;
	[dreg:$0x0] =	wrdreg $0x0  }
0xa8: {  	s4 =	sshll.u32 s28, $0x1;
	[dreg:$0x2] =	wrdreg s2  }
0xa9: {  	[dreg:$0x3] =	wrdreg s4  }
0xaa: {  	[dreg:$0x4] =	wrdreg $0xC0  }
0xab: {  	_ =	task [dreg:s6], $0x5FFFF  }
0xac: {  	[dreg:$0x1] =	wrdreg $0xFFFFFFFF  }
0xad: {  	[dreg:$0x0] =	wrdreg $0x60  }
0xae: {  	[dreg:$0x2] =	wrdreg s24  }
0xaf: {  	[dreg:$0x3] =	wrdreg $0xCD000  }
0xb0: {  	[dreg:$0x4] =	wrdreg $0x9  }
0xb1: {  	_ =	task.clear_ibuf [dreg:s6], $0x5FFFF;
	_ =	strace $0x9000004F  }
0xb2: {  	s29 =	simm.s32 $0x9;
	_ =	strace $0x80000051  }
0xb3: {  	_ =	swait.ge [sflag:s29], $0x1  }
0xb4: {  	[sflag:s29] =	ssyncadd.s32 $0xFFFFFFFF  }
0xb5: {  	_ =	strace $0x90000051  }
0xb6: {  	_ =	sfence  }
0xb7: {  	s30 =	sld [smem:$0x0];
	_ =	sdelay $0x2  }
0xb8: {  	s31 =	sshll.u32 s1, $0xD;
	s1 =	sshrl.u32 s1, $0x2  }
0xb9: {  	s3 =	sand.u32 $0x4000, s31;
	s1 =	sadd.s32 s1, s30  }
0xba: {  	s0 =	sor.u32 s3, s0;
	s1 =	sshll.u32 s1, $0x11  }
0xbb: {  	s0 =	sor.u32 s1, s0  }
0xbc: {  	s0 =	sadd.s32 $0x8F2B, s0  }
0xbd: {  	[sflag:s0] =	ssyncadd.remote.s32 $0x1  }
0xbe: {  	_ =	sfence.sel $0xFFFF  }
0xbf: {  	[dreg:$0x0] =	wrdreg $0xFFFFFFFF;
	(pc) =	sbr.abs _section_cstart, $3  }
0xc0: {  	[dreg:$0x1] =	wrdreg $0xFFFFFFFF  }
0xc1: {  	_ =	task.clear_ibuf [dreg:s6], $0x2FFFF;
	_ =	strace $0x9FFFFFFF  }
0xc2: {  	(tm) =	ssettm $0x7FFFFFFF  }
0xc3: {  	_ =	shalt  }
tec
execute0_lowered:
.L_overlay_start_1:
0x0: {  	(tag) =	ssettag $0x1  }
0x1: {  	s0 =	srdreg.scid;
	s1 =	rddreg [dreg:$0x0]  }
0x2: {  	s13 =	stileid.u32;
	s2 =	rddreg [dreg:$0x1];
	s15 =	simm.s32 $0x2800  }
0x3: {  	s16 =	simm.s32 $0x7D;
	s17 =	simm.s32 $0x5000;
	s19 =	simm.s32 $0x6F40  }
0x4: {  	s21 =	simm.s32 $0x8E80;
	s28 =	simm.s32 $0x5;
	s30 =	simm.s32 $0x3  }
0x5: {  	s18 =	simm.s32 $0x4;
	s29 =	simm.s32 $0x8;
	s31 =	simm.s32 $0x0  }
0x6: {  	s0 =	sand.u32 $0x1, s0;
	s7 =	smul.u32 $0x9C00, s13;
	s22 =	sshll.u32 s13, $0x6  }
0x7: {  	s14 =	sadd.s32 $0x9C000, s2;
	p0 =	sne.s32 s13, $0xF;
	s3 =	sshll.u32 s0, $0x4  }
0x8: {  	s6 =	ssub.s32 $0x2, s0;
	s0 =	smul.u32 $0x9C400, s0;
	s14 =	sshrl.u32 @!p0 s14, $0x3  }
0x9: {  	s4 =	sor.u32 s13, s3;
	s3 =	simm.s32 $0x0;
	s9 =	sshrl.u32 s6, $0x1  }
0xa: {  	s12 =	sadd.s32 s7, s2;
	s13 =	simm.s32 $0x9;
	s5 =	smul.u32 $0x500, s4  }
0xb: {  	[smem:$0x7FF] =	sst s3;
	s4 =	sadd.s32 $0x19000, s1;
	s11 =	ssub.s32 s6, s9  }
0xc: {  	s6 =	sor.u32 $0x1C09, s22;
	s23 =	sadd.s32 s7, s0;
	s0 =	sshrl.u32 s0, $0x3  }
0xd: {  	s12 =	sshrl.u32 s12, $0x3;
	s22 =	simm.s32 $0x1;
	_ =	strace $0x80000050  }
0xe: {  	s9 =	sshrl.u32 s23, $0x3;
	s11 =	smax.u32 s11, $0x1;
	s8 =	sadd.s32 s5, s1  }
.Ltmp0:
0xf: {  	s5 =	sadd.s32 $0x53C00, s1;
	s24 =	sadd.s32 $0xF000, s8;
	(pc) =	sbr.rel .LBB2_1-.Ltmp0, $4  }
0x10: {  	s1 =	sadd.s32 $0x55000, s1;
	s25 =	sadd.s32 $0x5000, s8;
	[dreg:$0x3] =	wrdreg s24  }
0x11: {  	s23 =	simm.s32 $0x7;
	s26 =	sadd.s32 s1, s9;
	[dreg:$0x4] =	wrdreg s25  }
0x12: {  	s0 =	sadd.s32 s1, s0;
	s1 =	simm.s32 $0x6;
	[dreg:$0x5] =	wrdreg s26  }
0x13: {  	s10 =	sadd.s32 $0x13800, s0;
	s24 =	simm.s32 $0xADC0;
	s25 =	simm.s32 $0x2  }
.LBB2_4:
0x14: {  	_ =	swait.ge [sflag:s28], $0x1F40  }
0x15: {  	[sflag:s28] =	ssyncset.done $0x0  }
0x16: {  	[sflag:s28] =	ssyncadd.s32 $0xFFFFE0C0  }
0x17: {  	_ =	swait.ge [sflag:s1], $0x1F40  }
0x18: {  	[sflag:s1] =	ssyncset.done $0x0  }
0x19: {  	[sflag:s1] =	ssyncadd.s32 $0xFFFFE0C0  }
0x1a: {  	_ =	swait.ge [sflag:s23], $0x1F40  }
0x1b: {  	[sflag:s23] =	ssyncset.done $0x0  }
0x1c: {  	[sflag:s23] =	ssyncadd.s32 $0xFFFFE0C0  }
0x1d: {  	_ =	swait.ge [sflag:s29], $0x1F40  }
0x1e: {  	[sflag:s29] =	ssyncset.done $0x0  }
0x1f: {  	[sflag:s29] =	ssyncadd.s32 $0xFFFFE0C0  }
0x20: {  	[bflag:$0x0] =	sbarrier.arrive $0xFFFF  }
0x21: {  	s0 =	rddreg [dreg:$0x5]  }
0x22: {  	[hbm:s0], [sflag:s6] =	dma.local [spmem:s12], $0x1380  }
0x23: {  	s31 =	sadd.s32 $0x1, s31;
	_ =	swait.ge [sflag:s13], $0x1380  }
0x24: {  	p1 =	sne.s32 s31, s11;
	[sflag:s13] =	ssyncset.done $0x0  }
.Ltmp1:
0x25: {  	s0 =	simm.s32 @!p0 $0x9;
	[sflag:s13] =	ssyncadd.s32 $0xFFFFEC80;
	(pc) =	sbr.rel @!p1 .LBB2_5-.Ltmp1, $4  }
0x26: {  	[hbm:s10], [sflag:s6] =	dma.local @!p0 [spmem:s14], $0x80  }
0x27: {  	_ =	swait.ge @!p0 [sflag:s0], $0x80  }
0x28: {  	[sflag:s0] =	ssyncset.done @!p0 $0x0  }
0x29: {  	[sflag:s0] =	ssyncadd.s32 @!p0 $0xFFFFFF80  }
.LBB2_1:
0x2a: {  	[spmem:s12], [sflag:s6] =	dma.local [hbm:s5], $0x1380  }
0x2b: {  	_ =	swait.ge [sflag:s13], $0x1380  }
0x2c: {  	[sflag:s13] =	ssyncset.done $0x0  }
0x2d: {  	s0 =	simm.s32 @!p0 $0x9;
	[sflag:s13] =	ssyncadd.s32 $0xFFFFEC80  }
0x2e: {  	[spmem:s14], [sflag:s6] =	dma.local @!p0 [hbm:s5], $0x80  }
0x2f: {  	_ =	swait.ge @!p0 [sflag:s0], $0x80  }
0x30: {  	[sflag:s0] =	ssyncset.done @!p0 $0x0  }
0x31: {  	s26 =	rddreg [dreg:$0x3];
	[sflag:s0] =	ssyncadd.s32 @!p0 $0xFFFFFF80  }
0x32: {  	[tilespmem:s3], [sflag:$0x9] =	stream.linear.gather [hbm4b:s26+s3], $0x2800, $0x38;
	[tilespmem:$0x16940] =	vst v63  }
0x33: {  	_ =	swait.ge [sflag:s13], $0x2800  }
0x34: {  	[sflag:s13] =	ssyncset.done $0x0  }
0x35: {  	s7 =	rddreg [dreg:$0x4];
	[sflag:s13] =	ssyncadd.s32 $0xFFFFD800  }
0x36: {  	[tilespmem:s15], [sflag:$0x9] =	stream.linear.gather [hbm4b:s7+s3], $0x2800, $0x38;
	[tilespmem:$0x16940] =	vst v63  }
0x37: {  	_ =	swait.ge [sflag:s13], $0x2800  }
0x38: {  	[sflag:s13] =	ssyncset.done $0x0  }
0x39: {  	[sflag:s13] =	ssyncadd.s32 $0xFFFFD800  }
0x3a: {  	[bflag:$0x0] =	sbarrier.arrive $0xFFFF  }
0x3b: {  	[tilespmem:s17], [sflag:$0x1] =	stream.indirect.gather [hbm4b:s4+s16], $0x40, s3, s16, $0xb8;
	[tilespmem:$0x16940] =	vst v63  }
0x3c: {  	s8 =	simm.s32 $0x80  }
0x3d: {  	[tilespmem:s19], [sflag:$0x2] =	stream.indirect.gather [hbm4b:s4+s16], $0x40, s8, s16, $0xb8;
	[tilespmem:$0x16940] =	vst v63  }
0x3e: {  	s9 =	simm.s32 $0x100  }
0x3f: {  	[tilespmem:s21], [sflag:$0x3] =	stream.indirect.gather [hbm4b:s4+s16], $0x40, s9, s16, $0xb8;
	[tilespmem:$0x16940] =	vst v63  }
0x40: {  	_ =	swait.ge [sflag:s22], $0x1F40  }
0x41: {  	[sflag:s22] =	ssyncset.done $0x0  }
0x42: {  	[sflag:s22] =	ssyncadd.s32 $0xFFFFE0C0  }
0x43: {  	[spmem:s2] =	stream.indirect.scatter.add.f32 [tilespmem:s17], [sflag:$0x5], $0x40, s15, s16, $0xb8;
	[tilespmem:$0x16940] =	vst v63  }
0x44: {  	s20 =	simm.s32 $0x180  }
0x45: {  	[tilespmem:s24], [sflag:$0x4] =	stream.indirect.gather [hbm4b:s4+s16], $0x40, s20, s16, $0xb8;
	[tilespmem:$0x16940] =	vst v63  }
0x46: {  	_ =	swait.ge [sflag:s25], $0x1F40  }
0x47: {  	[sflag:s25] =	ssyncset.done $0x0  }
0x48: {  	s26 =	simm.s32 $0x2880;
	[sflag:s25] =	ssyncadd.s32 $0xFFFFE0C0  }
0x49: {  	[spmem:s2] =	stream.indirect.scatter.add.f32 [tilespmem:s19], [sflag:$0x6], $0x40, s26, s16, $0xb8;
	[tilespmem:$0x16940] =	vst v63  }
0x4a: {  	_ =	swait.ge [sflag:s28], $0x1F40  }
0x4b: {  	[sflag:s28] =	ssyncset.done $0x0  }
0x4c: {  	s7 =	simm.s32 $0x200;
	[sflag:s28] =	ssyncadd.s32 $0xFFFFE0C0  }
0x4d: {  	[tilespmem:s17], [sflag:$0x1] =	stream.indirect.gather [hbm4b:s4+s16], $0x40, s7, s16, $0xb8;
	[tilespmem:$0x16940] =	vst v63  }
0x4e: {  	_ =	swait.ge [sflag:s30], $0x1F40  }
0x4f: {  	[sflag:s30] =	ssyncset.done $0x0  }
0x50: {  	s8 =	simm.s32 $0x2900;
	[sflag:s30] =	ssyncadd.s32 $0xFFFFE0C0  }
0x51: {  	[spmem:s2] =	stream.indirect.scatter.add.f32 [tilespmem:s21], [sflag:$0x7], $0x40, s8, s16, $0xb8;
	[tilespmem:$0x16940] =	vst v63  }
0x52: {  	_ =	swait.ge [sflag:s1], $0x1F40  }
0x53: {  	[sflag:s1] =	ssyncset.done $0x0  }
0x54: {  	s9 =	simm.s32 $0x280;
	[sflag:s1] =	ssyncadd.s32 $0xFFFFE0C0  }
0x55: {  	[tilespmem:s19], [sflag:$0x2] =	stream.indirect.gather [hbm4b:s4+s16], $0x40, s9, s16, $0xb8;
	[tilespmem:$0x16940] =	vst v63  }
0x56: {  	_ =	swait.ge [sflag:s18], $0x1F40  }
0x57: {  	[sflag:s18] =	ssyncset.done $0x0  }
0x58: {  	s20 =	simm.s32 $0x2980;
	[sflag:s18] =	ssyncadd.s32 $0xFFFFE0C0  }
0x59: {  	[spmem:s2] =	stream.indirect.scatter.add.f32 [tilespmem:s24], [sflag:$0x8], $0x40, s20, s16, $0xb8;
	[tilespmem:$0x16940] =	vst v63  }
0x5a: {  	_ =	swait.ge [sflag:s23], $0x1F40  }
0x5b: {  	[sflag:s23] =	ssyncset.done $0x0  }
0x5c: {  	s0 =	simm.s32 $0x0;
	s26 =	simm.s32 $0x300;
	[sflag:s23] =	ssyncadd.s32 $0xFFFFE0C0  }
0x5d: {  	[tilespmem:s21], [sflag:$0x3] =	stream.indirect.gather [hbm4b:s4+s16], $0x40, s26, s16, $0xb8;
	[tilespmem:$0x16940] =	vst v63  }
.LBB2_2:
0x5e: {  	_ =	swait.ge [sflag:s22], $0x1F40  }
0x5f: {  	s20 =	sshra.s32 s0, $0x2;
	[sflag:s22] =	ssyncset.done $0x0  }
0x60: {  	s26 =	sadd.s32 $0x2A00, s20;
	[sflag:s22] =	ssyncadd.s32 $0xFFFFE0C0  }
0x61: {  	[spmem:s2] =	stream.indirect.scatter.add.f32 [tilespmem:s17], [sflag:$0x5], $0x40, s26, s16, $0xb8;
	[tilespmem:$0x16940] =	vst v63  }
0x62: {  	_ =	swait.ge [sflag:s29], $0x1F40  }
0x63: {  	[sflag:s29] =	ssyncset.done $0x0  }
0x64: {  	s8 =	sadd.s32 $0x380, s20;
	[sflag:s29] =	ssyncadd.s32 $0xFFFFE0C0  }
0x65: {  	[tilespmem:s24], [sflag:$0x4] =	stream.indirect.gather [hbm4b:s4+s16], $0x40, s8, s16, $0xb8;
	[tilespmem:$0x16940] =	vst v63  }
0x66: {  	_ =	swait.ge [sflag:s25], $0x1F40  }
0x67: {  	p1 =	seq.s32 s0, $0x9000;
	[sflag:s25] =	ssyncset.done $0x0  }
0x68: {  	s9 =	sadd.s32 $0x2A80, s20;
	s26 =	simm.s32 @p1 $0x3;
	[sflag:s25] =	ssyncadd.s32 $0xFFFFE0C0  }
0x69: {  	[spmem:s2] =	stream.indirect.scatter.add.f32 [tilespmem:s19], [sflag:$0x6], $0x40, s9, s16, $0xb8;
	[tilespmem:$0x16940] =	vst v63  }
0x6a: {  	_ =	swait.ge @p1 [sflag:s26], $0x1F40  }
0x6b: {  	[sflag:s26] =	ssyncset.done @p1 $0x0  }
0x6c: {  	[sflag:s26] =	ssyncadd.s32 @p1 $0xFFFFE0C0;
	s26 =	sshra.s32 @p1 s0, $0x2  }
0x6d: {  	s7 =	simm.s32 @p1 $0x7D;
	s8 =	simm.s32 @p1 $0x8E80;
	s26 =	sadd.s32 @p1 $0x2B00, s26  }
0x6e: {  	[spmem:s2] =	stream.indirect.scatter.add.f32 @p1 [tilespmem:s8], [sflag:$0x7], $0x40, s26, s7, $0xb8;
	[tilespmem:$0x16940] =	vst v63  }
0x6f: {  	s7 =	simm.s32 @!p1 $0x5  }
0x70: {  	_ =	swait.ge @!p1 [sflag:s7], $0x1F40  }
0x71: {  	[sflag:s7] =	ssyncset.done @!p1 $0x0  }
0x72: {  	[sflag:s7] =	ssyncadd.s32 @!p1 $0xFFFFE0C0;
	s7 =	sshra.s32 @!p1 s0, $0x2  }
0x73: {  	s9 =	simm.s32 @!p1 $0x5000;
	s26 =	simm.s32 @!p1 $0x7D;
	s8 =	sadd.s32 @!p1 $0x400, s7  }
0x74: {  	[tilespmem:s9], [sflag:$0x1] =	stream.indirect.gather @!p1 [hbm4b:s4+s26], $0x40, s8, s26, $0xb8;
	[tilespmem:$0x16940] =	vst v63  }
0x75: {  	s8 =	simm.s32 @!p1 $0x3  }
0x76: {  	_ =	swait.ge @!p1 [sflag:s8], $0x1F40  }
0x77: {  	[sflag:s8] =	ssyncset.done @!p1 $0x0  }
0x78: {  	s9 =	simm.s32 @!p1 $0x8E80;
	[sflag:s8] =	ssyncadd.s32 @!p1 $0xFFFFE0C0;
	s8 =	sadd.s32 @!p1 $0x2B00, s7  }
0x79: {  	[spmem:s2] =	stream.indirect.scatter.add.f32 @!p1 [tilespmem:s9], [sflag:$0x7], $0x40, s8, s26, $0xb8;
	[tilespmem:$0x16940] =	vst v63  }
0x7a: {  	s8 =	simm.s32 @!p1 $0x6  }
0x7b: {  	_ =	swait.ge @!p1 [sflag:s8], $0x1F40  }
0x7c: {  	[sflag:s8] =	ssyncset.done @!p1 $0x0  }
0x7d: {  	s7 =	sadd.s32 @!p1 $0x480, s7;
	[sflag:s8] =	ssyncadd.s32 @!p1 $0xFFFFE0C0;
	s8 =	simm.s32 @!p1 $0x6F40  }
0x7e: {  	[tilespmem:s8], [sflag:$0x2] =	stream.indirect.gather @!p1 [hbm4b:s4+s26], $0x40, s7, s26, $0xb8;
	[tilespmem:$0x16940] =	vst v63  }
.Ltmp2:
0x7f: {  	_ = 	snop;
	(pc) =	sbr.rel @p1 .LBB2_4-.Ltmp2, $4  }
0x80: {  	_ =	swait.ge [sflag:s18], $0x1F40  }
0x81: {  	[sflag:s18] =	ssyncset.done $0x0  }
0x82: {  	s26 =	sadd.s32 $0x2B80, s20;
	[sflag:s18] =	ssyncadd.s32 $0xFFFFE0C0  }
0x83: {  	[spmem:s2] =	stream.indirect.scatter.add.f32 [tilespmem:s24], [sflag:$0x8], $0x40, s26, s16, $0xb8;
	[tilespmem:$0x16940] =	vst v63  }
.Ltmp3:
0x84: {  	(pc) =	sbr.rel .LBB2_2-.Ltmp3, $4  }
0x85: {  	_ =	swait.ge [sflag:s23], $0x1F40  }
0x86: {  	[sflag:s23] =	ssyncset.done $0x0  }
0x87: {  	s7 =	sadd.s32 $0x500, s20;
	s0 =	sadd.s32 $0x800, s0;
	[sflag:s23] =	ssyncadd.s32 $0xFFFFE0C0  }
0x88: {  	[tilespmem:s21], [sflag:$0x3] =	stream.indirect.gather [hbm4b:s4+s16], $0x40, s7, s16, $0xb8;
	[tilespmem:$0x16940] =	vst v63  }
.LBB2_5:
0x89: {  	_ =	sfence.sel $0x180000  }
0x8a: {  	[bflag:$0x0] =	sbarrier.arrive $0xFFFF  }
0x8b: {  	_ =	strace $0x90000050  }
0x8c: {  	s0 =	stileid.u32;
	[bflag:$0x2] =	sbarrier.arrive $0xFFFF  }
0x8d: {  	p0 =	sne.s32 s0, $0x0;
	s0 =	rddreg [dreg:$0x2]  }
0x8e: {  	s0 =	sadd.s32 @!p0 $0x100000, s0  }
0x8f: {  	[sflag:s0] =	ssyncadd.tile.s32 @!p0 $0x1;
	_ =	shalt  }
.Lfunc_end2:
_tile_overlayer_lowered:
.L_overlay_start_2:
0x90: {  	(tag) =	ssettag $0x2  }
0x91: {  	s0 =	rddreg [dreg:$0x0];
	s2 =	stileid.u32  }
0x92: {  	s1 =	rddreg [dreg:$0x1];
	p0 =	sne.s32 s2, $0x0  }
0x93: {  	s3 =	rddreg [dreg:$0x2];
	[bflag:$0x3] =	sbarrier.arrive $0xFFFF;
	s2 =	simm.s32 @!p0 $0x1C09  }
0x94: {  	[timem:s3], [sflag:s2] =	dma.local @!p0 [hbm:s0], s1  }
0x95: {  	s0 =	simm.s32 @!p0 $0x9  }
0x96: {  	_ =	swait.ge @!p0 [sflag:s0], s1  }
0x97: {  	s1 =	ssub.s32 @!p0 $0x0, s1;
	[sflag:s0] =	ssyncset.done @!p0 $0x0  }
0x98: {  	[sflag:s0] =	ssyncadd.s32 @!p0 s1  }
0x99: {  	[bflag:$0x3] =	sbarrier.arrive $0xFFFF  }
0x9a: {  	_ =	shalt  }

</sc_bundles>
